<compile_context>
chip_gen: v7x
topology: tpu7x:2x2x1
jax: 0.10.2.dev20260603
libtpu: 0.0.44.dev20260713+nightly
codegen_flags: <defaults>
</compile_context>

<pallas_src>
import functools

import jax
import jax.numpy as jnp
from jax import lax
from jax.experimental import pallas as pl
from jax.experimental.pallas import tpu as pltpu
from jax.experimental.pallas import tpu_sc as plsc

EMBED = 256
HEADS = 8
HD = EMBED // HEADS
POINTS = 4
NQ = 900
H = 200
W = 200
NV = H * W
FFN_DIM = 512

NWORK = 32
NROWS = NQ * HEADS
RPW = NROWS // NWORK
G = 4 * POINTS
NCH = 3
CR = RPW // NCH


def _ln(x, g, b):
    m = x.mean(-1, keepdims=True)
    v = ((x - m) ** 2).mean(-1, keepdims=True)
    return (x - m) / jnp.sqrt(v + 1e-5) * g + b


def _softmax(x):
    m = x.max(-1, keepdims=True)
    e = jnp.exp(x - m)
    return e / e.sum(-1, keepdims=True)


def _vproj_body(v_ref, w_ref, b_ref, o_ref):
    v = v_ref[...].reshape(v_ref.shape[0], EMBED)
    o_ref[...] = (jnp.dot(v, w_ref[...], preferred_element_type=jnp.float32)
                  + b_ref[...])


def _dense1_body(x_ref, pos_ref, ref2_ref, wq_ref, bq_ref, wk_ref, bk_ref,
                 wv_ref, bv_ref, wo_ref, bo_ref, g1_ref, b1_ref,
                 wox_ref, box_ref, woy_ref, boy_ref, wa_ref, ba_ref,
                 x1_ref, idx_ref, wts_ref):
    x = x_ref[...]
    pos = pos_ref[...]
    t1 = x + pos
    scale = 1.0 / jnp.sqrt(jnp.float32(HD))
    qh = (jnp.dot(t1, wq_ref[...], preferred_element_type=jnp.float32)
          + bq_ref[...]) * scale
    kh = jnp.dot(t1, wk_ref[...], preferred_element_type=jnp.float32) + bk_ref[...]
    vh = jnp.dot(x, wv_ref[...], preferred_element_type=jnp.float32) + bv_ref[...]
    ohs = []
    for h in range(HEADS):
        s = slice(h * HD, (h + 1) * HD)
        logits = lax.dot_general(qh[:, s], kh[:, s], (((1,), (1,)), ((), ())),
                                 preferred_element_type=jnp.float32)
        e = jnp.exp(logits)
        r = 1.0 / e.sum(-1, keepdims=True)
        ohs.append(jnp.dot(e, vh[:, s], preferred_element_type=jnp.float32) * r)
    o = jnp.concatenate(ohs, axis=1)
    o = jnp.dot(o, wo_ref[...], preferred_element_type=jnp.float32) + bo_ref[...]
    x1 = _ln(x + o, g1_ref[...], b1_ref[...])
    x1_ref[...] = x1

    qc = x1 + pos
    offx = jnp.dot(qc, wox_ref[...], preferred_element_type=jnp.float32) + box_ref[...]
    offy = jnp.dot(qc, woy_ref[...], preferred_element_type=jnp.float32) + boy_ref[...]
    la = jnp.dot(qc, wa_ref[...], preferred_element_type=jnp.float32) + ba_ref[...]
    aws = []
    for h in range(HEADS):
        aws.append(_softmax(la[:, h * POINTS:(h + 1) * POINTS]))
    aw = jnp.concatenate(aws, axis=1)

    refx = ref2_ref[:, 0:1]
    refy = ref2_ref[:, 1:2]
    px = (refx + offx / jnp.float32(W)) * jnp.float32(W) - 0.5
    py = (refy + offy / jnp.float32(H)) * jnp.float32(H) - 0.5
    x0 = jnp.floor(px)
    y0 = jnp.floor(py)
    dx = px - x0
    dy = py - y0
    hcol = lax.broadcasted_iota(jnp.int32, (NQ, HEADS * POINTS), 1) // POINTS
    corners = [(x0, y0, (1 - dx) * (1 - dy)),
               (x0 + 1, y0, dx * (1 - dy)),
               (x0, y0 + 1, (1 - dx) * dy),
               (x0 + 1, y0 + 1, dx * dy)]
    for c, (xi, yi, wc) in enumerate(corners):
        valid = ((xi >= 0) & (xi < W) & (yi >= 0) & (yi < H)).astype(jnp.float32)
        xc = jnp.clip(xi, 0, W - 1).astype(jnp.int32)
        yc = jnp.clip(yi, 0, H - 1).astype(jnp.int32)
        lin = yc * W + xc
        idx_ref[c] = lin * HEADS + hcol
        wts_ref[c] = wc * valid * aw


def _dense2_body(s_ref, x1_ref, wo_ref, bo_ref, g2_ref, b2_ref,
                 w1_ref, b1_ref, w2_ref, b2f_ref, g3_ref, b3_ref, out_ref):
    samp = s_ref[...].reshape(NQ, EMBED)
    y = (jnp.dot(samp, wo_ref[...], preferred_element_type=jnp.float32)
         + bo_ref[...] + x1_ref[...])
    y = _ln(y, g2_ref[...], b2_ref[...])
    z = jnp.maximum(jnp.dot(y, w1_ref[...], preferred_element_type=jnp.float32)
                    + b1_ref[...], 0.0)
    z = jnp.dot(z, w2_ref[...], preferred_element_type=jnp.float32) + b2f_ref[...]
    out_ref[...] = _ln(y + z, g3_ref[...], b3_ref[...])


def _sc_body(val_hbm, idx_hbm, wts_hbm, out_hbm, idx_v, wts_v, rows0, rows1,
             out_v, sem0, sem1):
    wid = lax.axis_index("s") * 2 + lax.axis_index("c")
    base = pl.multiple_of(wid * (RPW * G), 8)
    pltpu.sync_copy(idx_hbm.at[pl.ds(base, RPW * G)], idx_v)
    pltpu.sync_copy(wts_hbm.at[pl.ds(base, RPW * G)], wts_v)
    rows = [rows0, rows1]
    sems = [sem0, sem1]
    desc = pltpu.async_copy(val_hbm.at[idx_v.at[pl.ds(0, CR * G)]], rows0, sem0)
    for ch in range(NCH):
        rows_v = rows[ch % 2]
        desc.wait()
        if ch + 1 < NCH:
            desc = pltpu.async_copy(
                val_hbm.at[idx_v.at[pl.ds((ch + 1) * CR * G, CR * G)]],
                rows[(ch + 1) % 2], sems[(ch + 1) % 2])

        def row_body(r, _):
            o = pl.multiple_of((ch * CR + r) * HD, 8)
            acc0 = jnp.zeros((16,), jnp.float32)
            acc1 = jnp.zeros((16,), jnp.float32)
            for j in range(G):
                gidx = jnp.full((16,), ch * (CR * G) + r * G + j, jnp.int32)
                wv = plsc.load_gather(wts_v, [gidx])
                acc0 = acc0 + wv * rows_v[r * G + j, pl.ds(0, 16)]
                acc1 = acc1 + wv * rows_v[r * G + j, pl.ds(16, 16)]
            out_v[pl.ds(o, 16)] = acc0
            out_v[pl.ds(o + 16, 16)] = acc1
            return 0

        lax.fori_loop(0, CR, row_body, 0)
    obase = pl.multiple_of(wid * (RPW * HD), 8)
    pltpu.sync_copy(out_v, out_hbm.at[pl.ds(obase, RPW * HD)])


def _sc_sample(val_rows, idx, wts):
    mesh = plsc.VectorSubcoreMesh(core_axis_name="c", subcore_axis_name="s")
    run = functools.partial(
        pl.kernel,
        out_type=jax.ShapeDtypeStruct((NROWS * HD,), jnp.float32),
        mesh=mesh,
        compiler_params=pltpu.CompilerParams(needs_layout_passes=False,
                                             use_tc_tiling_on_sc=False),
        scratch_types=[
            pltpu.VMEM((RPW * G,), jnp.int32),
            pltpu.VMEM((RPW * G,), jnp.float32),
            pltpu.VMEM((CR * G, HD), jnp.float32),
            pltpu.VMEM((CR * G, HD), jnp.float32),
            pltpu.VMEM((RPW * HD,), jnp.float32),
            pltpu.SemaphoreType.DMA,
            pltpu.SemaphoreType.DMA,
        ],
    )(_sc_body)
    return run(val_rows, idx, wts)


def kernel(query, reference_points, value, spatial_shapes, level_start_index,
           query_pos, wq, bq, wk, bk, wv, bv, wo, bo, ln1_g, ln1_b,
           w_off, b_off, w_attw, b_attw, w_valp, b_valp, w_outp, b_outp,
           ln2_g, ln2_b, w_ffn1, b_ffn1, w_ffn2, b_ffn2, ln3_g, ln3_b):
    x = query.reshape(NQ, EMBED)
    pos = query_pos.reshape(NQ, EMBED)
    ref2 = reference_points.reshape(NQ, 2)

    row = lambda a: a.reshape(1, -1)
    w_offx, w_offy = w_off[:, 0::2], w_off[:, 1::2]
    b_offx, b_offy = b_off[0::2], b_off[1::2]

    BR = 4000
    val = pl.pallas_call(
        _vproj_body,
        grid=(NV // BR,),
        in_specs=[
            pl.BlockSpec((BR, 1, EMBED), lambda i: (i, 0, 0)),
            pl.BlockSpec((EMBED, EMBED), lambda i: (0, 0)),
            pl.BlockSpec((1, EMBED), lambda i: (0, 0)),
        ],
        out_specs=pl.BlockSpec((BR, EMBED), lambda i: (i, 0)),
        out_shape=jax.ShapeDtypeStruct((NV, EMBED), jnp.float32),
    )(value, w_valp, row(b_valp))

    x1, idxs, wtss = pl.pallas_call(
        _dense1_body,
        out_shape=[
            jax.ShapeDtypeStruct((NQ, EMBED), jnp.float32),
            jax.ShapeDtypeStruct((4, NQ, HEADS * POINTS), jnp.int32),
            jax.ShapeDtypeStruct((4, NQ, HEADS * POINTS), jnp.float32),
        ],
    )(x, pos, ref2, wq, row(bq), wk, row(bk), wv, row(bv), wo, row(bo),
      row(ln1_g), row(ln1_b), w_offx, row(b_offx), w_offy, row(b_offy),
      w_attw, row(b_attw))

    idx = jnp.transpose(idxs, (1, 2, 0)).reshape(NROWS * G)
    wts = jnp.transpose(wtss, (1, 2, 0)).reshape(NROWS * G)
    val_rows = val.reshape(NV * HEADS, HD)

    samp = _sc_sample(val_rows, idx, wts)

    out = pl.pallas_call(
        _dense2_body,
        out_shape=jax.ShapeDtypeStruct((NQ, EMBED), jnp.float32),
    )(samp, x1, w_outp, row(b_outp), row(ln2_g), row(ln2_b),
      w_ffn1, row(b_ffn1), w_ffn2, row(b_ffn2), row(ln3_g), row(ln3_b))

    return out.reshape(NQ, 1, EMBED)

# --- scband reference (transcript-rebuilt; emitter-appended) ---
"""Pipeline reference for scband-bevformer-decoder-58317065945165 (READ-ONLY COPY).

The authoritative reference and input builder live on the scoring server;
editing this copy changes nothing except your own understanding.
"""

import jax, jax.numpy as jnp
import numpy as np

EMBED = 256
HEADS = 8
HD = EMBED // HEADS
LEVELS = 1
POINTS = 4
NQ = 900
BS = 1
H = 200
W = 200
FFN_DIM = 512

def layer_norm(x, g, b, eps=1e-5):
    m = x.mean(-1, keepdims=True)
    v = ((x - m) ** 2).mean(-1, keepdims=True)
    return (x - m) / jnp.sqrt(v + eps) * g + b

def mha(q, k, v, wq, bq, wk, bk, wv, bv, wo, bo):
    bs, nq, d = q.shape
    qh = (q @ wq + bq).reshape(bs, nq, HEADS, HD).transpose(0, 2, 1, 3)
    kh = (k @ wk + bk).reshape(bs, -1, HEADS, HD).transpose(0, 2, 1, 3)
    vh = (v @ wv + bv).reshape(bs, -1, HEADS, HD).transpose(0, 2, 1, 3)
    att = jax.nn.softmax(jnp.einsum('bhqd,bhkd->bhqk', qh, kh) / jnp.sqrt(float(HD)), axis=-1)
    o = jnp.einsum('bhqk,bhkd->bhqd', att, vh).transpose(0, 2, 1, 3).reshape(bs, nq, d)
    return o @ wo + bo

def bilinear_sample(value_l, loc, Hl, Wl):
    bs, nq, nh, npnt, _ = loc.shape
    hd = value_l.shape[-1]
    x = loc[..., 0] * Wl - 0.5
    y = loc[..., 1] * Hl - 0.5
    x0 = jnp.floor(x)
    y0 = jnp.floor(y)
    dx = x - x0
    dy = y - y0
    flat = value_l.reshape(bs, Hl * Wl, nh, hd).transpose(0, 2, 1, 3)
    def gather(xi, yi, w):
        valid = ((xi >= 0) & (xi < Wl) & (yi >= 0) & (yi < Hl)).astype(value_l.dtype)
        xi_c = jnp.clip(xi, 0, Wl - 1).astype(jnp.int32)
        yi_c = jnp.clip(yi, 0, Hl - 1).astype(jnp.int32)
        lin = yi_c * Wl + xi_c
        idx = lin.transpose(0, 2, 1, 3).reshape(bs, nh, nq * npnt, 1)
        g = jnp.take_along_axis(flat, idx, axis=2)
        g = g.reshape(bs, nh, nq, npnt, hd).transpose(0, 2, 1, 3, 4)
        return g * (w * valid)[..., None]
    out = gather(x0, y0, (1 - dx) * (1 - dy))
    out = out + gather(x0 + 1, y0, dx * (1 - dy))
    out = out + gather(x0, y0 + 1, (1 - dx) * dy)
    out = out + gather(x0 + 1, y0 + 1, dx * dy)
    return out

def msda(value, spatial_shapes, level_start_index, sampling_locations, attention_weights):
    bs, nv, nh, hd = value.shape
    nlev = sampling_locations.shape[3]
    static_shapes = [(H, W)]
    outs = []
    for l in range(nlev):
        Hl, Wl = static_shapes[l]
        start = level_start_index[l]
        vl = jax.lax.dynamic_slice_in_dim(value, start, Hl * Wl, axis=1).reshape(bs, Hl, Wl, nh, hd)
        outs.append(bilinear_sample(vl, sampling_locations[:, :, :, l], Hl, Wl))
    sampled = jnp.stack(outs, axis=3)
    out = (sampled * attention_weights[..., None]).sum(axis=(3, 4))
    return out.reshape(bs, -1, nh * hd)

def _forward(floats, spatial_shapes, level_start_index):
    (query, reference_points, value, query_pos, wq, bq, wk, bk, wv, bv, wo, bo,
     ln1_g, ln1_b, w_off, b_off, w_attw, b_attw, w_valp, b_valp, w_outp, b_outp,
     ln2_g, ln2_b, w_ffn1, b_ffn1, w_ffn2, b_ffn2, ln3_g, ln3_b) = floats
    x = query
    q = (x + query_pos).transpose(1, 0, 2)
    v = x.transpose(1, 0, 2)
    attn = mha(q, q, v, wq, bq, wk, bk, wv, bv, wo, bo)
    x = x + attn.transpose(1, 0, 2)
    x = layer_norm(x, ln1_g, ln1_b)
    identity = x
    qc = (x + query_pos).transpose(1, 0, 2)
    val = value.transpose(1, 0, 2) @ w_valp + b_valp
    bs, nv, _ = val.shape
    val = val.reshape(bs, nv, HEADS, HD)
    nq = qc.shape[1]
    off = (qc @ w_off + b_off).reshape(bs, nq, HEADS, LEVELS, POINTS, 2)
    aw = (qc @ w_attw + b_attw).reshape(bs, nq, HEADS, LEVELS * POINTS)
    aw = jax.nn.softmax(aw, axis=-1).reshape(bs, nq, HEADS, LEVELS, POINTS)
    norm = jnp.stack([spatial_shapes[:, 1], spatial_shapes[:, 0]], -1).astype(jnp.float32)
    loc = reference_points[:, :, None, :, None, :] + off / norm[None, None, None, :, None, :]
    out = msda(val, spatial_shapes, level_start_index, loc, aw)
    out = out @ w_outp + b_outp
    x = out.transpose(1, 0, 2) + identity
    x = layer_norm(x, ln2_g, ln2_b)
    y = jax.nn.relu(x @ w_ffn1 + b_ffn1) @ w_ffn2 + b_ffn2
    x = layer_norm(x + y, ln3_g, ln3_b)
    return x

FLOAT_NAMES = ['query', 'reference_points', 'value', 'query_pos', 'wq', 'bq', 'wk', 'bk', 'wv', 'bv', 'wo', 'bo', 'ln1_g', 'ln1_b', 'w_off', 'b_off', 'w_attw', 'b_attw', 'w_valp', 'b_valp', 'w_outp', 'b_outp', 'ln2_g', 'ln2_b', 'w_ffn1', 'b_ffn1', 'w_ffn2', 'b_ffn2', 'ln3_g', 'ln3_b']

def setup_inputs(seed=0):
    key = jax.random.key(seed)
    ks = jax.random.split(key, 24)
    def wmat(k, shape, s=0.02):
        return jax.random.normal(k, shape, dtype=jnp.float32) * s
    inp = {}
    inp['query'] = jax.random.normal(ks[0], (NQ, BS, EMBED), dtype=jnp.float32)
    inp['reference_points'] = jax.random.uniform(ks[1], (BS, NQ, LEVELS, 2), dtype=jnp.float32)
    inp['value'] = jax.random.normal(ks[2], (H * W, BS, EMBED), dtype=jnp.float32)
    inp['spatial_shapes'] = jnp.array([[H, W]], dtype=jnp.int32)
    inp['level_start_index'] = jnp.array([0], dtype=jnp.int32)
    inp['query_pos'] = jax.random.normal(ks[3], (NQ, BS, EMBED), dtype=jnp.float32)
    inp['wq'] = wmat(ks[4], (EMBED, EMBED)); inp['bq'] = jnp.zeros((EMBED,), jnp.float32)
    inp['wk'] = wmat(ks[5], (EMBED, EMBED)); inp['bk'] = jnp.zeros((EMBED,), jnp.float32)
    inp['wv'] = wmat(ks[6], (EMBED, EMBED)); inp['bv'] = jnp.zeros((EMBED,), jnp.float32)
    inp['wo'] = wmat(ks[7], (EMBED, EMBED)); inp['bo'] = jnp.zeros((EMBED,), jnp.float32)
    inp['ln1_g'] = jnp.ones((EMBED,), jnp.float32); inp['ln1_b'] = jnp.zeros((EMBED,), jnp.float32)
    inp['w_off'] = wmat(ks[8], (EMBED, HEADS * LEVELS * POINTS * 2), 0.001)
    inp['b_off'] = wmat(ks[9], (HEADS * LEVELS * POINTS * 2,), 2.0)
    inp['w_attw'] = wmat(ks[10], (EMBED, HEADS * LEVELS * POINTS))
    inp['b_attw'] = jnp.zeros((HEADS * LEVELS * POINTS,), jnp.float32)
    inp['w_valp'] = wmat(ks[11], (EMBED, EMBED)); inp['b_valp'] = jnp.zeros((EMBED,), jnp.float32)
    inp['w_outp'] = wmat(ks[12], (EMBED, EMBED)); inp['b_outp'] = jnp.zeros((EMBED,), jnp.float32)
    inp['ln2_g'] = jnp.ones((EMBED,), jnp.float32); inp['ln2_b'] = jnp.zeros((EMBED,), jnp.float32)
    inp['w_ffn1'] = wmat(ks[13], (EMBED, FFN_DIM)); inp['b_ffn1'] = jnp.zeros((FFN_DIM,), jnp.float32)
    inp['w_ffn2'] = wmat(ks[14], (FFN_DIM, EMBED)); inp['b_ffn2'] = jnp.zeros((EMBED,), jnp.float32)
    inp['ln3_g'] = jnp.ones((EMBED,), jnp.float32); inp['ln3_b'] = jnp.zeros((EMBED,), jnp.float32)
    return inp

def reference(query, reference_points, value, spatial_shapes, level_start_index, query_pos,
              wq, bq, wk, bk, wv, bv, wo, bo, ln1_g, ln1_b, w_off, b_off, w_attw, b_attw,
              w_valp, b_valp, w_outp, b_outp, ln2_g, ln2_b, w_ffn1, b_ffn1, w_ffn2, b_ffn2,
              ln3_g, ln3_b):
    kw = dict(query=query, reference_points=reference_points, value=value, query_pos=query_pos,
              wq=wq, bq=bq, wk=wk, bk=bk, wv=wv, bv=bv, wo=wo, bo=bo,
              ln1_g=ln1_g, ln1_b=ln1_b, w_off=w_off, b_off=b_off, w_attw=w_attw, b_attw=b_attw,
              w_valp=w_valp, b_valp=b_valp, w_outp=w_outp, b_outp=b_outp,
              ln2_g=ln2_g, ln2_b=ln2_b, w_ffn1=w_ffn1, b_ffn1=b_ffn1, w_ffn2=w_ffn2, b_ffn2=b_ffn2,
              ln3_g=ln3_g, ln3_b=ln3_b)
    floats = tuple(kw[n] for n in FLOAT_NAMES)
    return _forward(floats, spatial_shapes, level_start_index)

if __name__ == "__main__":
    import jax
    _d = setup_inputs()
    print(jax.jit(kernel)(*tuple(_d.values())))

</pallas_src>

<mosaic_0001>
#map = affine_map<(d0, d1) -> (0, 0)>
#map1 = affine_map<(d0, d1) -> (0)>
module attributes {stable_mosaic.version = 14 : i64} {
  func.func @_sc_body(%arg0: i32, %arg1: i32, %arg2: memref<320000x32xf32, #tpu.memory_space<hbm>>, %arg3: memref<115200xi32, #tpu.memory_space<hbm>>, %arg4: memref<115200xf32, #tpu.memory_space<hbm>>, %arg5: memref<230400xf32, #tpu.memory_space<hbm>>, %arg6: memref<3600xi32, #tpu.memory_space<vmem>>, %arg7: memref<3600xf32, #tpu.memory_space<vmem>>, %arg8: memref<1200x32xf32, #tpu.memory_space<vmem>>, %arg9: memref<1200x32xf32, #tpu.memory_space<vmem>>, %arg10: memref<7200xf32, #tpu.memory_space<vmem>>, %arg11: memref<!tpu.dma_semaphore, #tpu.memory_space<semaphore_mem>>, %arg12: memref<!tpu.dma_semaphore, #tpu.memory_space<semaphore_mem>>) attributes {dimension_semantics = [#tpu.dimension_semantics<core_parallel>, #tpu.dimension_semantics<subcore_parallel>], iteration_bounds = array<i64: 2, 16>, scalar_prefetch = 0 : i64, scratch_operands = 7 : i64, tpu.core_type = #tpu.core_type<sc_vector_subcore>, window_params = [{transform_indices = #map}, {transform_indices = #map1}, {transform_indices = #map1}, {transform_indices = #map1}]} {
    %mul3A = arith.constant 2 : i32
    %mul3A_0 = arith.muli %arg1, %mul3A : i32
    %add3A = arith.addi %mul3A_0, %arg0 : i32
    %mul3A_1 = arith.constant 3600 : i32
    %mul3A_2 = arith.muli %add3A, %mul3A_1 : i32
    %multiple_of3A = tpu.assume_multiple %mul3A_2, 8 : i32
    "tpu.region"() ({
      %run_scoped3A = tpu.sem_alloc : memref<!tpu.dma_semaphore, #tpu.memory_space<semaphore_mem>>
      %dma_start3A_54 = tpu.memref_slice %arg3[%multiple_of3A] : memref<115200xi32, #tpu.memory_space<hbm>> -> memref<3600xi32, #tpu.memory_space<hbm>>
      %dma_start3A_55 = tpu.memref_slice %arg3[%multiple_of3A] : memref<115200xi32, #tpu.memory_space<hbm>> -> memref<3600xi32, #tpu.memory_space<hbm>>
      tpu.enqueue_dma source(%dma_start3A_55 : memref<3600xi32, #tpu.memory_space<hbm>>) target(%arg6 : memref<3600xi32, #tpu.memory_space<vmem>>) target_semaphore(%run_scoped3A : memref<!tpu.dma_semaphore, #tpu.memory_space<semaphore_mem>>)
      %dma_wait3A_56 = tpu.memref_slice %arg3[%multiple_of3A] : memref<115200xi32, #tpu.memory_space<hbm>> -> memref<3600xi32, #tpu.memory_space<hbm>>
      %dma_wait3A_57 = tpu.memref_slice %arg3[%multiple_of3A] : memref<115200xi32, #tpu.memory_space<hbm>> -> memref<3600xi32, #tpu.memory_space<hbm>>
      tpu.wait_dma2 semaphore(%run_scoped3A : memref<!tpu.dma_semaphore, #tpu.memory_space<semaphore_mem>>) src(%dma_wait3A_57 : memref<3600xi32, #tpu.memory_space<hbm>>) dst(%arg6 : memref<3600xi32, #tpu.memory_space<vmem>>)
      tpu.yield
    }) : () -> ()
    "tpu.region"() ({
      %run_scoped3A = tpu.sem_alloc : memref<!tpu.dma_semaphore, #tpu.memory_space<semaphore_mem>>
      %dma_start3A_54 = tpu.memref_slice %arg4[%multiple_of3A] : memref<115200xf32, #tpu.memory_space<hbm>> -> memref<3600xf32, #tpu.memory_space<hbm>>
      %dma_start3A_55 = tpu.memref_slice %arg4[%multiple_of3A] : memref<115200xf32, #tpu.memory_space<hbm>> -> memref<3600xf32, #tpu.memory_space<hbm>>
      tpu.enqueue_dma source(%dma_start3A_55 : memref<3600xf32, #tpu.memory_space<hbm>>) target(%arg7 : memref<3600xf32, #tpu.memory_space<vmem>>) target_semaphore(%run_scoped3A : memref<!tpu.dma_semaphore, #tpu.memory_space<semaphore_mem>>)
      %dma_wait3A_56 = tpu.memref_slice %arg4[%multiple_of3A] : memref<115200xf32, #tpu.memory_space<hbm>> -> memref<3600xf32, #tpu.memory_space<hbm>>
      %dma_wait3A_57 = tpu.memref_slice %arg4[%multiple_of3A] : memref<115200xf32, #tpu.memory_space<hbm>> -> memref<3600xf32, #tpu.memory_space<hbm>>
      tpu.wait_dma2 semaphore(%run_scoped3A : memref<!tpu.dma_semaphore, #tpu.memory_space<semaphore_mem>>) src(%dma_wait3A_57 : memref<3600xf32, #tpu.memory_space<hbm>>) dst(%arg7 : memref<3600xf32, #tpu.memory_space<vmem>>)
      tpu.yield
    }) : () -> ()
    %dma_start3A = arith.constant 0 : i32
    %dma_start3A_3 = tpu.memref_slice %arg6[%dma_start3A] : memref<3600xi32, #tpu.memory_space<vmem>> -> memref<1200xi32, #tpu.memory_space<vmem>>
    %dma_start3A_4 = arith.constant 0 : i32
    %dma_start3A_5 = arith.constant 0 : i32
    %dma_start3A_6 = tpu.memref_slice %arg2[%dma_start3A_4, %dma_start3A_5] : memref<320000x32xf32, #tpu.memory_space<hbm>> -> memref<320000x32xf32, #tpu.memory_space<hbm>>
    tpu.enqueue_indirect_dma source(%dma_start3A_6 : memref<320000x32xf32, #tpu.memory_space<hbm>>) target(%arg8 : memref<1200x32xf32, #tpu.memory_space<vmem>>) offsets(%dma_start3A_3 : memref<1200xi32, #tpu.memory_space<vmem>>) semaphore(%arg11 : memref<!tpu.dma_semaphore, #tpu.memory_space<semaphore_mem>>)
    %dma_wait3A = arith.constant 0 : i32
    %dma_wait3A_7 = tpu.memref_slice %arg6[%dma_wait3A] : memref<3600xi32, #tpu.memory_space<vmem>> -> memref<1200xi32, #tpu.memory_space<vmem>>
    %dma_wait3A_8 = arith.constant 0 : i32
    %dma_wait3A_9 = arith.constant 0 : i32
    %dma_wait3A_10 = tpu.memref_slice %arg2[%dma_wait3A_8, %dma_wait3A_9] : memref<320000x32xf32, #tpu.memory_space<hbm>> -> memref<320000x32xf32, #tpu.memory_space<hbm>>
    tpu.wait_indirect_dma semaphore(%arg11 : memref<!tpu.dma_semaphore, #tpu.memory_space<semaphore_mem>>) src(%dma_wait3A_10 : memref<320000x32xf32, #tpu.memory_space<hbm>>) dst(%arg8 : memref<1200x32xf32, #tpu.memory_space<vmem>>)
    %dma_start3A_11 = arith.constant 1200 : i32
    %dma_start3A_12 = tpu.memref_slice %arg6[%dma_start3A_11] : memref<3600xi32, #tpu.memory_space<vmem>> -> memref<1200xi32, #tpu.memory_space<vmem>>
    %dma_start3A_13 = arith.constant 0 : i32
    %dma_start3A_14 = arith.constant 0 : i32
    %dma_start3A_15 = tpu.memref_slice %arg2[%dma_start3A_13, %dma_start3A_14] : memref<320000x32xf32, #tpu.memory_space<hbm>> -> memref<320000x32xf32, #tpu.memory_space<hbm>>
    tpu.enqueue_indirect_dma source(%dma_start3A_15 : memref<320000x32xf32, #tpu.memory_space<hbm>>) target(%arg9 : memref<1200x32xf32, #tpu.memory_space<vmem>>) offsets(%dma_start3A_12 : memref<1200xi32, #tpu.memory_space<vmem>>) semaphore(%arg12 : memref<!tpu.dma_semaphore, #tpu.memory_space<semaphore_mem>>)
    %scan3A = arith.constant 0 : i32
    %scan3A_16 = arith.constant 0 : i32
    %scan3A_17 = arith.constant 75 : i32
    %scan3A_18 = arith.addi %scan3A_16, %scan3A_17 : i32
    %scan3A_19 = arith.constant 1 : i32
    %scan3A_20 = scf.for %scan3A_54 = %scan3A_16 to %scan3A_18 step %scan3A_19 iter_args(%scan3A_55 = %scan3A) -> (i32)  : i32 {
      %add3A_56 = arith.constant 0 : i32
      %add3A_57 = arith.addi %add3A_56, %scan3A_54 : i32
      %mul3A_58 = arith.constant 32 : i32
      %mul3A_59 = arith.muli %add3A_57, %mul3A_58 : i32
      %multiple_of3A_60 = tpu.assume_multiple %mul3A_59, 8 : i32
      %broadcast_in_dim3A = arith.constant 0.000000e+00 : f32
      %broadcast_in_dim3A_61 = vector.broadcast %broadcast_in_dim3A : f32 to vector<16xf32>
      %broadcast_in_dim3A_62 = arith.constant 0.000000e+00 : f32
      %broadcast_in_dim3A_63 = vector.broadcast %broadcast_in_dim3A_62 : f32 to vector<16xf32>
      %mul3A_64 = arith.constant 16 : i32
      %mul3A_65 = arith.muli %scan3A_54, %mul3A_64 : i32
      %add3A_66 = arith.constant 0 : i32
      %add3A_67 = arith.addi %add3A_66, %mul3A_65 : i32
      %add3A_68 = arith.constant 0 : i32
      %add3A_69 = arith.addi %add3A_67, %add3A_68 : i32
      %broadcast_in_dim3A_70 = vector.broadcast %add3A_69 : i32 to vector<16xi32>
      %gather3A = tpu.vector_load_idx %arg7[%broadcast_in_dim3A_70] : memref<3600xf32, #tpu.memory_space<vmem>>[vector<16xi32>], vector<16xf32>,
      %mul3A_71 = arith.constant 16 : i32
      %mul3A_72 = arith.muli %scan3A_54, %mul3A_71 : i32
      %add3A_73 = arith.constant 0 : i32
      %add3A_74 = arith.addi %mul3A_72, %add3A_73 : i32
      %get3A = arith.index_cast %add3A_74 : i32 to index
      %get3A_75 = arith.constant 0 : index
      %get3A_76 = tpu.vector_load %arg8[%get3A, %get3A_75] {strides = array<i32>} : memref<1200x32xf32, #tpu.memory_space<vmem>>, vector<16xf32>,
      %mul3A_77 = arith.mulf %gather3A, %get3A_76 : vector<16xf32>
      %add3A_78 = arith.addf %broadcast_in_dim3A_61, %mul3A_77 : vector<16xf32>
      %mul3A_79 = arith.constant 16 : i32
      %mul3A_80 = arith.muli %scan3A_54, %mul3A_79 : i32
      %add3A_81 = arith.constant 0 : i32
      %add3A_82 = arith.addi %mul3A_80, %add3A_81 : i32
      %get3A_83 = arith.index_cast %add3A_82 : i32 to index
      %get3A_84 = arith.constant 16 : index
      %get3A_85 = tpu.vector_load %arg8[%get3A_83, %get3A_84] {strides = array<i32>} : memref<1200x32xf32, #tpu.memory_space<vmem>>, vector<16xf32>,
      %mul3A_86 = arith.mulf %gather3A, %get3A_85 : vector<16xf32>
      %add3A_87 = arith.addf %broadcast_in_dim3A_63, %mul3A_86 : vector<16xf32>
      %mul3A_88 = arith.constant 16 : i32
      %mul3A_89 = arith.muli %scan3A_54, %mul3A_88 : i32
      %add3A_90 = arith.constant 0 : i32
      %add3A_91 = arith.addi %add3A_90, %mul3A_89 : i32
      %add3A_92 = arith.constant 1 : i32
      %add3A_93 = arith.addi %add3A_91, %add3A_92 : i32
      %broadcast_in_dim3A_94 = vector.broadcast %add3A_93 : i32 to vector<16xi32>
      %gather3A_95 = tpu.vector_load_idx %arg7[%broadcast_in_dim3A_94] : memref<3600xf32, #tpu.memory_space<vmem>>[vector<16xi32>], vector<16xf32>,
      %mul3A_96 = arith.constant 16 : i32
      %mul3A_97 = arith.muli %scan3A_54, %mul3A_96 : i32
      %add3A_98 = arith.constant 1 : i32
      %add3A_99 = arith.addi %mul3A_97, %add3A_98 : i32
      %get3A_100 = arith.index_cast %add3A_99 : i32 to index
      %get3A_101 = arith.constant 0 : index
      %get3A_102 = tpu.vector_load %arg8[%get3A_100, %get3A_101] {strides = array<i32>} : memref<1200x32xf32, #tpu.memory_space<vmem>>, vector<16xf32>,
      %mul3A_103 = arith.mulf %gather3A_95, %get3A_102 : vector<16xf32>
      %add3A_104 = arith.addf %add3A_78, %mul3A_103 : vector<16xf32>
      %mul3A_105 = arith.constant 16 : i32
      %mul3A_106 = arith.muli %scan3A_54, %mul3A_105 : i32
      %add3A_107 = arith.constant 1 : i32
      %add3A_108 = arith.addi %mul3A_106, %add3A_107 : i32
      %get3A_109 = arith.index_cast %add3A_108 : i32 to index
      %get3A_110 = arith.constant 16 : index
      %get3A_111 = tpu.vector_load %arg8[%get3A_109, %get3A_110] {strides = array<i32>} : memref<1200x32xf32, #tpu.memory_space<vmem>>, vector<16xf32>,
      %mul3A_112 = arith.mulf %gather3A_95, %get3A_111 : vector<16xf32>
      %add3A_113 = arith.addf %add3A_87, %mul3A_112 : vector<16xf32>
      %mul3A_114 = arith.constant 16 : i32
      %mul3A_115 = arith.muli %scan3A_54, %mul3A_114 : i32
      %add3A_116 = arith.constant 0 : i32
      %add3A_117 = arith.addi %add3A_116, %mul3A_115 : i32
      %add3A_118 = arith.constant 2 : i32
      %add3A_119 = arith.addi %add3A_117, %add3A_118 : i32
      %broadcast_in_dim3A_120 = vector.broadcast %add3A_119 : i32 to vector<16xi32>
      %gather3A_121 = tpu.vector_load_idx %arg7[%broadcast_in_dim3A_120] : memref<3600xf32, #tpu.memory_space<vmem>>[vector<16xi32>], vector<16xf32>,
      %mul3A_122 = arith.constant 16 : i32
      %mul3A_123 = arith.muli %scan3A_54, %mul3A_122 : i32
      %add3A_124 = arith.constant 2 : i32
      %add3A_125 = arith.addi %mul3A_123, %add3A_124 : i32
      %get3A_126 = arith.index_cast %add3A_125 : i32 to index
      %get3A_127 = arith.constant 0 : index
      %get3A_128 = tpu.vector_load %arg8[%get3A_126, %get3A_127] {strides = array<i32>} : memref<1200x32xf32, #tpu.memory_space<vmem>>, vector<16xf32>,
      %mul3A_129 = arith.mulf %gather3A_121, %get3A_128 : vector<16xf32>
      %add3A_130 = arith.addf %add3A_104, %mul3A_129 : vector<16xf32>
      %mul3A_131 = arith.constant 16 : i32
      %mul3A_132 = arith.muli %scan3A_54, %mul3A_131 : i32
      %add3A_133 = arith.constant 2 : i32
      %add3A_134 = arith.addi %mul3A_132, %add3A_133 : i32
      %get3A_135 = arith.index_cast %add3A_134 : i32 to index
      %get3A_136 = arith.constant 16 : index
      %get3A_137 = tpu.vector_load %arg8[%get3A_135, %get3A_136] {strides = array<i32>} : memref<1200x32xf32, #tpu.memory_space<vmem>>, vector<16xf32>,
      %mul3A_138 = arith.mulf %gather3A_121, %get3A_137 : vector<16xf32>
      %add3A_139 = arith.addf %add3A_113, %mul3A_138 : vector<16xf32>
      %mul3A_140 = arith.constant 16 : i32
      %mul3A_141 = arith.muli %scan3A_54, %mul3A_140 : i32
      %add3A_142 = arith.constant 0 : i32
      %add3A_143 = arith.addi %add3A_142, %mul3A_141 : i32
      %add3A_144 = arith.constant 3 : i32
      %add3A_145 = arith.addi %add3A_143, %add3A_144 : i32
      %broadcast_in_dim3A_146 = vector.broadcast %add3A_145 : i32 to vector<16xi32>
      %gather3A_147 = tpu.vector_load_idx %arg7[%broadcast_in_dim3A_146] : memref<3600xf32, #tpu.memory_space<vmem>>[vector<16xi32>], vector<16xf32>,
      %mul3A_148 = arith.constant 16 : i32
      %mul3A_149 = arith.muli %scan3A_54, %mul3A_148 : i32
      %add3A_150 = arith.constant 3 : i32
      %add3A_151 = arith.addi %mul3A_149, %add3A_150 : i32
      %get3A_152 = arith.index_cast %add3A_151 : i32 to index
      %get3A_153 = arith.constant 0 : index
      %get3A_154 = tpu.vector_load %arg8[%get3A_152, %get3A_153] {strides = array<i32>} : memref<1200x32xf32, #tpu.memory_space<vmem>>, vector<16xf32>,
      %mul3A_155 = arith.mulf %gather3A_147, %get3A_154 : vector<16xf32>
      %add3A_156 = arith.addf %add3A_130, %mul3A_155 : vector<16xf32>
      %mul3A_157 = arith.constant 16 : i32
      %mul3A_158 = arith.muli %scan3A_54, %mul3A_157 : i32
      %add3A_159 = arith.constant 3 : i32
      %add3A_160 = arith.addi %mul3A_158, %add3A_159 : i32
      %get3A_161 = arith.index_cast %add3A_160 : i32 to index
      %get3A_162 = arith.constant 16 : index
      %get3A_163 = tpu.vector_load %arg8[%get3A_161, %get3A_162] {strides = array<i32>} : memref<1200x32xf32, #tpu.memory_space<vmem>>, vector<16xf32>,
      %mul3A_164 = arith.mulf %gather3A_147, %get3A_163 : vector<16xf32>
      %add3A_165 = arith.addf %add3A_139, %mul3A_164 : vector<16xf32>
      %mul3A_166 = arith.constant 16 : i32
      %mul3A_167 = arith.muli %scan3A_54, %mul3A_166 : i32
      %add3A_168 = arith.constant 0 : i32
      %add3A_169 = arith.addi %add3A_168, %mul3A_167 : i32
      %add3A_170 = arith.constant 4 : i32
      %add3A_171 = arith.addi %add3A_169, %add3A_170 : i32
      %broadcast_in_dim3A_172 = vector.broadcast %add3A_171 : i32 to vector<16xi32>
      %gather3A_173 = tpu.vector_load_idx %arg7[%broadcast_in_dim3A_172] : memref<3600xf32, #tpu.memory_space<vmem>>[vector<16xi32>], vector<16xf32>,
      %mul3A_174 = arith.constant 16 : i32
      %mul3A_175 = arith.muli %scan3A_54, %mul3A_174 : i32
      %add3A_176 = arith.constant 4 : i32
      %add3A_177 = arith.addi %mul3A_175, %add3A_176 : i32
      %get3A_178 = arith.index_cast %add3A_177 : i32 to index
      %get3A_179 = arith.constant 0 : index
      %get3A_180 = tpu.vector_load %arg8[%get3A_178, %get3A_179] {strides = array<i32>} : memref<1200x32xf32, #tpu.memory_space<vmem>>, vector<16xf32>,
      %mul3A_181 = arith.mulf %gather3A_173, %get3A_180 : vector<16xf32>
      %add3A_182 = arith.addf %add3A_156, %mul3A_181 : vector<16xf32>
      %mul3A_183 = arith.constant 16 : i32
      %mul3A_184 = arith.muli %scan3A_54, %mul3A_183 : i32
      %add3A_185 = arith.constant 4 : i32
      %add3A_186 = arith.addi %mul3A_184, %add3A_185 : i32
      %get3A_187 = arith.index_cast %add3A_186 : i32 to index
      %get3A_188 = arith.constant 16 : index
      %get3A_189 = tpu.vector_load %arg8[%get3A_187, %get3A_188] {strides = array<i32>} : memref<1200x32xf32, #tpu.memory_space<vmem>>, vector<16xf32>,
      %mul3A_190 = arith.mulf %gather3A_173, %get3A_189 : vector<16xf32>
      %add3A_191 = arith.addf %add3A_165, %mul3A_190 : vector<16xf32>
      %mul3A_192 = arith.constant 16 : i32
      %mul3A_193 = arith.muli %scan3A_54, %mul3A_192 : i32
      %add3A_194 = arith.constant 0 : i32
      %add3A_195 = arith.addi %add3A_194, %mul3A_193 : i32
      %add3A_196 = arith.constant 5 : i32
      %add3A_197 = arith.addi %add3A_195, %add3A_196 : i32
      %broadcast_in_dim3A_198 = vector.broadcast %add3A_197 : i32 to vector<16xi32>
      %gather3A_199 = tpu.vector_load_idx %arg7[%broadcast_in_dim3A_198] : memref<3600xf32, #tpu.memory_space<vmem>>[vector<16xi32>], vector<16xf32>,
      %mul3A_200 = arith.constant 16 : i32
      %mul3A_201 = arith.muli %scan3A_54, %mul3A_200 : i32
      %add3A_202 = arith.constant 5 : i32
      %add3A_203 = arith.addi %mul3A_201, %add3A_202 : i32
      %get3A_204 = arith.index_cast %add3A_203 : i32 to index
      %get3A_205 = arith.constant 0 : index
      %get3A_206 = tpu.vector_load %arg8[%get3A_204, %get3A_205] {strides = array<i32>} : memref<1200x32xf32, #tpu.memory_space<vmem>>, vector<16xf32>,
      %mul3A_207 = arith.mulf %gather3A_199, %get3A_206 : vector<16xf32>
      %add3A_208 = arith.addf %add3A_182, %mul3A_207 : vector<16xf32>
      %mul3A_209 = arith.constant 16 : i32
      %mul3A_210 = arith.muli %scan3A_54, %mul3A_209 : i32
      %add3A_211 = arith.constant 5 : i32
      %add3A_212 = arith.addi %mul3A_210, %add3A_211 : i32
      %get3A_213 = arith.index_cast %add3A_212 : i32 to index
      %get3A_214 = arith.constant 16 : index
      %get3A_215 = tpu.vector_load %arg8[%get3A_213, %get3A_214] {strides = array<i32>} : memref<1200x32xf32, #tpu.memory_space<vmem>>, vector<16xf32>,
      %mul3A_216 = arith.mulf %gather3A_199, %get3A_215 : vector<16xf32>
      %add3A_217 = arith.addf %add3A_191, %mul3A_216 : vector<16xf32>
      %mul3A_218 = arith.constant 16 : i32
      %mul3A_219 = arith.muli %scan3A_54, %mul3A_218 : i32
      %add3A_220 = arith.constant 0 : i32
      %add3A_221 = arith.addi %add3A_220, %mul3A_219 : i32
      %add3A_222 = arith.constant 6 : i32
      %add3A_223 = arith.addi %add3A_221, %add3A_222 : i32
      %broadcast_in_dim3A_224 = vector.broadcast %add3A_223 : i32 to vector<16xi32>
      %gather3A_225 = tpu.vector_load_idx %arg7[%broadcast_in_dim3A_224] : memref<3600xf32, #tpu.memory_space<vmem>>[vector<16xi32>], vector<16xf32>,
      %mul3A_226 = arith.constant 16 : i32
      %mul3A_227 = arith.muli %scan3A_54, %mul3A_226 : i32
      %add3A_228 = arith.constant 6 : i32
      %add3A_229 = arith.addi %mul3A_227, %add3A_228 : i32
      %get3A_230 = arith.index_cast %add3A_229 : i32 to index
      %get3A_231 = arith.constant 0 : index
      %get3A_232 = tpu.vector_load %arg8[%get3A_230, %get3A_231] {strides = array<i32>} : memref<1200x32xf32, #tpu.memory_space<vmem>>, vector<16xf32>,
      %mul3A_233 = arith.mulf %gather3A_225, %get3A_232 : vector<16xf32>
      %add3A_234 = arith.addf %add3A_208, %mul3A_233 : vector<16xf32>
      %mul3A_235 = arith.constant 16 : i32
      %mul3A_236 = arith.muli %scan3A_54, %mul3A_235 : i32
      %add3A_237 = arith.constant 6 : i32
      %add3A_238 = arith.addi %mul3A_236, %add3A_237 : i32
      %get3A_239 = arith.index_cast %add3A_238 : i32 to index
      %get3A_240 = arith.constant 16 : index
      %get3A_241 = tpu.vector_load %arg8[%get3A_239, %get3A_240] {strides = array<i32>} : memref<1200x32xf32, #tpu.memory_space<vmem>>, vector<16xf32>,
      %mul3A_242 = arith.mulf %gather3A_225, %get3A_241 : vector<16xf32>
      %add3A_243 = arith.addf %add3A_217, %mul3A_242 : vector<16xf32>
      %mul3A_244 = arith.constant 16 : i32
      %mul3A_245 = arith.muli %scan3A_54, %mul3A_244 : i32
      %add3A_246 = arith.constant 0 : i32
      %add3A_247 = arith.addi %add3A_246, %mul3A_245 : i32
      %add3A_248 = arith.constant 7 : i32
      %add3A_249 = arith.addi %add3A_247, %add3A_248 : i32
      %broadcast_in_dim3A_250 = vector.broadcast %add3A_249 : i32 to vector<16xi32>
      %gather3A_251 = tpu.vector_load_idx %arg7[%broadcast_in_dim3A_250] : memref<3600xf32, #tpu.memory_space<vmem>>[vector<16xi32>], vector<16xf32>,
      %mul3A_252 = arith.constant 16 : i32
      %mul3A_253 = arith.muli %scan3A_54, %mul3A_252 : i32
      %add3A_254 = arith.constant 7 : i32
      %add3A_255 = arith.addi %mul3A_253, %add3A_254 : i32
      %get3A_256 = arith.index_cast %add3A_255 : i32 to index
      %get3A_257 = arith.constant 0 : index
      %get3A_258 = tpu.vector_load %arg8[%get3A_256, %get3A_257] {strides = array<i32>} : memref<1200x32xf32, #tpu.memory_space<vmem>>, vector<16xf32>,
      %mul3A_259 = arith.mulf %gather3A_251, %get3A_258 : vector<16xf32>
      %add3A_260 = arith.addf %add3A_234, %mul3A_259 : vector<16xf32>
      %mul3A_261 = arith.constant 16 : i32
      %mul3A_262 = arith.muli %scan3A_54, %mul3A_261 : i32
      %add3A_263 = arith.constant 7 : i32
      %add3A_264 = arith.addi %mul3A_262, %add3A_263 : i32
      %get3A_265 = arith.index_cast %add3A_264 : i32 to index
      %get3A_266 = arith.constant 16 : index
      %get3A_267 = tpu.vector_load %arg8[%get3A_265, %get3A_266] {strides = array<i32>} : memref<1200x32xf32, #tpu.memory_space<vmem>>, vector<16xf32>,
      %mul3A_268 = arith.mulf %gather3A_251, %get3A_267 : vector<16xf32>
      %add3A_269 = arith.addf %add3A_243, %mul3A_268 : vector<16xf32>
      %mul3A_270 = arith.constant 16 : i32
      %mul3A_271 = arith.muli %scan3A_54, %mul3A_270 : i32
      %add3A_272 = arith.constant 0 : i32
      %add3A_273 = arith.addi %add3A_272, %mul3A_271 : i32
      %add3A_274 = arith.constant 8 : i32
      %add3A_275 = arith.addi %add3A_273, %add3A_274 : i32
      %broadcast_in_dim3A_276 = vector.broadcast %add3A_275 : i32 to vector<16xi32>
      %gather3A_277 = tpu.vector_load_idx %arg7[%broadcast_in_dim3A_276] : memref<3600xf32, #tpu.memory_space<vmem>>[vector<16xi32>], vector<16xf32>,
      %mul3A_278 = arith.constant 16 : i32
      %mul3A_279 = arith.muli %scan3A_54, %mul3A_278 : i32
      %add3A_280 = arith.constant 8 : i32
      %add3A_281 = arith.addi %mul3A_279, %add3A_280 : i32
      %get3A_282 = arith.index_cast %add3A_281 : i32 to index
      %get3A_283 = arith.constant 0 : index
      %get3A_284 = tpu.vector_load %arg8[%get3A_282, %get3A_283] {strides = array<i32>} : memref<1200x32xf32, #tpu.memory_space<vmem>>, vector<16xf32>,
      %mul3A_285 = arith.mulf %gather3A_277, %get3A_284 : vector<16xf32>
      %add3A_286 = arith.addf %add3A_260, %mul3A_285 : vector<16xf32>
      %mul3A_287 = arith.constant 16 : i32
      %mul3A_288 = arith.muli %scan3A_54, %mul3A_287 : i32
      %add3A_289 = arith.constant 8 : i32
      %add3A_290 = arith.addi %mul3A_288, %add3A_289 : i32
      %get3A_291 = arith.index_cast %add3A_290 : i32 to index
      %get3A_292 = arith.constant 16 : index
      %get3A_293 = tpu.vector_load %arg8[%get3A_291, %get3A_292] {strides = array<i32>} : memref<1200x32xf32, #tpu.memory_space<vmem>>, vector<16xf32>,
      %mul3A_294 = arith.mulf %gather3A_277, %get3A_293 : vector<16xf32>
      %add3A_295 = arith.addf %add3A_269, %mul3A_294 : vector<16xf32>
      %mul3A_296 = arith.constant 16 : i32
      %mul3A_297 = arith.muli %scan3A_54, %mul3A_296 : i32
      %add3A_298 = arith.constant 0 : i32
      %add3A_299 = arith.addi %add3A_298, %mul3A_297 : i32
      %add3A_300 = arith.constant 9 : i32
      %add3A_301 = arith.addi %add3A_299, %add3A_300 : i32
      %broadcast_in_dim3A_302 = vector.broadcast %add3A_301 : i32 to vector<16xi32>
      %gather3A_303 = tpu.vector_load_idx %arg7[%broadcast_in_dim3A_302] : memref<3600xf32, #tpu.memory_space<vmem>>[vector<16xi32>], vector<16xf32>,
      %mul3A_304 = arith.constant 16 : i32
      %mul3A_305 = arith.muli %scan3A_54, %mul3A_304 : i32
      %add3A_306 = arith.constant 9 : i32
      %add3A_307 = arith.addi %mul3A_305, %add3A_306 : i32
      %get3A_308 = arith.index_cast %add3A_307 : i32 to index
      %get3A_309 = arith.constant 0 : index
      %get3A_310 = tpu.vector_load %arg8[%get3A_308, %get3A_309] {strides = array<i32>} : memref<1200x32xf32, #tpu.memory_space<vmem>>, vector<16xf32>,
      %mul3A_311 = arith.mulf %gather3A_303, %get3A_310 : vector<16xf32>
      %add3A_312 = arith.addf %add3A_286, %mul3A_311 : vector<16xf32>
      %mul3A_313 = arith.constant 16 : i32
      %mul3A_314 = arith.muli %scan3A_54, %mul3A_313 : i32
      %add3A_315 = arith.constant 9 : i32
      %add3A_316 = arith.addi %mul3A_314, %add3A_315 : i32
      %get3A_317 = arith.index_cast %add3A_316 : i32 to index
      %get3A_318 = arith.constant 16 : index
      %get3A_319 = tpu.vector_load %arg8[%get3A_317, %get3A_318] {strides = array<i32>} : memref<1200x32xf32, #tpu.memory_space<vmem>>, vector<16xf32>,
      %mul3A_320 = arith.mulf %gather3A_303, %get3A_319 : vector<16xf32>
      %add3A_321 = arith.addf %add3A_295, %mul3A_320 : vector<16xf32>
      %mul3A_322 = arith.constant 16 : i32
      %mul3A_323 = arith.muli %scan3A_54, %mul3A_322 : i32
      %add3A_324 = arith.constant 0 : i32
      %add3A_325 = arith.addi %add3A_324, %mul3A_323 : i32
      %add3A_326 = arith.constant 10 : i32
      %add3A_327 = arith.addi %add3A_325, %add3A_326 : i32
      %broadcast_in_dim3A_328 = vector.broadcast %add3A_327 : i32 to vector<16xi32>
      %gather3A_329 = tpu.vector_load_idx %arg7[%broadcast_in_dim3A_328] : memref<3600xf32, #tpu.memory_space<vmem>>[vector<16xi32>], vector<16xf32>,
      %mul3A_330 = arith.constant 16 : i32
      %mul3A_331 = arith.muli %scan3A_54, %mul3A_330 : i32
      %add3A_332 = arith.constant 10 : i32
      %add3A_333 = arith.addi %mul3A_331, %add3A_332 : i32
      %get3A_334 = arith.index_cast %add3A_333 : i32 to index
      %get3A_335 = arith.constant 0 : index
      %get3A_336 = tpu.vector_load %arg8[%get3A_334, %get3A_335] {strides = array<i32>} : memref<1200x32xf32, #tpu.memory_space<vmem>>, vector<16xf32>,
      %mul3A_337 = arith.mulf %gather3A_329, %get3A_336 : vector<16xf32>
      %add3A_338 = arith.addf %add3A_312, %mul3A_337 : vector<16xf32>
      %mul3A_339 = arith.constant 16 : i32
      %mul3A_340 = arith.muli %scan3A_54, %mul3A_339 : i32
      %add3A_341 = arith.constant 10 : i32
      %add3A_342 = arith.addi %mul3A_340, %add3A_341 : i32
      %get3A_343 = arith.index_cast %add3A_342 : i32 to index
      %get3A_344 = arith.constant 16 : index
      %get3A_345 = tpu.vector_load %arg8[%get3A_343, %get3A_344] {strides = array<i32>} : memref<1200x32xf32, #tpu.memory_space<vmem>>, vector<16xf32>,
      %mul3A_346 = arith.mulf %gather3A_329, %get3A_345 : vector<16xf32>
      %add3A_347 = arith.addf %add3A_321, %mul3A_346 : vector<16xf32>
      %mul3A_348 = arith.constant 16 : i32
      %mul3A_349 = arith.muli %scan3A_54, %mul3A_348 : i32
      %add3A_350 = arith.constant 0 : i32
      %add3A_351 = arith.addi %add3A_350, %mul3A_349 : i32
      %add3A_352 = arith.constant 11 : i32
      %add3A_353 = arith.addi %add3A_351, %add3A_352 : i32
      %broadcast_in_dim3A_354 = vector.broadcast %add3A_353 : i32 to vector<16xi32>
      %gather3A_355 = tpu.vector_load_idx %arg7[%broadcast_in_dim3A_354] : memref<3600xf32, #tpu.memory_space<vmem>>[vector<16xi32>], vector<16xf32>,
      %mul3A_356 = arith.constant 16 : i32
      %mul3A_357 = arith.muli %scan3A_54, %mul3A_356 : i32
      %add3A_358 = arith.constant 11 : i32
      %add3A_359 = arith.addi %mul3A_357, %add3A_358 : i32
      %get3A_360 = arith.index_cast %add3A_359 : i32 to index
      %get3A_361 = arith.constant 0 : index
      %get3A_362 = tpu.vector_load %arg8[%get3A_360, %get3A_361] {strides = array<i32>} : memref<1200x32xf32, #tpu.memory_space<vmem>>, vector<16xf32>,
      %mul3A_363 = arith.mulf %gather3A_355, %get3A_362 : vector<16xf32>
      %add3A_364 = arith.addf %add3A_338, %mul3A_363 : vector<16xf32>
      %mul3A_365 = arith.constant 16 : i32
      %mul3A_366 = arith.muli %scan3A_54, %mul3A_365 : i32
      %add3A_367 = arith.constant 11 : i32
      %add3A_368 = arith.addi %mul3A_366, %add3A_367 : i32
      %get3A_369 = arith.index_cast %add3A_368 : i32 to index
      %get3A_370 = arith.constant 16 : index
      %get3A_371 = tpu.vector_load %arg8[%get3A_369, %get3A_370] {strides = array<i32>} : memref<1200x32xf32, #tpu.memory_space<vmem>>, vector<16xf32>,
      %mul3A_372 = arith.mulf %gather3A_355, %get3A_371 : vector<16xf32>
      %add3A_373 = arith.addf %add3A_347, %mul3A_372 : vector<16xf32>
      %mul3A_374 = arith.constant 16 : i32
      %mul3A_375 = arith.muli %scan3A_54, %mul3A_374 : i32
      %add3A_376 = arith.constant 0 : i32
      %add3A_377 = arith.addi %add3A_376, %mul3A_375 : i32
      %add3A_378 = arith.constant 12 : i32
      %add3A_379 = arith.addi %add3A_377, %add3A_378 : i32
      %broadcast_in_dim3A_380 = vector.broadcast %add3A_379 : i32 to vector<16xi32>
      %gather3A_381 = tpu.vector_load_idx %arg7[%broadcast_in_dim3A_380] : memref<3600xf32, #tpu.memory_space<vmem>>[vector<16xi32>], vector<16xf32>,
      %mul3A_382 = arith.constant 16 : i32
      %mul3A_383 = arith.muli %scan3A_54, %mul3A_382 : i32
      %add3A_384 = arith.constant 12 : i32
      %add3A_385 = arith.addi %mul3A_383, %add3A_384 : i32
      %get3A_386 = arith.index_cast %add3A_385 : i32 to index
      %get3A_387 = arith.constant 0 : index
      %get3A_388 = tpu.vector_load %arg8[%get3A_386, %get3A_387] {strides = array<i32>} : memref<1200x32xf32, #tpu.memory_space<vmem>>, vector<16xf32>,
      %mul3A_389 = arith.mulf %gather3A_381, %get3A_388 : vector<16xf32>
      %add3A_390 = arith.addf %add3A_364, %mul3A_389 : vector<16xf32>
      %mul3A_391 = arith.constant 16 : i32
      %mul3A_392 = arith.muli %scan3A_54, %mul3A_391 : i32
      %add3A_393 = arith.constant 12 : i32
      %add3A_394 = arith.addi %mul3A_392, %add3A_393 : i32
      %get3A_395 = arith.index_cast %add3A_394 : i32 to index
      %get3A_396 = arith.constant 16 : index
      %get3A_397 = tpu.vector_load %arg8[%get3A_395, %get3A_396] {strides = array<i32>} : memref<1200x32xf32, #tpu.memory_space<vmem>>, vector<16xf32>,
      %mul3A_398 = arith.mulf %gather3A_381, %get3A_397 : vector<16xf32>
      %add3A_399 = arith.addf %add3A_373, %mul3A_398 : vector<16xf32>
      %mul3A_400 = arith.constant 16 : i32
      %mul3A_401 = arith.muli %scan3A_54, %mul3A_400 : i32
      %add3A_402 = arith.constant 0 : i32
      %add3A_403 = arith.addi %add3A_402, %mul3A_401 : i32
      %add3A_404 = arith.constant 13 : i32
      %add3A_405 = arith.addi %add3A_403, %add3A_404 : i32
      %broadcast_in_dim3A_406 = vector.broadcast %add3A_405 : i32 to vector<16xi32>
      %gather3A_407 = tpu.vector_load_idx %arg7[%broadcast_in_dim3A_406] : memref<3600xf32, #tpu.memory_space<vmem>>[vector<16xi32>], vector<16xf32>,
      %mul3A_408 = arith.constant 16 : i32
      %mul3A_409 = arith.muli %scan3A_54, %mul3A_408 : i32
      %add3A_410 = arith.constant 13 : i32
      %add3A_411 = arith.addi %mul3A_409, %add3A_410 : i32
      %get3A_412 = arith.index_cast %add3A_411 : i32 to index
      %get3A_413 = arith.constant 0 : index
      %get3A_414 = tpu.vector_load %arg8[%get3A_412, %get3A_413] {strides = array<i32>} : memref<1200x32xf32, #tpu.memory_space<vmem>>, vector<16xf32>,
      %mul3A_415 = arith.mulf %gather3A_407, %get3A_414 : vector<16xf32>
      %add3A_416 = arith.addf %add3A_390, %mul3A_415 : vector<16xf32>
      %mul3A_417 = arith.constant 16 : i32
      %mul3A_418 = arith.muli %scan3A_54, %mul3A_417 : i32
      %add3A_419 = arith.constant 13 : i32
      %add3A_420 = arith.addi %mul3A_418, %add3A_419 : i32
      %get3A_421 = arith.index_cast %add3A_420 : i32 to index
      %get3A_422 = arith.constant 16 : index
      %get3A_423 = tpu.vector_load %arg8[%get3A_421, %get3A_422] {strides = array<i32>} : memref<1200x32xf32, #tpu.memory_space<vmem>>, vector<16xf32>,
      %mul3A_424 = arith.mulf %gather3A_407, %get3A_423 : vector<16xf32>
      %add3A_425 = arith.addf %add3A_399, %mul3A_424 : vector<16xf32>
      %mul3A_426 = arith.constant 16 : i32
      %mul3A_427 = arith.muli %scan3A_54, %mul3A_426 : i32
      %add3A_428 = arith.constant 0 : i32
      %add3A_429 = arith.addi %add3A_428, %mul3A_427 : i32
      %add3A_430 = arith.constant 14 : i32
      %add3A_431 = arith.addi %add3A_429, %add3A_430 : i32
      %broadcast_in_dim3A_432 = vector.broadcast %add3A_431 : i32 to vector<16xi32>
      %gather3A_433 = tpu.vector_load_idx %arg7[%broadcast_in_dim3A_432] : memref<3600xf32, #tpu.memory_space<vmem>>[vector<16xi32>], vector<16xf32>,
      %mul3A_434 = arith.constant 16 : i32
      %mul3A_435 = arith.muli %scan3A_54, %mul3A_434 : i32
      %add3A_436 = arith.constant 14 : i32
      %add3A_437 = arith.addi %mul3A_435, %add3A_436 : i32
      %get3A_438 = arith.index_cast %add3A_437 : i32 to index
      %get3A_439 = arith.constant 0 : index
      %get3A_440 = tpu.vector_load %arg8[%get3A_438, %get3A_439] {strides = array<i32>} : memref<1200x32xf32, #tpu.memory_space<vmem>>, vector<16xf32>,
      %mul3A_441 = arith.mulf %gather3A_433, %get3A_440 : vector<16xf32>
      %add3A_442 = arith.addf %add3A_416, %mul3A_441 : vector<16xf32>
      %mul3A_443 = arith.constant 16 : i32
      %mul3A_444 = arith.muli %scan3A_54, %mul3A_443 : i32
      %add3A_445 = arith.constant 14 : i32
      %add3A_446 = arith.addi %mul3A_444, %add3A_445 : i32
      %get3A_447 = arith.index_cast %add3A_446 : i32 to index
      %get3A_448 = arith.constant 16 : index
      %get3A_449 = tpu.vector_load %arg8[%get3A_447, %get3A_448] {strides = array<i32>} : memref<1200x32xf32, #tpu.memory_space<vmem>>, vector<16xf32>,
      %mul3A_450 = arith.mulf %gather3A_433, %get3A_449 : vector<16xf32>
      %add3A_451 = arith.addf %add3A_425, %mul3A_450 : vector<16xf32>
      %mul3A_452 = arith.constant 16 : i32
      %mul3A_453 = arith.muli %scan3A_54, %mul3A_452 : i32
      %add3A_454 = arith.constant 0 : i32
      %add3A_455 = arith.addi %add3A_454, %mul3A_453 : i32
      %add3A_456 = arith.constant 15 : i32
      %add3A_457 = arith.addi %add3A_455, %add3A_456 : i32
      %broadcast_in_dim3A_458 = vector.broadcast %add3A_457 : i32 to vector<16xi32>
      %gather3A_459 = tpu.vector_load_idx %arg7[%broadcast_in_dim3A_458] : memref<3600xf32, #tpu.memory_space<vmem>>[vector<16xi32>], vector<16xf32>,
      %mul3A_460 = arith.constant 16 : i32
      %mul3A_461 = arith.muli %scan3A_54, %mul3A_460 : i32
      %add3A_462 = arith.constant 15 : i32
      %add3A_463 = arith.addi %mul3A_461, %add3A_462 : i32
      %get3A_464 = arith.index_cast %add3A_463 : i32 to index
      %get3A_465 = arith.constant 0 : index
      %get3A_466 = tpu.vector_load %arg8[%get3A_464, %get3A_465] {strides = array<i32>} : memref<1200x32xf32, #tpu.memory_space<vmem>>, vector<16xf32>,
      %mul3A_467 = arith.mulf %gather3A_459, %get3A_466 : vector<16xf32>
      %add3A_468 = arith.addf %add3A_442, %mul3A_467 : vector<16xf32>
      %mul3A_469 = arith.constant 16 : i32
      %mul3A_470 = arith.muli %scan3A_54, %mul3A_469 : i32
      %add3A_471 = arith.constant 15 : i32
      %add3A_472 = arith.addi %mul3A_470, %add3A_471 : i32
      %get3A_473 = arith.index_cast %add3A_472 : i32 to index
      %get3A_474 = arith.constant 16 : index
      %get3A_475 = tpu.vector_load %arg8[%get3A_473, %get3A_474] {strides = array<i32>} : memref<1200x32xf32, #tpu.memory_space<vmem>>, vector<16xf32>,
      %mul3A_476 = arith.mulf %gather3A_459, %get3A_475 : vector<16xf32>
      %add3A_477 = arith.addf %add3A_451, %mul3A_476 : vector<16xf32>
      %swap3A = arith.index_cast %multiple_of3A_60 : i32 to index
      %swap3A_478 = tpu.vector_load %arg10[%swap3A] {strides = array<i32>} : memref<7200xf32, #tpu.memory_space<vmem>>, vector<16xf32>,
      tpu.vector_store %arg10[%swap3A], %add3A_468 {strides = array<i32>} : memref<7200xf32, #tpu.memory_space<vmem>>, vector<16xf32>,
      %add3A_479 = arith.constant 16 : i32
      %add3A_480 = arith.addi %multiple_of3A_60, %add3A_479 : i32
      %swap3A_481 = arith.index_cast %add3A_480 : i32 to index
      %swap3A_482 = tpu.vector_load %arg10[%swap3A_481] {strides = array<i32>} : memref<7200xf32, #tpu.memory_space<vmem>>, vector<16xf32>,
      tpu.vector_store %arg10[%swap3A_481], %add3A_477 {strides = array<i32>} : memref<7200xf32, #tpu.memory_space<vmem>>, vector<16xf32>,
      %scan3A_483 = arith.constant 0 : i32
      scf.yield %scan3A_483 : i32
    }
    %scan3A_21 = arith.constant 75 : i32
    %dma_wait3A_22 = arith.constant 1200 : i32
    %dma_wait3A_23 = tpu.memref_slice %arg6[%dma_wait3A_22] : memref<3600xi32, #tpu.memory_space<vmem>> -> memref<1200xi32, #tpu.memory_space<vmem>>
    %dma_wait3A_24 = arith.constant 0 : i32
    %dma_wait3A_25 = arith.constant 0 : i32
    %dma_wait3A_26 = tpu.memref_slice %arg2[%dma_wait3A_24, %dma_wait3A_25] : memref<320000x32xf32, #tpu.memory_space<hbm>> -> memref<320000x32xf32, #tpu.memory_space<hbm>>
    tpu.wait_indirect_dma semaphore(%arg12 : memref<!tpu.dma_semaphore, #tpu.memory_space<semaphore_mem>>) src(%dma_wait3A_26 : memref<320000x32xf32, #tpu.memory_space<hbm>>) dst(%arg9 : memref<1200x32xf32, #tpu.memory_space<vmem>>)
    %dma_start3A_27 = arith.constant 2400 : i32
    %dma_start3A_28 = tpu.memref_slice %arg6[%dma_start3A_27] : memref<3600xi32, #tpu.memory_space<vmem>> -> memref<1200xi32, #tpu.memory_space<vmem>>
    %dma_start3A_29 = arith.constant 0 : i32
    %dma_start3A_30 = arith.constant 0 : i32
    %dma_start3A_31 = tpu.memref_slice %arg2[%dma_start3A_29, %dma_start3A_30] : memref<320000x32xf32, #tpu.memory_space<hbm>> -> memref<320000x32xf32, #tpu.memory_space<hbm>>
    tpu.enqueue_indirect_dma source(%dma_start3A_31 : memref<320000x32xf32, #tpu.memory_space<hbm>>) target(%arg8 : memref<1200x32xf32, #tpu.memory_space<vmem>>) offsets(%dma_start3A_28 : memref<1200xi32, #tpu.memory_space<vmem>>) semaphore(%arg11 : memref<!tpu.dma_semaphore, #tpu.memory_space<semaphore_mem>>)
    %scan3A_32 = arith.constant 0 : i32
    %scan3A_33 = arith.constant 0 : i32
    %scan3A_34 = arith.constant 75 : i32
    %scan3A_35 = arith.addi %scan3A_33, %scan3A_34 : i32
    %scan3A_36 = arith.constant 1 : i32
    %scan3A_37 = scf.for %scan3A_54 = %scan3A_33 to %scan3A_35 step %scan3A_36 iter_args(%scan3A_55 = %scan3A_32) -> (i32)  : i32 {
      %add3A_56 = arith.constant 75 : i32
      %add3A_57 = arith.addi %add3A_56, %scan3A_54 : i32
      %mul3A_58 = arith.constant 32 : i32
      %mul3A_59 = arith.muli %add3A_57, %mul3A_58 : i32
      %multiple_of3A_60 = tpu.assume_multiple %mul3A_59, 8 : i32
      %broadcast_in_dim3A = arith.constant 0.000000e+00 : f32
      %broadcast_in_dim3A_61 = vector.broadcast %broadcast_in_dim3A : f32 to vector<16xf32>
      %broadcast_in_dim3A_62 = arith.constant 0.000000e+00 : f32
      %broadcast_in_dim3A_63 = vector.broadcast %broadcast_in_dim3A_62 : f32 to vector<16xf32>
      %mul3A_64 = arith.constant 16 : i32
      %mul3A_65 = arith.muli %scan3A_54, %mul3A_64 : i32
      %add3A_66 = arith.constant 1200 : i32
      %add3A_67 = arith.addi %add3A_66, %mul3A_65 : i32
      %add3A_68 = arith.constant 0 : i32
      %add3A_69 = arith.addi %add3A_67, %add3A_68 : i32
      %broadcast_in_dim3A_70 = vector.broadcast %add3A_69 : i32 to vector<16xi32>
      %gather3A = tpu.vector_load_idx %arg7[%broadcast_in_dim3A_70] : memref<3600xf32, #tpu.memory_space<vmem>>[vector<16xi32>], vector<16xf32>,
      %mul3A_71 = arith.constant 16 : i32
      %mul3A_72 = arith.muli %scan3A_54, %mul3A_71 : i32
      %add3A_73 = arith.constant 0 : i32
      %add3A_74 = arith.addi %mul3A_72, %add3A_73 : i32
      %get3A = arith.index_cast %add3A_74 : i32 to index
      %get3A_75 = arith.constant 0 : index
      %get3A_76 = tpu.vector_load %arg9[%get3A, %get3A_75] {strides = array<i32>} : memref<1200x32xf32, #tpu.memory_space<vmem>>, vector<16xf32>,
      %mul3A_77 = arith.mulf %gather3A, %get3A_76 : vector<16xf32>
      %add3A_78 = arith.addf %broadcast_in_dim3A_61, %mul3A_77 : vector<16xf32>
      %mul3A_79 = arith.constant 16 : i32
      %mul3A_80 = arith.muli %scan3A_54, %mul3A_79 : i32
      %add3A_81 = arith.constant 0 : i32
      %add3A_82 = arith.addi %mul3A_80, %add3A_81 : i32
      %get3A_83 = arith.index_cast %add3A_82 : i32 to index
      %get3A_84 = arith.constant 16 : index
      %get3A_85 = tpu.vector_load %arg9[%get3A_83, %get3A_84] {strides = array<i32>} : memref<1200x32xf32, #tpu.memory_space<vmem>>, vector<16xf32>,
      %mul3A_86 = arith.mulf %gather3A, %get3A_85 : vector<16xf32>
      %add3A_87 = arith.addf %broadcast_in_dim3A_63, %mul3A_86 : vector<16xf32>
      %mul3A_88 = arith.constant 16 : i32
      %mul3A_89 = arith.muli %scan3A_54, %mul3A_88 : i32
      %add3A_90 = arith.constant 1200 : i32
      %add3A_91 = arith.addi %add3A_90, %mul3A_89 : i32
      %add3A_92 = arith.constant 1 : i32
      %add3A_93 = arith.addi %add3A_91, %add3A_92 : i32
      %broadcast_in_dim3A_94 = vector.broadcast %add3A_93 : i32 to vector<16xi32>
      %gather3A_95 = tpu.vector_load_idx %arg7[%broadcast_in_dim3A_94] : memref<3600xf32, #tpu.memory_space<vmem>>[vector<16xi32>], vector<16xf32>,
      %mul3A_96 = arith.constant 16 : i32
      %mul3A_97 = arith.muli %scan3A_54, %mul3A_96 : i32
      %add3A_98 = arith.constant 1 : i32
      %add3A_99 = arith.addi %mul3A_97, %add3A_98 : i32
      %get3A_100 = arith.index_cast %add3A_99 : i32 to index
      %get3A_101 = arith.constant 0 : index
      %get3A_102 = tpu.vector_load %arg9[%get3A_100, %get3A_101] {strides = array<i32>} : memref<1200x32xf32, #tpu.memory_space<vmem>>, vector<16xf32>,
      %mul3A_103 = arith.mulf %gather3A_95, %get3A_102 : vector<16xf32>
      %add3A_104 = arith.addf %add3A_78, %mul3A_103 : vector<16xf32>
      %mul3A_105 = arith.constant 16 : i32
      %mul3A_106 = arith.muli %scan3A_54, %mul3A_105 : i32
      %add3A_107 = arith.constant 1 : i32
      %add3A_108 = arith.addi %mul3A_106, %add3A_107 : i32
      %get3A_109 = arith.index_cast %add3A_108 : i32 to index
      %get3A_110 = arith.constant 16 : index
      %get3A_111 = tpu.vector_load %arg9[%get3A_109, %get3A_110] {strides = array<i32>} : memref<1200x32xf32, #tpu.memory_space<vmem>>, vector<16xf32>,
      %mul3A_112 = arith.mulf %gather3A_95, %get3A_111 : vector<16xf32>
      %add3A_113 = arith.addf %add3A_87, %mul3A_112 : vector<16xf32>
      %mul3A_114 = arith.constant 16 : i32
      %mul3A_115 = arith.muli %scan3A_54, %mul3A_114 : i32
      %add3A_116 = arith.constant 1200 : i32
      %add3A_117 = arith.addi %add3A_116, %mul3A_115 : i32
      %add3A_118 = arith.constant 2 : i32
      %add3A_119 = arith.addi %add3A_117, %add3A_118 : i32
      %broadcast_in_dim3A_120 = vector.broadcast %add3A_119 : i32 to vector<16xi32>
      %gather3A_121 = tpu.vector_load_idx %arg7[%broadcast_in_dim3A_120] : memref<3600xf32, #tpu.memory_space<vmem>>[vector<16xi32>], vector<16xf32>,
      %mul3A_122 = arith.constant 16 : i32
      %mul3A_123 = arith.muli %scan3A_54, %mul3A_122 : i32
      %add3A_124 = arith.constant 2 : i32
      %add3A_125 = arith.addi %mul3A_123, %add3A_124 : i32
      %get3A_126 = arith.index_cast %add3A_125 : i32 to index
      %get3A_127 = arith.constant 0 : index
      %get3A_128 = tpu.vector_load %arg9[%get3A_126, %get3A_127] {strides = array<i32>} : memref<1200x32xf32, #tpu.memory_space<vmem>>, vector<16xf32>,
      %mul3A_129 = arith.mulf %gather3A_121, %get3A_128 : vector<16xf32>
      %add3A_130 = arith.addf %add3A_104, %mul3A_129 : vector<16xf32>
      %mul3A_131 = arith.constant 16 : i32
      %mul3A_132 = arith.muli %scan3A_54, %mul3A_131 : i32
      %add3A_133 = arith.constant 2 : i32
      %add3A_134 = arith.addi %mul3A_132, %add3A_133 : i32
      %get3A_135 = arith.index_cast %add3A_134 : i32 to index
      %get3A_136 = arith.constant 16 : index
      %get3A_137 = tpu.vector_load %arg9[%get3A_135, %get3A_136] {strides = array<i32>} : memref<1200x32xf32, #tpu.memory_space<vmem>>, vector<16xf32>,
      %mul3A_138 = arith.mulf %gather3A_121, %get3A_137 : vector<16xf32>
      %add3A_139 = arith.addf %add3A_113, %mul3A_138 : vector<16xf32>
      %mul3A_140 = arith.constant 16 : i32
      %mul3A_141 = arith.muli %scan3A_54, %mul3A_140 : i32
      %add3A_142 = arith.constant 1200 : i32
      %add3A_143 = arith.addi %add3A_142, %mul3A_141 : i32
      %add3A_144 = arith.constant 3 : i32
      %add3A_145 = arith.addi %add3A_143, %add3A_144 : i32
      %broadcast_in_dim3A_146 = vector.broadcast %add3A_145 : i32 to vector<16xi32>
      %gather3A_147 = tpu.vector_load_idx %arg7[%broadcast_in_dim3A_146] : memref<3600xf32, #tpu.memory_space<vmem>>[vector<16xi32>], vector<16xf32>,
      %mul3A_148 = arith.constant 16 : i32
      %mul3A_149 = arith.muli %scan3A_54, %mul3A_148 : i32
      %add3A_150 = arith.constant 3 : i32
      %add3A_151 = arith.addi %mul3A_149, %add3A_150 : i32
      %get3A_152 = arith.index_cast %add3A_151 : i32 to index
      %get3A_153 = arith.constant 0 : index
      %get3A_154 = tpu.vector_load %arg9[%get3A_152, %get3A_153] {strides = array<i32>} : memref<1200x32xf32, #tpu.memory_space<vmem>>, vector<16xf32>,
      %mul3A_155 = arith.mulf %gather3A_147, %get3A_154 : vector<16xf32>
      %add3A_156 = arith.addf %add3A_130, %mul3A_155 : vector<16xf32>
      %mul3A_157 = arith.constant 16 : i32
      %mul3A_158 = arith.muli %scan3A_54, %mul3A_157 : i32
      %add3A_159 = arith.constant 3 : i32
      %add3A_160 = arith.addi %mul3A_158, %add3A_159 : i32
      %get3A_161 = arith.index_cast %add3A_160 : i32 to index
      %get3A_162 = arith.constant 16 : index
      %get3A_163 = tpu.vector_load %arg9[%get3A_161, %get3A_162] {strides = array<i32>} : memref<1200x32xf32, #tpu.memory_space<vmem>>, vector<16xf32>,
      %mul3A_164 = arith.mulf %gather3A_147, %get3A_163 : vector<16xf32>
      %add3A_165 = arith.addf %add3A_139, %mul3A_164 : vector<16xf32>
      %mul3A_166 = arith.constant 16 : i32
      %mul3A_167 = arith.muli %scan3A_54, %mul3A_166 : i32
      %add3A_168 = arith.constant 1200 : i32
      %add3A_169 = arith.addi %add3A_168, %mul3A_167 : i32
      %add3A_170 = arith.constant 4 : i32
      %add3A_171 = arith.addi %add3A_169, %add3A_170 : i32
      %broadcast_in_dim3A_172 = vector.broadcast %add3A_171 : i32 to vector<16xi32>
      %gather3A_173 = tpu.vector_load_idx %arg7[%broadcast_in_dim3A_172] : memref<3600xf32, #tpu.memory_space<vmem>>[vector<16xi32>], vector<16xf32>,
      %mul3A_174 = arith.constant 16 : i32
      %mul3A_175 = arith.muli %scan3A_54, %mul3A_174 : i32
      %add3A_176 = arith.constant 4 : i32
      %add3A_177 = arith.addi %mul3A_175, %add3A_176 : i32
      %get3A_178 = arith.index_cast %add3A_177 : i32 to index
      %get3A_179 = arith.constant 0 : index
      %get3A_180 = tpu.vector_load %arg9[%get3A_178, %get3A_179] {strides = array<i32>} : memref<1200x32xf32, #tpu.memory_space<vmem>>, vector<16xf32>,
      %mul3A_181 = arith.mulf %gather3A_173, %get3A_180 : vector<16xf32>
      %add3A_182 = arith.addf %add3A_156, %mul3A_181 : vector<16xf32>
      %mul3A_183 = arith.constant 16 : i32
      %mul3A_184 = arith.muli %scan3A_54, %mul3A_183 : i32
      %add3A_185 = arith.constant 4 : i32
      %add3A_186 = arith.addi %mul3A_184, %add3A_185 : i32
      %get3A_187 = arith.index_cast %add3A_186 : i32 to index
      %get3A_188 = arith.constant 16 : index
      %get3A_189 = tpu.vector_load %arg9[%get3A_187, %get3A_188] {strides = array<i32>} : memref<1200x32xf32, #tpu.memory_space<vmem>>, vector<16xf32>,
      %mul3A_190 = arith.mulf %gather3A_173, %get3A_189 : vector<16xf32>
      %add3A_191 = arith.addf %add3A_165, %mul3A_190 : vector<16xf32>
      %mul3A_192 = arith.constant 16 : i32
      %mul3A_193 = arith.muli %scan3A_54, %mul3A_192 : i32
      %add3A_194 = arith.constant 1200 : i32
      %add3A_195 = arith.addi %add3A_194, %mul3A_193 : i32
      %add3A_196 = arith.constant 5 : i32
      %add3A_197 = arith.addi %add3A_195, %add3A_196 : i32
      %broadcast_in_dim3A_198 = vector.broadcast %add3A_197 : i32 to vector<16xi32>
      %gather3A_199 = tpu.vector_load_idx %arg7[%broadcast_in_dim3A_198] : memref<3600xf32, #tpu.memory_space<vmem>>[vector<16xi32>], vector<16xf32>,
      %mul3A_200 = arith.constant 16 : i32
      %mul3A_201 = arith.muli %scan3A_54, %mul3A_200 : i32
      %add3A_202 = arith.constant 5 : i32
      %add3A_203 = arith.addi %mul3A_201, %add3A_202 : i32
      %get3A_204 = arith.index_cast %add3A_203 : i32 to index
      %get3A_205 = arith.constant 0 : index
      %get3A_206 = tpu.vector_load %arg9[%get3A_204, %get3A_205] {strides = array<i32>} : memref<1200x32xf32, #tpu.memory_space<vmem>>, vector<16xf32>,
      %mul3A_207 = arith.mulf %gather3A_199, %get3A_206 : vector<16xf32>
      %add3A_208 = arith.addf %add3A_182, %mul3A_207 : vector<16xf32>
      %mul3A_209 = arith.constant 16 : i32
      %mul3A_210 = arith.muli %scan3A_54, %mul3A_209 : i32
      %add3A_211 = arith.constant 5 : i32
      %add3A_212 = arith.addi %mul3A_210, %add3A_211 : i32
      %get3A_213 = arith.index_cast %add3A_212 : i32 to index
      %get3A_214 = arith.constant 16 : index
      %get3A_215 = tpu.vector_load %arg9[%get3A_213, %get3A_214] {strides = array<i32>} : memref<1200x32xf32, #tpu.memory_space<vmem>>, vector<16xf32>,
      %mul3A_216 = arith.mulf %gather3A_199, %get3A_215 : vector<16xf32>
      %add3A_217 = arith.addf %add3A_191, %mul3A_216 : vector<16xf32>
      %mul3A_218 = arith.constant 16 : i32
      %mul3A_219 = arith.muli %scan3A_54, %mul3A_218 : i32
      %add3A_220 = arith.constant 1200 : i32
      %add3A_221 = arith.addi %add3A_220, %mul3A_219 : i32
      %add3A_222 = arith.constant 6 : i32
      %add3A_223 = arith.addi %add3A_221, %add3A_222 : i32
      %broadcast_in_dim3A_224 = vector.broadcast %add3A_223 : i32 to vector<16xi32>
      %gather3A_225 = tpu.vector_load_idx %arg7[%broadcast_in_dim3A_224] : memref<3600xf32, #tpu.memory_space<vmem>>[vector<16xi32>], vector<16xf32>,
      %mul3A_226 = arith.constant 16 : i32
      %mul3A_227 = arith.muli %scan3A_54, %mul3A_226 : i32
      %add3A_228 = arith.constant 6 : i32
      %add3A_229 = arith.addi %mul3A_227, %add3A_228 : i32
      %get3A_230 = arith.index_cast %add3A_229 : i32 to index
      %get3A_231 = arith.constant 0 : index
      %get3A_232 = tpu.vector_load %arg9[%get3A_230, %get3A_231] {strides = array<i32>} : memref<1200x32xf32, #tpu.memory_space<vmem>>, vector<16xf32>,
      %mul3A_233 = arith.mulf %gather3A_225, %get3A_232 : vector<16xf32>
      %add3A_234 = arith.addf %add3A_208, %mul3A_233 : vector<16xf32>
      %mul3A_235 = arith.constant 16 : i32
      %mul3A_236 = arith.muli %scan3A_54, %mul3A_235 : i32
      %add3A_237 = arith.constant 6 : i32
      %add3A_238 = arith.addi %mul3A_236, %add3A_237 : i32
      %get3A_239 = arith.index_cast %add3A_238 : i32 to index
      %get3A_240 = arith.constant 16 : index
      %get3A_241 = tpu.vector_load %arg9[%get3A_239, %get3A_240] {strides = array<i32>} : memref<1200x32xf32, #tpu.memory_space<vmem>>, vector<16xf32>,
      %mul3A_242 = arith.mulf %gather3A_225, %get3A_241 : vector<16xf32>
      %add3A_243 = arith.addf %add3A_217, %mul3A_242 : vector<16xf32>
      %mul3A_244 = arith.constant 16 : i32
      %mul3A_245 = arith.muli %scan3A_54, %mul3A_244 : i32
      %add3A_246 = arith.constant 1200 : i32
      %add3A_247 = arith.addi %add3A_246, %mul3A_245 : i32
      %add3A_248 = arith.constant 7 : i32
      %add3A_249 = arith.addi %add3A_247, %add3A_248 : i32
      %broadcast_in_dim3A_250 = vector.broadcast %add3A_249 : i32 to vector<16xi32>
      %gather3A_251 = tpu.vector_load_idx %arg7[%broadcast_in_dim3A_250] : memref<3600xf32, #tpu.memory_space<vmem>>[vector<16xi32>], vector<16xf32>,
      %mul3A_252 = arith.constant 16 : i32
      %mul3A_253 = arith.muli %scan3A_54, %mul3A_252 : i32
      %add3A_254 = arith.constant 7 : i32
      %add3A_255 = arith.addi %mul3A_253, %add3A_254 : i32
      %get3A_256 = arith.index_cast %add3A_255 : i32 to index
      %get3A_257 = arith.constant 0 : index
      %get3A_258 = tpu.vector_load %arg9[%get3A_256, %get3A_257] {strides = array<i32>} : memref<1200x32xf32, #tpu.memory_space<vmem>>, vector<16xf32>,
      %mul3A_259 = arith.mulf %gather3A_251, %get3A_258 : vector<16xf32>
      %add3A_260 = arith.addf %add3A_234, %mul3A_259 : vector<16xf32>
      %mul3A_261 = arith.constant 16 : i32
      %mul3A_262 = arith.muli %scan3A_54, %mul3A_261 : i32
      %add3A_263 = arith.constant 7 : i32
      %add3A_264 = arith.addi %mul3A_262, %add3A_263 : i32
      %get3A_265 = arith.index_cast %add3A_264 : i32 to index
      %get3A_266 = arith.constant 16 : index
      %get3A_267 = tpu.vector_load %arg9[%get3A_265, %get3A_266] {strides = array<i32>} : memref<1200x32xf32, #tpu.memory_space<vmem>>, vector<16xf32>,
      %mul3A_268 = arith.mulf %gather3A_251, %get3A_267 : vector<16xf32>
      %add3A_269 = arith.addf %add3A_243, %mul3A_268 : vector<16xf32>
      %mul3A_270 = arith.constant 16 : i32
      %mul3A_271 = arith.muli %scan3A_54, %mul3A_270 : i32
      %add3A_272 = arith.constant 1200 : i32
      %add3A_273 = arith.addi %add3A_272, %mul3A_271 : i32
      %add3A_274 = arith.constant 8 : i32
      %add3A_275 = arith.addi %add3A_273, %add3A_274 : i32
      %broadcast_in_dim3A_276 = vector.broadcast %add3A_275 : i32 to vector<16xi32>
      %gather3A_277 = tpu.vector_load_idx %arg7[%broadcast_in_dim3A_276] : memref<3600xf32, #tpu.memory_space<vmem>>[vector<16xi32>], vector<16xf32>,
      %mul3A_278 = arith.constant 16 : i32
      %mul3A_279 = arith.muli %scan3A_54, %mul3A_278 : i32
      %add3A_280 = arith.constant 8 : i32
      %add3A_281 = arith.addi %mul3A_279, %add3A_280 : i32
      %get3A_282 = arith.index_cast %add3A_281 : i32 to index
      %get3A_283 = arith.constant 0 : index
      %get3A_284 = tpu.vector_load %arg9[%get3A_282, %get3A_283] {strides = array<i32>} : memref<1200x32xf32, #tpu.memory_space<vmem>>, vector<16xf32>,
      %mul3A_285 = arith.mulf %gather3A_277, %get3A_284 : vector<16xf32>
      %add3A_286 = arith.addf %add3A_260, %mul3A_285 : vector<16xf32>
      %mul3A_287 = arith.constant 16 : i32
      %mul3A_288 = arith.muli %scan3A_54, %mul3A_287 : i32
      %add3A_289 = arith.constant 8 : i32
      %add3A_290 = arith.addi %mul3A_288, %add3A_289 : i32
      %get3A_291 = arith.index_cast %add3A_290 : i32 to index
      %get3A_292 = arith.constant 16 : index
      %get3A_293 = tpu.vector_load %arg9[%get3A_291, %get3A_292] {strides = array<i32>} : memref<1200x32xf32, #tpu.memory_space<vmem>>, vector<16xf32>,
      %mul3A_294 = arith.mulf %gather3A_277, %get3A_293 : vector<16xf32>
      %add3A_295 = arith.addf %add3A_269, %mul3A_294 : vector<16xf32>
      %mul3A_296 = arith.constant 16 : i32
      %mul3A_297 = arith.muli %scan3A_54, %mul3A_296 : i32
      %add3A_298 = arith.constant 1200 : i32
      %add3A_299 = arith.addi %add3A_298, %mul3A_297 : i32
      %add3A_300 = arith.constant 9 : i32
      %add3A_301 = arith.addi %add3A_299, %add3A_300 : i32
      %broadcast_in_dim3A_302 = vector.broadcast %add3A_301 : i32 to vector<16xi32>
      %gather3A_303 = tpu.vector_load_idx %arg7[%broadcast_in_dim3A_302] : memref<3600xf32, #tpu.memory_space<vmem>>[vector<16xi32>], vector<16xf32>,
      %mul3A_304 = arith.constant 16 : i32
      %mul3A_305 = arith.muli %scan3A_54, %mul3A_304 : i32
      %add3A_306 = arith.constant 9 : i32
      %add3A_307 = arith.addi %mul3A_305, %add3A_306 : i32
      %get3A_308 = arith.index_cast %add3A_307 : i32 to index
      %get3A_309 = arith.constant 0 : index
      %get3A_310 = tpu.vector_load %arg9[%get3A_308, %get3A_309] {strides = array<i32>} : memref<1200x32xf32, #tpu.memory_space<vmem>>, vector<16xf32>,
      %mul3A_311 = arith.mulf %gather3A_303, %get3A_310 : vector<16xf32>
      %add3A_312 = arith.addf %add3A_286, %mul3A_311 : vector<16xf32>
      %mul3A_313 = arith.constant 16 : i32
      %mul3A_314 = arith.muli %scan3A_54, %mul3A_313 : i32
      %add3A_315 = arith.constant 9 : i32
      %add3A_316 = arith.addi %mul3A_314, %add3A_315 : i32
      %get3A_317 = arith.index_cast %add3A_316 : i32 to index
      %get3A_318 = arith.constant 16 : index
      %get3A_319 = tpu.vector_load %arg9[%get3A_317, %get3A_318] {strides = array<i32>} : memref<1200x32xf32, #tpu.memory_space<vmem>>, vector<16xf32>,
      %mul3A_320 = arith.mulf %gather3A_303, %get3A_319 : vector<16xf32>
      %add3A_321 = arith.addf %add3A_295, %mul3A_320 : vector<16xf32>
      %mul3A_322 = arith.constant 16 : i32
      %mul3A_323 = arith.muli %scan3A_54, %mul3A_322 : i32
      %add3A_324 = arith.constant 1200 : i32
      %add3A_325 = arith.addi %add3A_324, %mul3A_323 : i32
      %add3A_326 = arith.constant 10 : i32
      %add3A_327 = arith.addi %add3A_325, %add3A_326 : i32
      %broadcast_in_dim3A_328 = vector.broadcast %add3A_327 : i32 to vector<16xi32>
      %gather3A_329 = tpu.vector_load_idx %arg7[%broadcast_in_dim3A_328] : memref<3600xf32, #tpu.memory_space<vmem>>[vector<16xi32>], vector<16xf32>,
      %mul3A_330 = arith.constant 16 : i32
      %mul3A_331 = arith.muli %scan3A_54, %mul3A_330 : i32
      %add3A_332 = arith.constant 10 : i32
      %add3A_333 = arith.addi %mul3A_331, %add3A_332 : i32
      %get3A_334 = arith.index_cast %add3A_333 : i32 to index
      %get3A_335 = arith.constant 0 : index
      %get3A_336 = tpu.vector_load %arg9[%get3A_334, %get3A_335] {strides = array<i32>} : memref<1200x32xf32, #tpu.memory_space<vmem>>, vector<16xf32>,
      %mul3A_337 = arith.mulf %gather3A_329, %get3A_336 : vector<16xf32>
      %add3A_338 = arith.addf %add3A_312, %mul3A_337 : vector<16xf32>
      %mul3A_339 = arith.constant 16 : i32
      %mul3A_340 = arith.muli %scan3A_54, %mul3A_339 : i32
      %add3A_341 = arith.constant 10 : i32
      %add3A_342 = arith.addi %mul3A_340, %add3A_341 : i32
      %get3A_343 = arith.index_cast %add3A_342 : i32 to index
      %get3A_344 = arith.constant 16 : index
      %get3A_345 = tpu.vector_load %arg9[%get3A_343, %get3A_344] {strides = array<i32>} : memref<1200x32xf32, #tpu.memory_space<vmem>>, vector<16xf32>,
      %mul3A_346 = arith.mulf %gather3A_329, %get3A_345 : vector<16xf32>
      %add3A_347 = arith.addf %add3A_321, %mul3A_346 : vector<16xf32>
      %mul3A_348 = arith.constant 16 : i32
      %mul3A_349 = arith.muli %scan3A_54, %mul3A_348 : i32
      %add3A_350 = arith.constant 1200 : i32
      %add3A_351 = arith.addi %add3A_350, %mul3A_349 : i32
      %add3A_352 = arith.constant 11 : i32
      %add3A_353 = arith.addi %add3A_351, %add3A_352 : i32
      %broadcast_in_dim3A_354 = vector.broadcast %add3A_353 : i32 to vector<16xi32>
      %gather3A_355 = tpu.vector_load_idx %arg7[%broadcast_in_dim3A_354] : memref<3600xf32, #tpu.memory_space<vmem>>[vector<16xi32>], vector<16xf32>,
      %mul3A_356 = arith.constant 16 : i32
      %mul3A_357 = arith.muli %scan3A_54, %mul3A_356 : i32
      %add3A_358 = arith.constant 11 : i32
      %add3A_359 = arith.addi %mul3A_357, %add3A_358 : i32
      %get3A_360 = arith.index_cast %add3A_359 : i32 to index
      %get3A_361 = arith.constant 0 : index
      %get3A_362 = tpu.vector_load %arg9[%get3A_360, %get3A_361] {strides = array<i32>} : memref<1200x32xf32, #tpu.memory_space<vmem>>, vector<16xf32>,
      %mul3A_363 = arith.mulf %gather3A_355, %get3A_362 : vector<16xf32>
      %add3A_364 = arith.addf %add3A_338, %mul3A_363 : vector<16xf32>
      %mul3A_365 = arith.constant 16 : i32
      %mul3A_366 = arith.muli %scan3A_54, %mul3A_365 : i32
      %add3A_367 = arith.constant 11 : i32
      %add3A_368 = arith.addi %mul3A_366, %add3A_367 : i32
      %get3A_369 = arith.index_cast %add3A_368 : i32 to index
      %get3A_370 = arith.constant 16 : index
      %get3A_371 = tpu.vector_load %arg9[%get3A_369, %get3A_370] {strides = array<i32>} : memref<1200x32xf32, #tpu.memory_space<vmem>>, vector<16xf32>,
      %mul3A_372 = arith.mulf %gather3A_355, %get3A_371 : vector<16xf32>
      %add3A_373 = arith.addf %add3A_347, %mul3A_372 : vector<16xf32>
      %mul3A_374 = arith.constant 16 : i32
      %mul3A_375 = arith.muli %scan3A_54, %mul3A_374 : i32
      %add3A_376 = arith.constant 1200 : i32
      %add3A_377 = arith.addi %add3A_376, %mul3A_375 : i32
      %add3A_378 = arith.constant 12 : i32
      %add3A_379 = arith.addi %add3A_377, %add3A_378 : i32
      %broadcast_in_dim3A_380 = vector.broadcast %add3A_379 : i32 to vector<16xi32>
      %gather3A_381 = tpu.vector_load_idx %arg7[%broadcast_in_dim3A_380] : memref<3600xf32, #tpu.memory_space<vmem>>[vector<16xi32>], vector<16xf32>,
      %mul3A_382 = arith.constant 16 : i32
      %mul3A_383 = arith.muli %scan3A_54, %mul3A_382 : i32
      %add3A_384 = arith.constant 12 : i32
      %add3A_385 = arith.addi %mul3A_383, %add3A_384 : i32
      %get3A_386 = arith.index_cast %add3A_385 : i32 to index
      %get3A_387 = arith.constant 0 : index
      %get3A_388 = tpu.vector_load %arg9[%get3A_386, %get3A_387] {strides = array<i32>} : memref<1200x32xf32, #tpu.memory_space<vmem>>, vector<16xf32>,
      %mul3A_389 = arith.mulf %gather3A_381, %get3A_388 : vector<16xf32>
      %add3A_390 = arith.addf %add3A_364, %mul3A_389 : vector<16xf32>
      %mul3A_391 = arith.constant 16 : i32
      %mul3A_392 = arith.muli %scan3A_54, %mul3A_391 : i32
      %add3A_393 = arith.constant 12 : i32
      %add3A_394 = arith.addi %mul3A_392, %add3A_393 : i32
      %get3A_395 = arith.index_cast %add3A_394 : i32 to index
      %get3A_396 = arith.constant 16 : index
      %get3A_397 = tpu.vector_load %arg9[%get3A_395, %get3A_396] {strides = array<i32>} : memref<1200x32xf32, #tpu.memory_space<vmem>>, vector<16xf32>,
      %mul3A_398 = arith.mulf %gather3A_381, %get3A_397 : vector<16xf32>
      %add3A_399 = arith.addf %add3A_373, %mul3A_398 : vector<16xf32>
      %mul3A_400 = arith.constant 16 : i32
      %mul3A_401 = arith.muli %scan3A_54, %mul3A_400 : i32
      %add3A_402 = arith.constant 1200 : i32
      %add3A_403 = arith.addi %add3A_402, %mul3A_401 : i32
      %add3A_404 = arith.constant 13 : i32
      %add3A_405 = arith.addi %add3A_403, %add3A_404 : i32
      %broadcast_in_dim3A_406 = vector.broadcast %add3A_405 : i32 to vector<16xi32>
      %gather3A_407 = tpu.vector_load_idx %arg7[%broadcast_in_dim3A_406] : memref<3600xf32, #tpu.memory_space<vmem>>[vector<16xi32>], vector<16xf32>,
      %mul3A_408 = arith.constant 16 : i32
      %mul3A_409 = arith.muli %scan3A_54, %mul3A_408 : i32
      %add3A_410 = arith.constant 13 : i32
      %add3A_411 = arith.addi %mul3A_409, %add3A_410 : i32
      %get3A_412 = arith.index_cast %add3A_411 : i32 to index
      %get3A_413 = arith.constant 0 : index
      %get3A_414 = tpu.vector_load %arg9[%get3A_412, %get3A_413] {strides = array<i32>} : memref<1200x32xf32, #tpu.memory_space<vmem>>, vector<16xf32>,
      %mul3A_415 = arith.mulf %gather3A_407, %get3A_414 : vector<16xf32>
      %add3A_416 = arith.addf %add3A_390, %mul3A_415 : vector<16xf32>
      %mul3A_417 = arith.constant 16 : i32
      %mul3A_418 = arith.muli %scan3A_54, %mul3A_417 : i32
      %add3A_419 = arith.constant 13 : i32
      %add3A_420 = arith.addi %mul3A_418, %add3A_419 : i32
      %get3A_421 = arith.index_cast %add3A_420 : i32 to index
      %get3A_422 = arith.constant 16 : index
      %get3A_423 = tpu.vector_load %arg9[%get3A_421, %get3A_422] {strides = array<i32>} : memref<1200x32xf32, #tpu.memory_space<vmem>>, vector<16xf32>,
      %mul3A_424 = arith.mulf %gather3A_407, %get3A_423 : vector<16xf32>
      %add3A_425 = arith.addf %add3A_399, %mul3A_424 : vector<16xf32>
      %mul3A_426 = arith.constant 16 : i32
      %mul3A_427 = arith.muli %scan3A_54, %mul3A_426 : i32
      %add3A_428 = arith.constant 1200 : i32
      %add3A_429 = arith.addi %add3A_428, %mul3A_427 : i32
      %add3A_430 = arith.constant 14 : i32
      %add3A_431 = arith.addi %add3A_429, %add3A_430 : i32
      %broadcast_in_dim3A_432 = vector.broadcast %add3A_431 : i32 to vector<16xi32>
      %gather3A_433 = tpu.vector_load_idx %arg7[%broadcast_in_dim3A_432] : memref<3600xf32, #tpu.memory_space<vmem>>[vector<16xi32>], vector<16xf32>,
      %mul3A_434 = arith.constant 16 : i32
      %mul3A_435 = arith.muli %scan3A_54, %mul3A_434 : i32
      %add3A_436 = arith.constant 14 : i32
      %add3A_437 = arith.addi %mul3A_435, %add3A_436 : i32
      %get3A_438 = arith.index_cast %add3A_437 : i32 to index
      %get3A_439 = arith.constant 0 : index
      %get3A_440 = tpu.vector_load %arg9[%get3A_438, %get3A_439] {strides = array<i32>} : memref<1200x32xf32, #tpu.memory_space<vmem>>, vector<16xf32>,
      %mul3A_441 = arith.mulf %gather3A_433, %get3A_440 : vector<16xf32>
      %add3A_442 = arith.addf %add3A_416, %mul3A_441 : vector<16xf32>
      %mul3A_443 = arith.constant 16 : i32
      %mul3A_444 = arith.muli %scan3A_54, %mul3A_443 : i32
      %add3A_445 = arith.constant 14 : i32
      %add3A_446 = arith.addi %mul3A_444, %add3A_445 : i32
      %get3A_447 = arith.index_cast %add3A_446 : i32 to index
      %get3A_448 = arith.constant 16 : index
      %get3A_449 = tpu.vector_load %arg9[%get3A_447, %get3A_448] {strides = array<i32>} : memref<1200x32xf32, #tpu.memory_space<vmem>>, vector<16xf32>,
      %mul3A_450 = arith.mulf %gather3A_433, %get3A_449 : vector<16xf32>
      %add3A_451 = arith.addf %add3A_425, %mul3A_450 : vector<16xf32>
      %mul3A_452 = arith.constant 16 : i32
      %mul3A_453 = arith.muli %scan3A_54, %mul3A_452 : i32
      %add3A_454 = arith.constant 1200 : i32
      %add3A_455 = arith.addi %add3A_454, %mul3A_453 : i32
      %add3A_456 = arith.constant 15 : i32
      %add3A_457 = arith.addi %add3A_455, %add3A_456 : i32
      %broadcast_in_dim3A_458 = vector.broadcast %add3A_457 : i32 to vector<16xi32>
      %gather3A_459 = tpu.vector_load_idx %arg7[%broadcast_in_dim3A_458] : memref<3600xf32, #tpu.memory_space<vmem>>[vector<16xi32>], vector<16xf32>,
      %mul3A_460 = arith.constant 16 : i32
      %mul3A_461 = arith.muli %scan3A_54, %mul3A_460 : i32
      %add3A_462 = arith.constant 15 : i32
      %add3A_463 = arith.addi %mul3A_461, %add3A_462 : i32
      %get3A_464 = arith.index_cast %add3A_463 : i32 to index
      %get3A_465 = arith.constant 0 : index
      %get3A_466 = tpu.vector_load %arg9[%get3A_464, %get3A_465] {strides = array<i32>} : memref<1200x32xf32, #tpu.memory_space<vmem>>, vector<16xf32>,
      %mul3A_467 = arith.mulf %gather3A_459, %get3A_466 : vector<16xf32>
      %add3A_468 = arith.addf %add3A_442, %mul3A_467 : vector<16xf32>
      %mul3A_469 = arith.constant 16 : i32
      %mul3A_470 = arith.muli %scan3A_54, %mul3A_469 : i32
      %add3A_471 = arith.constant 15 : i32
      %add3A_472 = arith.addi %mul3A_470, %add3A_471 : i32
      %get3A_473 = arith.index_cast %add3A_472 : i32 to index
      %get3A_474 = arith.constant 16 : index
      %get3A_475 = tpu.vector_load %arg9[%get3A_473, %get3A_474] {strides = array<i32>} : memref<1200x32xf32, #tpu.memory_space<vmem>>, vector<16xf32>,
      %mul3A_476 = arith.mulf %gather3A_459, %get3A_475 : vector<16xf32>
      %add3A_477 = arith.addf %add3A_451, %mul3A_476 : vector<16xf32>
      %swap3A = arith.index_cast %multiple_of3A_60 : i32 to index
      %swap3A_478 = tpu.vector_load %arg10[%swap3A] {strides = array<i32>} : memref<7200xf32, #tpu.memory_space<vmem>>, vector<16xf32>,
      tpu.vector_store %arg10[%swap3A], %add3A_468 {strides = array<i32>} : memref<7200xf32, #tpu.memory_space<vmem>>, vector<16xf32>,
      %add3A_479 = arith.constant 16 : i32
      %add3A_480 = arith.addi %multiple_of3A_60, %add3A_479 : i32
      %swap3A_481 = arith.index_cast %add3A_480 : i32 to index
      %swap3A_482 = tpu.vector_load %arg10[%swap3A_481] {strides = array<i32>} : memref<7200xf32, #tpu.memory_space<vmem>>, vector<16xf32>,
      tpu.vector_store %arg10[%swap3A_481], %add3A_477 {strides = array<i32>} : memref<7200xf32, #tpu.memory_space<vmem>>, vector<16xf32>,
      %scan3A_483 = arith.constant 0 : i32
      scf.yield %scan3A_483 : i32
    }
    %scan3A_38 = arith.constant 75 : i32
    %dma_wait3A_39 = arith.constant 2400 : i32
    %dma_wait3A_40 = tpu.memref_slice %arg6[%dma_wait3A_39] : memref<3600xi32, #tpu.memory_space<vmem>> -> memref<1200xi32, #tpu.memory_space<vmem>>
    %dma_wait3A_41 = arith.constant 0 : i32
    %dma_wait3A_42 = arith.constant 0 : i32
    %dma_wait3A_43 = tpu.memref_slice %arg2[%dma_wait3A_41, %dma_wait3A_42] : memref<320000x32xf32, #tpu.memory_space<hbm>> -> memref<320000x32xf32, #tpu.memory_space<hbm>>
    tpu.wait_indirect_dma semaphore(%arg11 : memref<!tpu.dma_semaphore, #tpu.memory_space<semaphore_mem>>) src(%dma_wait3A_43 : memref<320000x32xf32, #tpu.memory_space<hbm>>) dst(%arg8 : memref<1200x32xf32, #tpu.memory_space<vmem>>)
    %scan3A_44 = arith.constant 0 : i32
    %scan3A_45 = arith.constant 0 : i32
    %scan3A_46 = arith.constant 75 : i32
    %scan3A_47 = arith.addi %scan3A_45, %scan3A_46 : i32
    %scan3A_48 = arith.constant 1 : i32
    %scan3A_49 = scf.for %scan3A_54 = %scan3A_45 to %scan3A_47 step %scan3A_48 iter_args(%scan3A_55 = %scan3A_44) -> (i32)  : i32 {
      %add3A_56 = arith.constant 150 : i32
      %add3A_57 = arith.addi %add3A_56, %scan3A_54 : i32
      %mul3A_58 = arith.constant 32 : i32
      %mul3A_59 = arith.muli %add3A_57, %mul3A_58 : i32
      %multiple_of3A_60 = tpu.assume_multiple %mul3A_59, 8 : i32
      %broadcast_in_dim3A = arith.constant 0.000000e+00 : f32
      %broadcast_in_dim3A_61 = vector.broadcast %broadcast_in_dim3A : f32 to vector<16xf32>
      %broadcast_in_dim3A_62 = arith.constant 0.000000e+00 : f32
      %broadcast_in_dim3A_63 = vector.broadcast %broadcast_in_dim3A_62 : f32 to vector<16xf32>
      %mul3A_64 = arith.constant 16 : i32
      %mul3A_65 = arith.muli %scan3A_54, %mul3A_64 : i32
      %add3A_66 = arith.constant 2400 : i32
      %add3A_67 = arith.addi %add3A_66, %mul3A_65 : i32
      %add3A_68 = arith.constant 0 : i32
      %add3A_69 = arith.addi %add3A_67, %add3A_68 : i32
      %broadcast_in_dim3A_70 = vector.broadcast %add3A_69 : i32 to vector<16xi32>
      %gather3A = tpu.vector_load_idx %arg7[%broadcast_in_dim3A_70] : memref<3600xf32, #tpu.memory_space<vmem>>[vector<16xi32>], vector<16xf32>,
      %mul3A_71 = arith.constant 16 : i32
      %mul3A_72 = arith.muli %scan3A_54, %mul3A_71 : i32
      %add3A_73 = arith.constant 0 : i32
      %add3A_74 = arith.addi %mul3A_72, %add3A_73 : i32
      %get3A = arith.index_cast %add3A_74 : i32 to index
      %get3A_75 = arith.constant 0 : index
      %get3A_76 = tpu.vector_load %arg8[%get3A, %get3A_75] {strides = array<i32>} : memref<1200x32xf32, #tpu.memory_space<vmem>>, vector<16xf32>,
      %mul3A_77 = arith.mulf %gather3A, %get3A_76 : vector<16xf32>
      %add3A_78 = arith.addf %broadcast_in_dim3A_61, %mul3A_77 : vector<16xf32>
      %mul3A_79 = arith.constant 16 : i32
      %mul3A_80 = arith.muli %scan3A_54, %mul3A_79 : i32
      %add3A_81 = arith.constant 0 : i32
      %add3A_82 = arith.addi %mul3A_80, %add3A_81 : i32
      %get3A_83 = arith.index_cast %add3A_82 : i32 to index
      %get3A_84 = arith.constant 16 : index
      %get3A_85 = tpu.vector_load %arg8[%get3A_83, %get3A_84] {strides = array<i32>} : memref<1200x32xf32, #tpu.memory_space<vmem>>, vector<16xf32>,
      %mul3A_86 = arith.mulf %gather3A, %get3A_85 : vector<16xf32>
      %add3A_87 = arith.addf %broadcast_in_dim3A_63, %mul3A_86 : vector<16xf32>
      %mul3A_88 = arith.constant 16 : i32
      %mul3A_89 = arith.muli %scan3A_54, %mul3A_88 : i32
      %add3A_90 = arith.constant 2400 : i32
      %add3A_91 = arith.addi %add3A_90, %mul3A_89 : i32
      %add3A_92 = arith.constant 1 : i32
      %add3A_93 = arith.addi %add3A_91, %add3A_92 : i32
      %broadcast_in_dim3A_94 = vector.broadcast %add3A_93 : i32 to vector<16xi32>
      %gather3A_95 = tpu.vector_load_idx %arg7[%broadcast_in_dim3A_94] : memref<3600xf32, #tpu.memory_space<vmem>>[vector<16xi32>], vector<16xf32>,
      %mul3A_96 = arith.constant 16 : i32
      %mul3A_97 = arith.muli %scan3A_54, %mul3A_96 : i32
      %add3A_98 = arith.constant 1 : i32
      %add3A_99 = arith.addi %mul3A_97, %add3A_98 : i32
      %get3A_100 = arith.index_cast %add3A_99 : i32 to index
      %get3A_101 = arith.constant 0 : index
      %get3A_102 = tpu.vector_load %arg8[%get3A_100, %get3A_101] {strides = array<i32>} : memref<1200x32xf32, #tpu.memory_space<vmem>>, vector<16xf32>,
      %mul3A_103 = arith.mulf %gather3A_95, %get3A_102 : vector<16xf32>
      %add3A_104 = arith.addf %add3A_78, %mul3A_103 : vector<16xf32>
      %mul3A_105 = arith.constant 16 : i32
      %mul3A_106 = arith.muli %scan3A_54, %mul3A_105 : i32
      %add3A_107 = arith.constant 1 : i32
      %add3A_108 = arith.addi %mul3A_106, %add3A_107 : i32
      %get3A_109 = arith.index_cast %add3A_108 : i32 to index
      %get3A_110 = arith.constant 16 : index
      %get3A_111 = tpu.vector_load %arg8[%get3A_109, %get3A_110] {strides = array<i32>} : memref<1200x32xf32, #tpu.memory_space<vmem>>, vector<16xf32>,
      %mul3A_112 = arith.mulf %gather3A_95, %get3A_111 : vector<16xf32>
      %add3A_113 = arith.addf %add3A_87, %mul3A_112 : vector<16xf32>
      %mul3A_114 = arith.constant 16 : i32
      %mul3A_115 = arith.muli %scan3A_54, %mul3A_114 : i32
      %add3A_116 = arith.constant 2400 : i32
      %add3A_117 = arith.addi %add3A_116, %mul3A_115 : i32
      %add3A_118 = arith.constant 2 : i32
      %add3A_119 = arith.addi %add3A_117, %add3A_118 : i32
      %broadcast_in_dim3A_120 = vector.broadcast %add3A_119 : i32 to vector<16xi32>
      %gather3A_121 = tpu.vector_load_idx %arg7[%broadcast_in_dim3A_120] : memref<3600xf32, #tpu.memory_space<vmem>>[vector<16xi32>], vector<16xf32>,
      %mul3A_122 = arith.constant 16 : i32
      %mul3A_123 = arith.muli %scan3A_54, %mul3A_122 : i32
      %add3A_124 = arith.constant 2 : i32
      %add3A_125 = arith.addi %mul3A_123, %add3A_124 : i32
      %get3A_126 = arith.index_cast %add3A_125 : i32 to index
      %get3A_127 = arith.constant 0 : index
      %get3A_128 = tpu.vector_load %arg8[%get3A_126, %get3A_127] {strides = array<i32>} : memref<1200x32xf32, #tpu.memory_space<vmem>>, vector<16xf32>,
      %mul3A_129 = arith.mulf %gather3A_121, %get3A_128 : vector<16xf32>
      %add3A_130 = arith.addf %add3A_104, %mul3A_129 : vector<16xf32>
      %mul3A_131 = arith.constant 16 : i32
      %mul3A_132 = arith.muli %scan3A_54, %mul3A_131 : i32
      %add3A_133 = arith.constant 2 : i32
      %add3A_134 = arith.addi %mul3A_132, %add3A_133 : i32
      %get3A_135 = arith.index_cast %add3A_134 : i32 to index
      %get3A_136 = arith.constant 16 : index
      %get3A_137 = tpu.vector_load %arg8[%get3A_135, %get3A_136] {strides = array<i32>} : memref<1200x32xf32, #tpu.memory_space<vmem>>, vector<16xf32>,
      %mul3A_138 = arith.mulf %gather3A_121, %get3A_137 : vector<16xf32>
      %add3A_139 = arith.addf %add3A_113, %mul3A_138 : vector<16xf32>
      %mul3A_140 = arith.constant 16 : i32
      %mul3A_141 = arith.muli %scan3A_54, %mul3A_140 : i32
      %add3A_142 = arith.constant 2400 : i32
      %add3A_143 = arith.addi %add3A_142, %mul3A_141 : i32
      %add3A_144 = arith.constant 3 : i32
      %add3A_145 = arith.addi %add3A_143, %add3A_144 : i32
      %broadcast_in_dim3A_146 = vector.broadcast %add3A_145 : i32 to vector<16xi32>
      %gather3A_147 = tpu.vector_load_idx %arg7[%broadcast_in_dim3A_146] : memref<3600xf32, #tpu.memory_space<vmem>>[vector<16xi32>], vector<16xf32>,
      %mul3A_148 = arith.constant 16 : i32
      %mul3A_149 = arith.muli %scan3A_54, %mul3A_148 : i32
      %add3A_150 = arith.constant 3 : i32
      %add3A_151 = arith.addi %mul3A_149, %add3A_150 : i32
      %get3A_152 = arith.index_cast %add3A_151 : i32 to index
      %get3A_153 = arith.constant 0 : index
      %get3A_154 = tpu.vector_load %arg8[%get3A_152, %get3A_153] {strides = array<i32>} : memref<1200x32xf32, #tpu.memory_space<vmem>>, vector<16xf32>,
      %mul3A_155 = arith.mulf %gather3A_147, %get3A_154 : vector<16xf32>
      %add3A_156 = arith.addf %add3A_130, %mul3A_155 : vector<16xf32>
      %mul3A_157 = arith.constant 16 : i32
      %mul3A_158 = arith.muli %scan3A_54, %mul3A_157 : i32
      %add3A_159 = arith.constant 3 : i32
      %add3A_160 = arith.addi %mul3A_158, %add3A_159 : i32
      %get3A_161 = arith.index_cast %add3A_160 : i32 to index
      %get3A_162 = arith.constant 16 : index
      %get3A_163 = tpu.vector_load %arg8[%get3A_161, %get3A_162] {strides = array<i32>} : memref<1200x32xf32, #tpu.memory_space<vmem>>, vector<16xf32>,
      %mul3A_164 = arith.mulf %gather3A_147, %get3A_163 : vector<16xf32>
      %add3A_165 = arith.addf %add3A_139, %mul3A_164 : vector<16xf32>
      %mul3A_166 = arith.constant 16 : i32
      %mul3A_167 = arith.muli %scan3A_54, %mul3A_166 : i32
      %add3A_168 = arith.constant 2400 : i32
      %add3A_169 = arith.addi %add3A_168, %mul3A_167 : i32
      %add3A_170 = arith.constant 4 : i32
      %add3A_171 = arith.addi %add3A_169, %add3A_170 : i32
      %broadcast_in_dim3A_172 = vector.broadcast %add3A_171 : i32 to vector<16xi32>
      %gather3A_173 = tpu.vector_load_idx %arg7[%broadcast_in_dim3A_172] : memref<3600xf32, #tpu.memory_space<vmem>>[vector<16xi32>], vector<16xf32>,
      %mul3A_174 = arith.constant 16 : i32
      %mul3A_175 = arith.muli %scan3A_54, %mul3A_174 : i32
      %add3A_176 = arith.constant 4 : i32
      %add3A_177 = arith.addi %mul3A_175, %add3A_176 : i32
      %get3A_178 = arith.index_cast %add3A_177 : i32 to index
      %get3A_179 = arith.constant 0 : index
      %get3A_180 = tpu.vector_load %arg8[%get3A_178, %get3A_179] {strides = array<i32>} : memref<1200x32xf32, #tpu.memory_space<vmem>>, vector<16xf32>,
      %mul3A_181 = arith.mulf %gather3A_173, %get3A_180 : vector<16xf32>
      %add3A_182 = arith.addf %add3A_156, %mul3A_181 : vector<16xf32>
      %mul3A_183 = arith.constant 16 : i32
      %mul3A_184 = arith.muli %scan3A_54, %mul3A_183 : i32
      %add3A_185 = arith.constant 4 : i32
      %add3A_186 = arith.addi %mul3A_184, %add3A_185 : i32
      %get3A_187 = arith.index_cast %add3A_186 : i32 to index
      %get3A_188 = arith.constant 16 : index
      %get3A_189 = tpu.vector_load %arg8[%get3A_187, %get3A_188] {strides = array<i32>} : memref<1200x32xf32, #tpu.memory_space<vmem>>, vector<16xf32>,
      %mul3A_190 = arith.mulf %gather3A_173, %get3A_189 : vector<16xf32>
      %add3A_191 = arith.addf %add3A_165, %mul3A_190 : vector<16xf32>
      %mul3A_192 = arith.constant 16 : i32
      %mul3A_193 = arith.muli %scan3A_54, %mul3A_192 : i32
      %add3A_194 = arith.constant 2400 : i32
      %add3A_195 = arith.addi %add3A_194, %mul3A_193 : i32
      %add3A_196 = arith.constant 5 : i32
      %add3A_197 = arith.addi %add3A_195, %add3A_196 : i32
      %broadcast_in_dim3A_198 = vector.broadcast %add3A_197 : i32 to vector<16xi32>
      %gather3A_199 = tpu.vector_load_idx %arg7[%broadcast_in_dim3A_198] : memref<3600xf32, #tpu.memory_space<vmem>>[vector<16xi32>], vector<16xf32>,
      %mul3A_200 = arith.constant 16 : i32
      %mul3A_201 = arith.muli %scan3A_54, %mul3A_200 : i32
      %add3A_202 = arith.constant 5 : i32
      %add3A_203 = arith.addi %mul3A_201, %add3A_202 : i32
      %get3A_204 = arith.index_cast %add3A_203 : i32 to index
      %get3A_205 = arith.constant 0 : index
      %get3A_206 = tpu.vector_load %arg8[%get3A_204, %get3A_205] {strides = array<i32>} : memref<1200x32xf32, #tpu.memory_space<vmem>>, vector<16xf32>,
      %mul3A_207 = arith.mulf %gather3A_199, %get3A_206 : vector<16xf32>
      %add3A_208 = arith.addf %add3A_182, %mul3A_207 : vector<16xf32>
      %mul3A_209 = arith.constant 16 : i32
      %mul3A_210 = arith.muli %scan3A_54, %mul3A_209 : i32
      %add3A_211 = arith.constant 5 : i32
      %add3A_212 = arith.addi %mul3A_210, %add3A_211 : i32
      %get3A_213 = arith.index_cast %add3A_212 : i32 to index
      %get3A_214 = arith.constant 16 : index
      %get3A_215 = tpu.vector_load %arg8[%get3A_213, %get3A_214] {strides = array<i32>} : memref<1200x32xf32, #tpu.memory_space<vmem>>, vector<16xf32>,
      %mul3A_216 = arith.mulf %gather3A_199, %get3A_215 : vector<16xf32>
      %add3A_217 = arith.addf %add3A_191, %mul3A_216 : vector<16xf32>
      %mul3A_218 = arith.constant 16 : i32
      %mul3A_219 = arith.muli %scan3A_54, %mul3A_218 : i32
      %add3A_220 = arith.constant 2400 : i32
      %add3A_221 = arith.addi %add3A_220, %mul3A_219 : i32
      %add3A_222 = arith.constant 6 : i32
      %add3A_223 = arith.addi %add3A_221, %add3A_222 : i32
      %broadcast_in_dim3A_224 = vector.broadcast %add3A_223 : i32 to vector<16xi32>
      %gather3A_225 = tpu.vector_load_idx %arg7[%broadcast_in_dim3A_224] : memref<3600xf32, #tpu.memory_space<vmem>>[vector<16xi32>], vector<16xf32>,
      %mul3A_226 = arith.constant 16 : i32
      %mul3A_227 = arith.muli %scan3A_54, %mul3A_226 : i32
      %add3A_228 = arith.constant 6 : i32
      %add3A_229 = arith.addi %mul3A_227, %add3A_228 : i32
      %get3A_230 = arith.index_cast %add3A_229 : i32 to index
      %get3A_231 = arith.constant 0 : index
      %get3A_232 = tpu.vector_load %arg8[%get3A_230, %get3A_231] {strides = array<i32>} : memref<1200x32xf32, #tpu.memory_space<vmem>>, vector<16xf32>,
      %mul3A_233 = arith.mulf %gather3A_225, %get3A_232 : vector<16xf32>
      %add3A_234 = arith.addf %add3A_208, %mul3A_233 : vector<16xf32>
      %mul3A_235 = arith.constant 16 : i32
      %mul3A_236 = arith.muli %scan3A_54, %mul3A_235 : i32
      %add3A_237 = arith.constant 6 : i32
      %add3A_238 = arith.addi %mul3A_236, %add3A_237 : i32
      %get3A_239 = arith.index_cast %add3A_238 : i32 to index
      %get3A_240 = arith.constant 16 : index
      %get3A_241 = tpu.vector_load %arg8[%get3A_239, %get3A_240] {strides = array<i32>} : memref<1200x32xf32, #tpu.memory_space<vmem>>, vector<16xf32>,
      %mul3A_242 = arith.mulf %gather3A_225, %get3A_241 : vector<16xf32>
      %add3A_243 = arith.addf %add3A_217, %mul3A_242 : vector<16xf32>
      %mul3A_244 = arith.constant 16 : i32
      %mul3A_245 = arith.muli %scan3A_54, %mul3A_244 : i32
      %add3A_246 = arith.constant 2400 : i32
      %add3A_247 = arith.addi %add3A_246, %mul3A_245 : i32
      %add3A_248 = arith.constant 7 : i32
      %add3A_249 = arith.addi %add3A_247, %add3A_248 : i32
      %broadcast_in_dim3A_250 = vector.broadcast %add3A_249 : i32 to vector<16xi32>
      %gather3A_251 = tpu.vector_load_idx %arg7[%broadcast_in_dim3A_250] : memref<3600xf32, #tpu.memory_space<vmem>>[vector<16xi32>], vector<16xf32>,
      %mul3A_252 = arith.constant 16 : i32
      %mul3A_253 = arith.muli %scan3A_54, %mul3A_252 : i32
      %add3A_254 = arith.constant 7 : i32
      %add3A_255 = arith.addi %mul3A_253, %add3A_254 : i32
      %get3A_256 = arith.index_cast %add3A_255 : i32 to index
      %get3A_257 = arith.constant 0 : index
      %get3A_258 = tpu.vector_load %arg8[%get3A_256, %get3A_257] {strides = array<i32>} : memref<1200x32xf32, #tpu.memory_space<vmem>>, vector<16xf32>,
      %mul3A_259 = arith.mulf %gather3A_251, %get3A_258 : vector<16xf32>
      %add3A_260 = arith.addf %add3A_234, %mul3A_259 : vector<16xf32>
      %mul3A_261 = arith.constant 16 : i32
      %mul3A_262 = arith.muli %scan3A_54, %mul3A_261 : i32
      %add3A_263 = arith.constant 7 : i32
      %add3A_264 = arith.addi %mul3A_262, %add3A_263 : i32
      %get3A_265 = arith.index_cast %add3A_264 : i32 to index
      %get3A_266 = arith.constant 16 : index
      %get3A_267 = tpu.vector_load %arg8[%get3A_265, %get3A_266] {strides = array<i32>} : memref<1200x32xf32, #tpu.memory_space<vmem>>, vector<16xf32>,
      %mul3A_268 = arith.mulf %gather3A_251, %get3A_267 : vector<16xf32>
      %add3A_269 = arith.addf %add3A_243, %mul3A_268 : vector<16xf32>
      %mul3A_270 = arith.constant 16 : i32
      %mul3A_271 = arith.muli %scan3A_54, %mul3A_270 : i32
      %add3A_272 = arith.constant 2400 : i32
      %add3A_273 = arith.addi %add3A_272, %mul3A_271 : i32
      %add3A_274 = arith.constant 8 : i32
      %add3A_275 = arith.addi %add3A_273, %add3A_274 : i32
      %broadcast_in_dim3A_276 = vector.broadcast %add3A_275 : i32 to vector<16xi32>
      %gather3A_277 = tpu.vector_load_idx %arg7[%broadcast_in_dim3A_276] : memref<3600xf32, #tpu.memory_space<vmem>>[vector<16xi32>], vector<16xf32>,
      %mul3A_278 = arith.constant 16 : i32
      %mul3A_279 = arith.muli %scan3A_54, %mul3A_278 : i32
      %add3A_280 = arith.constant 8 : i32
      %add3A_281 = arith.addi %mul3A_279, %add3A_280 : i32
      %get3A_282 = arith.index_cast %add3A_281 : i32 to index
      %get3A_283 = arith.constant 0 : index
      %get3A_284 = tpu.vector_load %arg8[%get3A_282, %get3A_283] {strides = array<i32>} : memref<1200x32xf32, #tpu.memory_space<vmem>>, vector<16xf32>,
      %mul3A_285 = arith.mulf %gather3A_277, %get3A_284 : vector<16xf32>
      %add3A_286 = arith.addf %add3A_260, %mul3A_285 : vector<16xf32>
      %mul3A_287 = arith.constant 16 : i32
      %mul3A_288 = arith.muli %scan3A_54, %mul3A_287 : i32
      %add3A_289 = arith.constant 8 : i32
      %add3A_290 = arith.addi %mul3A_288, %add3A_289 : i32
      %get3A_291 = arith.index_cast %add3A_290 : i32 to index
      %get3A_292 = arith.constant 16 : index
      %get3A_293 = tpu.vector_load %arg8[%get3A_291, %get3A_292] {strides = array<i32>} : memref<1200x32xf32, #tpu.memory_space<vmem>>, vector<16xf32>,
      %mul3A_294 = arith.mulf %gather3A_277, %get3A_293 : vector<16xf32>
      %add3A_295 = arith.addf %add3A_269, %mul3A_294 : vector<16xf32>
      %mul3A_296 = arith.constant 16 : i32
      %mul3A_297 = arith.muli %scan3A_54, %mul3A_296 : i32
      %add3A_298 = arith.constant 2400 : i32
      %add3A_299 = arith.addi %add3A_298, %mul3A_297 : i32
      %add3A_300 = arith.constant 9 : i32
      %add3A_301 = arith.addi %add3A_299, %add3A_300 : i32
      %broadcast_in_dim3A_302 = vector.broadcast %add3A_301 : i32 to vector<16xi32>
      %gather3A_303 = tpu.vector_load_idx %arg7[%broadcast_in_dim3A_302] : memref<3600xf32, #tpu.memory_space<vmem>>[vector<16xi32>], vector<16xf32>,
      %mul3A_304 = arith.constant 16 : i32
      %mul3A_305 = arith.muli %scan3A_54, %mul3A_304 : i32
      %add3A_306 = arith.constant 9 : i32
      %add3A_307 = arith.addi %mul3A_305, %add3A_306 : i32
      %get3A_308 = arith.index_cast %add3A_307 : i32 to index
      %get3A_309 = arith.constant 0 : index
      %get3A_310 = tpu.vector_load %arg8[%get3A_308, %get3A_309] {strides = array<i32>} : memref<1200x32xf32, #tpu.memory_space<vmem>>, vector<16xf32>,
      %mul3A_311 = arith.mulf %gather3A_303, %get3A_310 : vector<16xf32>
      %add3A_312 = arith.addf %add3A_286, %mul3A_311 : vector<16xf32>
      %mul3A_313 = arith.constant 16 : i32
      %mul3A_314 = arith.muli %scan3A_54, %mul3A_313 : i32
      %add3A_315 = arith.constant 9 : i32
      %add3A_316 = arith.addi %mul3A_314, %add3A_315 : i32
      %get3A_317 = arith.index_cast %add3A_316 : i32 to index
      %get3A_318 = arith.constant 16 : index
      %get3A_319 = tpu.vector_load %arg8[%get3A_317, %get3A_318] {strides = array<i32>} : memref<1200x32xf32, #tpu.memory_space<vmem>>, vector<16xf32>,
      %mul3A_320 = arith.mulf %gather3A_303, %get3A_319 : vector<16xf32>
      %add3A_321 = arith.addf %add3A_295, %mul3A_320 : vector<16xf32>
      %mul3A_322 = arith.constant 16 : i32
      %mul3A_323 = arith.muli %scan3A_54, %mul3A_322 : i32
      %add3A_324 = arith.constant 2400 : i32
      %add3A_325 = arith.addi %add3A_324, %mul3A_323 : i32
      %add3A_326 = arith.constant 10 : i32
      %add3A_327 = arith.addi %add3A_325, %add3A_326 : i32
      %broadcast_in_dim3A_328 = vector.broadcast %add3A_327 : i32 to vector<16xi32>
      %gather3A_329 = tpu.vector_load_idx %arg7[%broadcast_in_dim3A_328] : memref<3600xf32, #tpu.memory_space<vmem>>[vector<16xi32>], vector<16xf32>,
      %mul3A_330 = arith.constant 16 : i32
      %mul3A_331 = arith.muli %scan3A_54, %mul3A_330 : i32
      %add3A_332 = arith.constant 10 : i32
      %add3A_333 = arith.addi %mul3A_331, %add3A_332 : i32
      %get3A_334 = arith.index_cast %add3A_333 : i32 to index
      %get3A_335 = arith.constant 0 : index
      %get3A_336 = tpu.vector_load %arg8[%get3A_334, %get3A_335] {strides = array<i32>} : memref<1200x32xf32, #tpu.memory_space<vmem>>, vector<16xf32>,
      %mul3A_337 = arith.mulf %gather3A_329, %get3A_336 : vector<16xf32>
      %add3A_338 = arith.addf %add3A_312, %mul3A_337 : vector<16xf32>
      %mul3A_339 = arith.constant 16 : i32
      %mul3A_340 = arith.muli %scan3A_54, %mul3A_339 : i32
      %add3A_341 = arith.constant 10 : i32
      %add3A_342 = arith.addi %mul3A_340, %add3A_341 : i32
      %get3A_343 = arith.index_cast %add3A_342 : i32 to index
      %get3A_344 = arith.constant 16 : index
      %get3A_345 = tpu.vector_load %arg8[%get3A_343, %get3A_344] {strides = array<i32>} : memref<1200x32xf32, #tpu.memory_space<vmem>>, vector<16xf32>,
      %mul3A_346 = arith.mulf %gather3A_329, %get3A_345 : vector<16xf32>
      %add3A_347 = arith.addf %add3A_321, %mul3A_346 : vector<16xf32>
      %mul3A_348 = arith.constant 16 : i32
      %mul3A_349 = arith.muli %scan3A_54, %mul3A_348 : i32
      %add3A_350 = arith.constant 2400 : i32
      %add3A_351 = arith.addi %add3A_350, %mul3A_349 : i32
      %add3A_352 = arith.constant 11 : i32
      %add3A_353 = arith.addi %add3A_351, %add3A_352 : i32
      %broadcast_in_dim3A_354 = vector.broadcast %add3A_353 : i32 to vector<16xi32>
      %gather3A_355 = tpu.vector_load_idx %arg7[%broadcast_in_dim3A_354] : memref<3600xf32, #tpu.memory_space<vmem>>[vector<16xi32>], vector<16xf32>,
      %mul3A_356 = arith.constant 16 : i32
      %mul3A_357 = arith.muli %scan3A_54, %mul3A_356 : i32
      %add3A_358 = arith.constant 11 : i32
      %add3A_359 = arith.addi %mul3A_357, %add3A_358 : i32
      %get3A_360 = arith.index_cast %add3A_359 : i32 to index
      %get3A_361 = arith.constant 0 : index
      %get3A_362 = tpu.vector_load %arg8[%get3A_360, %get3A_361] {strides = array<i32>} : memref<1200x32xf32, #tpu.memory_space<vmem>>, vector<16xf32>,
      %mul3A_363 = arith.mulf %gather3A_355, %get3A_362 : vector<16xf32>
      %add3A_364 = arith.addf %add3A_338, %mul3A_363 : vector<16xf32>
      %mul3A_365 = arith.constant 16 : i32
      %mul3A_366 = arith.muli %scan3A_54, %mul3A_365 : i32
      %add3A_367 = arith.constant 11 : i32
      %add3A_368 = arith.addi %mul3A_366, %add3A_367 : i32
      %get3A_369 = arith.index_cast %add3A_368 : i32 to index
      %get3A_370 = arith.constant 16 : index
      %get3A_371 = tpu.vector_load %arg8[%get3A_369, %get3A_370] {strides = array<i32>} : memref<1200x32xf32, #tpu.memory_space<vmem>>, vector<16xf32>,
      %mul3A_372 = arith.mulf %gather3A_355, %get3A_371 : vector<16xf32>
      %add3A_373 = arith.addf %add3A_347, %mul3A_372 : vector<16xf32>
      %mul3A_374 = arith.constant 16 : i32
      %mul3A_375 = arith.muli %scan3A_54, %mul3A_374 : i32
      %add3A_376 = arith.constant 2400 : i32
      %add3A_377 = arith.addi %add3A_376, %mul3A_375 : i32
      %add3A_378 = arith.constant 12 : i32
      %add3A_379 = arith.addi %add3A_377, %add3A_378 : i32
      %broadcast_in_dim3A_380 = vector.broadcast %add3A_379 : i32 to vector<16xi32>
      %gather3A_381 = tpu.vector_load_idx %arg7[%broadcast_in_dim3A_380] : memref<3600xf32, #tpu.memory_space<vmem>>[vector<16xi32>], vector<16xf32>,
      %mul3A_382 = arith.constant 16 : i32
      %mul3A_383 = arith.muli %scan3A_54, %mul3A_382 : i32
      %add3A_384 = arith.constant 12 : i32
      %add3A_385 = arith.addi %mul3A_383, %add3A_384 : i32
      %get3A_386 = arith.index_cast %add3A_385 : i32 to index
      %get3A_387 = arith.constant 0 : index
      %get3A_388 = tpu.vector_load %arg8[%get3A_386, %get3A_387] {strides = array<i32>} : memref<1200x32xf32, #tpu.memory_space<vmem>>, vector<16xf32>,
      %mul3A_389 = arith.mulf %gather3A_381, %get3A_388 : vector<16xf32>
      %add3A_390 = arith.addf %add3A_364, %mul3A_389 : vector<16xf32>
      %mul3A_391 = arith.constant 16 : i32
      %mul3A_392 = arith.muli %scan3A_54, %mul3A_391 : i32
      %add3A_393 = arith.constant 12 : i32
      %add3A_394 = arith.addi %mul3A_392, %add3A_393 : i32
      %get3A_395 = arith.index_cast %add3A_394 : i32 to index
      %get3A_396 = arith.constant 16 : index
      %get3A_397 = tpu.vector_load %arg8[%get3A_395, %get3A_396] {strides = array<i32>} : memref<1200x32xf32, #tpu.memory_space<vmem>>, vector<16xf32>,
      %mul3A_398 = arith.mulf %gather3A_381, %get3A_397 : vector<16xf32>
      %add3A_399 = arith.addf %add3A_373, %mul3A_398 : vector<16xf32>
      %mul3A_400 = arith.constant 16 : i32
      %mul3A_401 = arith.muli %scan3A_54, %mul3A_400 : i32
      %add3A_402 = arith.constant 2400 : i32
      %add3A_403 = arith.addi %add3A_402, %mul3A_401 : i32
      %add3A_404 = arith.constant 13 : i32
      %add3A_405 = arith.addi %add3A_403, %add3A_404 : i32
      %broadcast_in_dim3A_406 = vector.broadcast %add3A_405 : i32 to vector<16xi32>
      %gather3A_407 = tpu.vector_load_idx %arg7[%broadcast_in_dim3A_406] : memref<3600xf32, #tpu.memory_space<vmem>>[vector<16xi32>], vector<16xf32>,
      %mul3A_408 = arith.constant 16 : i32
      %mul3A_409 = arith.muli %scan3A_54, %mul3A_408 : i32
      %add3A_410 = arith.constant 13 : i32
      %add3A_411 = arith.addi %mul3A_409, %add3A_410 : i32
      %get3A_412 = arith.index_cast %add3A_411 : i32 to index
      %get3A_413 = arith.constant 0 : index
      %get3A_414 = tpu.vector_load %arg8[%get3A_412, %get3A_413] {strides = array<i32>} : memref<1200x32xf32, #tpu.memory_space<vmem>>, vector<16xf32>,
      %mul3A_415 = arith.mulf %gather3A_407, %get3A_414 : vector<16xf32>
      %add3A_416 = arith.addf %add3A_390, %mul3A_415 : vector<16xf32>
      %mul3A_417 = arith.constant 16 : i32
      %mul3A_418 = arith.muli %scan3A_54, %mul3A_417 : i32
      %add3A_419 = arith.constant 13 : i32
      %add3A_420 = arith.addi %mul3A_418, %add3A_419 : i32
      %get3A_421 = arith.index_cast %add3A_420 : i32 to index
      %get3A_422 = arith.constant 16 : index
      %get3A_423 = tpu.vector_load %arg8[%get3A_421, %get3A_422] {strides = array<i32>} : memref<1200x32xf32, #tpu.memory_space<vmem>>, vector<16xf32>,
      %mul3A_424 = arith.mulf %gather3A_407, %get3A_423 : vector<16xf32>
      %add3A_425 = arith.addf %add3A_399, %mul3A_424 : vector<16xf32>
      %mul3A_426 = arith.constant 16 : i32
      %mul3A_427 = arith.muli %scan3A_54, %mul3A_426 : i32
      %add3A_428 = arith.constant 2400 : i32
      %add3A_429 = arith.addi %add3A_428, %mul3A_427 : i32
      %add3A_430 = arith.constant 14 : i32
      %add3A_431 = arith.addi %add3A_429, %add3A_430 : i32
      %broadcast_in_dim3A_432 = vector.broadcast %add3A_431 : i32 to vector<16xi32>
      %gather3A_433 = tpu.vector_load_idx %arg7[%broadcast_in_dim3A_432] : memref<3600xf32, #tpu.memory_space<vmem>>[vector<16xi32>], vector<16xf32>,
      %mul3A_434 = arith.constant 16 : i32
      %mul3A_435 = arith.muli %scan3A_54, %mul3A_434 : i32
      %add3A_436 = arith.constant 14 : i32
      %add3A_437 = arith.addi %mul3A_435, %add3A_436 : i32
      %get3A_438 = arith.index_cast %add3A_437 : i32 to index
      %get3A_439 = arith.constant 0 : index
      %get3A_440 = tpu.vector_load %arg8[%get3A_438, %get3A_439] {strides = array<i32>} : memref<1200x32xf32, #tpu.memory_space<vmem>>, vector<16xf32>,
      %mul3A_441 = arith.mulf %gather3A_433, %get3A_440 : vector<16xf32>
      %add3A_442 = arith.addf %add3A_416, %mul3A_441 : vector<16xf32>
      %mul3A_443 = arith.constant 16 : i32
      %mul3A_444 = arith.muli %scan3A_54, %mul3A_443 : i32
      %add3A_445 = arith.constant 14 : i32
      %add3A_446 = arith.addi %mul3A_444, %add3A_445 : i32
      %get3A_447 = arith.index_cast %add3A_446 : i32 to index
      %get3A_448 = arith.constant 16 : index
      %get3A_449 = tpu.vector_load %arg8[%get3A_447, %get3A_448] {strides = array<i32>} : memref<1200x32xf32, #tpu.memory_space<vmem>>, vector<16xf32>,
      %mul3A_450 = arith.mulf %gather3A_433, %get3A_449 : vector<16xf32>
      %add3A_451 = arith.addf %add3A_425, %mul3A_450 : vector<16xf32>
      %mul3A_452 = arith.constant 16 : i32
      %mul3A_453 = arith.muli %scan3A_54, %mul3A_452 : i32
      %add3A_454 = arith.constant 2400 : i32
      %add3A_455 = arith.addi %add3A_454, %mul3A_453 : i32
      %add3A_456 = arith.constant 15 : i32
      %add3A_457 = arith.addi %add3A_455, %add3A_456 : i32
      %broadcast_in_dim3A_458 = vector.broadcast %add3A_457 : i32 to vector<16xi32>
      %gather3A_459 = tpu.vector_load_idx %arg7[%broadcast_in_dim3A_458] : memref<3600xf32, #tpu.memory_space<vmem>>[vector<16xi32>], vector<16xf32>,
      %mul3A_460 = arith.constant 16 : i32
      %mul3A_461 = arith.muli %scan3A_54, %mul3A_460 : i32
      %add3A_462 = arith.constant 15 : i32
      %add3A_463 = arith.addi %mul3A_461, %add3A_462 : i32
      %get3A_464 = arith.index_cast %add3A_463 : i32 to index
      %get3A_465 = arith.constant 0 : index
      %get3A_466 = tpu.vector_load %arg8[%get3A_464, %get3A_465] {strides = array<i32>} : memref<1200x32xf32, #tpu.memory_space<vmem>>, vector<16xf32>,
      %mul3A_467 = arith.mulf %gather3A_459, %get3A_466 : vector<16xf32>
      %add3A_468 = arith.addf %add3A_442, %mul3A_467 : vector<16xf32>
      %mul3A_469 = arith.constant 16 : i32
      %mul3A_470 = arith.muli %scan3A_54, %mul3A_469 : i32
      %add3A_471 = arith.constant 15 : i32
      %add3A_472 = arith.addi %mul3A_470, %add3A_471 : i32
      %get3A_473 = arith.index_cast %add3A_472 : i32 to index
      %get3A_474 = arith.constant 16 : index
      %get3A_475 = tpu.vector_load %arg8[%get3A_473, %get3A_474] {strides = array<i32>} : memref<1200x32xf32, #tpu.memory_space<vmem>>, vector<16xf32>,
      %mul3A_476 = arith.mulf %gather3A_459, %get3A_475 : vector<16xf32>
      %add3A_477 = arith.addf %add3A_451, %mul3A_476 : vector<16xf32>
      %swap3A = arith.index_cast %multiple_of3A_60 : i32 to index
      %swap3A_478 = tpu.vector_load %arg10[%swap3A] {strides = array<i32>} : memref<7200xf32, #tpu.memory_space<vmem>>, vector<16xf32>,
      tpu.vector_store %arg10[%swap3A], %add3A_468 {strides = array<i32>} : memref<7200xf32, #tpu.memory_space<vmem>>, vector<16xf32>,
      %add3A_479 = arith.constant 16 : i32
      %add3A_480 = arith.addi %multiple_of3A_60, %add3A_479 : i32
      %swap3A_481 = arith.index_cast %add3A_480 : i32 to index
      %swap3A_482 = tpu.vector_load %arg10[%swap3A_481] {strides = array<i32>} : memref<7200xf32, #tpu.memory_space<vmem>>, vector<16xf32>,
      tpu.vector_store %arg10[%swap3A_481], %add3A_477 {strides = array<i32>} : memref<7200xf32, #tpu.memory_space<vmem>>, vector<16xf32>,
      %scan3A_483 = arith.constant 0 : i32
      scf.yield %scan3A_483 : i32
    }
    %scan3A_50 = arith.constant 75 : i32
    %mul3A_51 = arith.constant 7200 : i32
    %mul3A_52 = arith.muli %add3A, %mul3A_51 : i32
    %multiple_of3A_53 = tpu.assume_multiple %mul3A_52, 8 : i32
    "tpu.region"() ({
      %run_scoped3A = tpu.sem_alloc : memref<!tpu.dma_semaphore, #tpu.memory_space<semaphore_mem>>
      %dma_start3A_54 = tpu.memref_slice %arg5[%multiple_of3A_53] : memref<230400xf32, #tpu.memory_space<hbm>> -> memref<7200xf32, #tpu.memory_space<hbm>>
      %dma_start3A_55 = tpu.memref_slice %arg5[%multiple_of3A_53] : memref<230400xf32, #tpu.memory_space<hbm>> -> memref<7200xf32, #tpu.memory_space<hbm>>
      tpu.enqueue_dma source(%arg10 : memref<7200xf32, #tpu.memory_space<vmem>>) target(%dma_start3A_55 : memref<7200xf32, #tpu.memory_space<hbm>>) target_semaphore(%run_scoped3A : memref<!tpu.dma_semaphore, #tpu.memory_space<semaphore_mem>>)
      %dma_wait3A_56 = tpu.memref_slice %arg5[%multiple_of3A_53] : memref<230400xf32, #tpu.memory_space<hbm>> -> memref<7200xf32, #tpu.memory_space<hbm>>
      %dma_wait3A_57 = tpu.memref_slice %arg5[%multiple_of3A_53] : memref<230400xf32, #tpu.memory_space<hbm>> -> memref<7200xf32, #tpu.memory_space<hbm>>
      tpu.wait_dma2 semaphore(%run_scoped3A : memref<!tpu.dma_semaphore, #tpu.memory_space<semaphore_mem>>) src(%arg10 : memref<7200xf32, #tpu.memory_space<vmem>>) dst(%dma_wait3A_57 : memref<7200xf32, #tpu.memory_space<hbm>>)
      tpu.yield
    }) : () -> ()
    return
  }
}

module attributes {stable_mosaic.version = 14 : i64} {
  func.func @_vproj_body(%arg0: i32, %arg1: memref<4000x1x256xf32, #tpu.memory_space<vmem>>, %arg2: memref<256x256xf32, #tpu.memory_space<vmem>>, %arg3: memref<1x256xf32, #tpu.memory_space<vmem>>, %arg4: memref<4000x256xf32, #tpu.memory_space<vmem>>) attributes {dimension_semantics = [#tpu.dimension_semantics<arbitrary>], iteration_bounds = array<i64: 10>, scalar_prefetch = 0 : i64, scratch_operands = 0 : i64, tpu.core_type = #tpu.core_type<tc>, window_params = [{transform_indices = @transform_0, window_bounds = array<i64: 4000, 1, 256>}, {pipeline_mode = #tpu.pipeline_mode<synchronous>, transform_indices = @transform_1, window_bounds = array<i64: 256, 256>}, {pipeline_mode = #tpu.pipeline_mode<synchronous>, transform_indices = @transform_2, window_bounds = array<i64: 1, 256>}, {transform_indices = @transform_3, window_bounds = array<i64: 4000, 256>}]} {
    %get3A = arith.constant 0 : index
    %get3A_0 = arith.constant 0 : index
    %get3A_1 = arith.constant 0 : index
    %get3A_2 = vector.load %arg1[%get3A, %get3A_0, %get3A_1] : memref<4000x1x256xf32, #tpu.memory_space<vmem>>, vector<4000x1x256xf32>
    %reshape3A = vector.shape_cast %get3A_2 : vector<4000x1x256xf32> to vector<4000x256xf32>
    %get3A_3 = arith.constant 0 : index
    %get3A_4 = arith.constant 0 : index
    %get3A_5 = vector.load %arg2[%get3A_3, %get3A_4] : memref<256x256xf32, #tpu.memory_space<vmem>>, vector<256x256xf32>
    %dot_general3A = arith.constant dense<0.000000e+00> : vector<4000x256xf32>
    %dot_general3A_6 = tpu.matmul %reshape3A, %get3A_5, %dot_general3A {dimension_numbers = #tpu.dot_dimension_numbers<[1], [0], [0], [1], [0, 0, 1, 1], [], []>, transpose_lhs_hint = false} : vector<4000x256xf32>, vector<256x256xf32>, vector<4000x256xf32> -> vector<4000x256xf32>
    %get3A_7 = arith.constant 0 : index
    %get3A_8 = arith.constant 0 : index
    %get3A_9 = vector.load %arg3[%get3A_7, %get3A_8] : memref<1x256xf32, #tpu.memory_space<vmem>>, vector<1x256xf32>
    %add3A = vector.broadcast %get3A_9 : vector<1x256xf32> to vector<4000x256xf32>
    %add3A_10 = arith.addf %dot_general3A_6, %add3A : vector<4000x256xf32>
    %swap3A = arith.constant 0 : index
    %swap3A_11 = arith.constant 0 : index
    %swap3A_12 = vector.load %arg4[%swap3A, %swap3A_11] : memref<4000x256xf32, #tpu.memory_space<vmem>>, vector<4000x256xf32>
    tpu.vector_store %arg4[%swap3A, %swap3A_11], %add3A_10 {strides = array<i32>} : memref<4000x256xf32, #tpu.memory_space<vmem>>, vector<4000x256xf32>,
    return
  }
  func.func @transform_0(%arg0: i32) -> (i32, i32, i32) {
    %c0_i32 = arith.constant 0 : i32
    %c0_i32_0 = arith.constant 0 : i32
    %c0_i32_1 = arith.constant 0 : i32
    return %arg0, %c0_i32, %c0_i32_0 : i32, i32, i32
  }
  func.func @transform_1(%arg0: i32) -> (i32, i32) {
    %c0_i32 = arith.constant 0 : i32
    %c0_i32_0 = arith.constant 0 : i32
    %c0_i32_1 = arith.constant 0 : i32
    return %c0_i32, %c0_i32_0 : i32, i32
  }
  func.func @transform_2(%arg0: i32) -> (i32, i32) {
    %c0_i32 = arith.constant 0 : i32
    %c0_i32_0 = arith.constant 0 : i32
    %c0_i32_1 = arith.constant 0 : i32
    return %c0_i32, %c0_i32_0 : i32, i32
  }
  func.func @transform_3(%arg0: i32) -> (i32, i32) {
    %c0_i32 = arith.constant 0 : i32
    %c0_i32_0 = arith.constant 0 : i32
    return %arg0, %c0_i32 : i32, i32
  }
}

module attributes {stable_mosaic.version = 14 : i64} {
  func.func @_dense1_body(%arg0: memref<900x256xf32, #tpu.memory_space<vmem>>, %arg1: memref<900x256xf32, #tpu.memory_space<vmem>>, %arg2: memref<900x2xf32, #tpu.memory_space<vmem>>, %arg3: memref<256x256xf32, #tpu.memory_space<vmem>>, %arg4: memref<1x256xf32, #tpu.memory_space<vmem>>, %arg5: memref<256x256xf32, #tpu.memory_space<vmem>>, %arg6: memref<1x256xf32, #tpu.memory_space<vmem>>, %arg7: memref<256x256xf32, #tpu.memory_space<vmem>>, %arg8: memref<1x256xf32, #tpu.memory_space<vmem>>, %arg9: memref<256x256xf32, #tpu.memory_space<vmem>>, %arg10: memref<1x256xf32, #tpu.memory_space<vmem>>, %arg11: memref<1x256xf32, #tpu.memory_space<vmem>>, %arg12: memref<1x256xf32, #tpu.memory_space<vmem>>, %arg13: memref<256x32xf32, #tpu.memory_space<vmem>>, %arg14: memref<1x32xf32, #tpu.memory_space<vmem>>, %arg15: memref<256x32xf32, #tpu.memory_space<vmem>>, %arg16: memref<1x32xf32, #tpu.memory_space<vmem>>, %arg17: memref<256x32xf32, #tpu.memory_space<vmem>>, %arg18: memref<1x32xf32, #tpu.memory_space<vmem>>, %arg19: memref<900x256xf32, #tpu.memory_space<vmem>>, %arg20: memref<4x900x32xi32, #tpu.memory_space<vmem>>, %arg21: memref<4x900x32xf32, #tpu.memory_space<vmem>>) attributes {dimension_semantics = [], scalar_prefetch = 0 : i64, scratch_operands = 0 : i64, tpu.core_type = #tpu.core_type<tc>} {
    %get3A = arith.constant 0 : index
    %get3A_0 = arith.constant 0 : index
    %get3A_1 = vector.load %arg0[%get3A, %get3A_0] : memref<900x256xf32, #tpu.memory_space<vmem>>, vector<900x256xf32>
    %get3A_2 = arith.constant 0 : index
    %get3A_3 = arith.constant 0 : index
    %get3A_4 = vector.load %arg1[%get3A_2, %get3A_3] : memref<900x256xf32, #tpu.memory_space<vmem>>, vector<900x256xf32>
    %add3A = arith.addf %get3A_1, %get3A_4 : vector<900x256xf32>
    %sqrt3A = arith.constant 3.200000e+01 : f32
    %sqrt3A_5 = math.sqrt %sqrt3A : f32
    %div3A = arith.constant 1.000000e+00 : f32
    %div3A_6 = arith.divf %div3A, %sqrt3A_5 : f32
    %get3A_7 = arith.constant 0 : index
    %get3A_8 = arith.constant 0 : index
    %get3A_9 = vector.load %arg3[%get3A_7, %get3A_8] : memref<256x256xf32, #tpu.memory_space<vmem>>, vector<256x256xf32>
    %dot_general3A = arith.constant dense<0.000000e+00> : vector<900x256xf32>
    %dot_general3A_10 = tpu.matmul %add3A, %get3A_9, %dot_general3A {dimension_numbers = #tpu.dot_dimension_numbers<[1], [0], [0], [1], [0, 0, 1, 1], [], []>, transpose_lhs_hint = false} : vector<900x256xf32>, vector<256x256xf32>, vector<900x256xf32> -> vector<900x256xf32>
    %get3A_11 = arith.constant 0 : index
    %get3A_12 = arith.constant 0 : index
    %get3A_13 = vector.load %arg4[%get3A_11, %get3A_12] : memref<1x256xf32, #tpu.memory_space<vmem>>, vector<1x256xf32>
    %add3A_14 = vector.broadcast %get3A_13 : vector<1x256xf32> to vector<900x256xf32>
    %add3A_15 = arith.addf %dot_general3A_10, %add3A_14 : vector<900x256xf32>
    %mul3A = vector.broadcast %div3A_6 : f32 to vector<900x256xf32>
    %mul3A_16 = arith.mulf %add3A_15, %mul3A : vector<900x256xf32>
    %get3A_17 = arith.constant 0 : index
    %get3A_18 = arith.constant 0 : index
    %get3A_19 = vector.load %arg5[%get3A_17, %get3A_18] : memref<256x256xf32, #tpu.memory_space<vmem>>, vector<256x256xf32>
    %dot_general3A_20 = arith.constant dense<0.000000e+00> : vector<900x256xf32>
    %dot_general3A_21 = tpu.matmul %add3A, %get3A_19, %dot_general3A_20 {dimension_numbers = #tpu.dot_dimension_numbers<[1], [0], [0], [1], [0, 0, 1, 1], [], []>, transpose_lhs_hint = false} : vector<900x256xf32>, vector<256x256xf32>, vector<900x256xf32> -> vector<900x256xf32>
    %get3A_22 = arith.constant 0 : index
    %get3A_23 = arith.constant 0 : index
    %get3A_24 = vector.load %arg6[%get3A_22, %get3A_23] : memref<1x256xf32, #tpu.memory_space<vmem>>, vector<1x256xf32>
    %add3A_25 = vector.broadcast %get3A_24 : vector<1x256xf32> to vector<900x256xf32>
    %add3A_26 = arith.addf %dot_general3A_21, %add3A_25 : vector<900x256xf32>
    %get3A_27 = arith.constant 0 : index
    %get3A_28 = arith.constant 0 : index
    %get3A_29 = vector.load %arg7[%get3A_27, %get3A_28] : memref<256x256xf32, #tpu.memory_space<vmem>>, vector<256x256xf32>
    %dot_general3A_30 = arith.constant dense<0.000000e+00> : vector<900x256xf32>
    %dot_general3A_31 = tpu.matmul %get3A_1, %get3A_29, %dot_general3A_30 {dimension_numbers = #tpu.dot_dimension_numbers<[1], [0], [0], [1], [0, 0, 1, 1], [], []>, transpose_lhs_hint = false} : vector<900x256xf32>, vector<256x256xf32>, vector<900x256xf32> -> vector<900x256xf32>
    %get3A_32 = arith.constant 0 : index
    %get3A_33 = arith.constant 0 : index
    %get3A_34 = vector.load %arg8[%get3A_32, %get3A_33] : memref<1x256xf32, #tpu.memory_space<vmem>>, vector<1x256xf32>
    %add3A_35 = vector.broadcast %get3A_34 : vector<1x256xf32> to vector<900x256xf32>
    %add3A_36 = arith.addf %dot_general3A_31, %add3A_35 : vector<900x256xf32>
    %slice3A = vector.extract_strided_slice %mul3A_16 {offsets = [0, 0], sizes = [900, 32], strides = [1, 1]} : vector<900x256xf32> to vector<900x32xf32>
    %slice3A_37 = vector.extract_strided_slice %add3A_26 {offsets = [0, 0], sizes = [900, 32], strides = [1, 1]} : vector<900x256xf32> to vector<900x32xf32>
    %dot_general3A_38 = arith.constant dense<0.000000e+00> : vector<900x900xf32>
    %dot_general3A_39 = tpu.matmul %slice3A, %slice3A_37, %dot_general3A_38 {dimension_numbers = #tpu.dot_dimension_numbers<[1], [1], [0], [0], [0, 0, 1, 0], [], []>, transpose_lhs_hint = false} : vector<900x32xf32>, vector<900x32xf32>, vector<900x900xf32> -> vector<900x900xf32>
    %exp3A = math.exp %dot_general3A_39 : vector<900x900xf32>
    %reduce_sum3A = arith.constant dense<0.000000e+00> : vector<900xf32>
    %reduce_sum3A_40 = vector.multi_reduction <add>, %exp3A, %reduce_sum3A [1] : vector<900x900xf32> to vector<900xf32>
    %broadcast_in_dim3A = vector.shape_cast %reduce_sum3A_40 : vector<900xf32> to vector<900x1xf32>
    %div3A_41 = arith.constant 1.000000e+00 : f32
    %div3A_42 = vector.broadcast %div3A_41 : f32 to vector<900x1xf32>
    %div3A_43 = arith.divf %div3A_42, %broadcast_in_dim3A : vector<900x1xf32>
    %slice3A_44 = vector.extract_strided_slice %add3A_36 {offsets = [0, 0], sizes = [900, 32], strides = [1, 1]} : vector<900x256xf32> to vector<900x32xf32>
    %dot_general3A_45 = arith.constant dense<0.000000e+00> : vector<900x32xf32>
    %dot_general3A_46 = tpu.matmul %exp3A, %slice3A_44, %dot_general3A_45 {dimension_numbers = #tpu.dot_dimension_numbers<[1], [0], [0], [1], [0, 0, 1, 1], [], []>, transpose_lhs_hint = false} : vector<900x900xf32>, vector<900x32xf32>, vector<900x32xf32> -> vector<900x32xf32>
    %mul3A_47 = vector.broadcast %div3A_43 : vector<900x1xf32> to vector<900x32xf32>
    %mul3A_48 = arith.mulf %dot_general3A_46, %mul3A_47 : vector<900x32xf32>
    %slice3A_49 = vector.extract_strided_slice %mul3A_16 {offsets = [0, 32], sizes = [900, 32], strides = [1, 1]} : vector<900x256xf32> to vector<900x32xf32>
    %slice3A_50 = vector.extract_strided_slice %add3A_26 {offsets = [0, 32], sizes = [900, 32], strides = [1, 1]} : vector<900x256xf32> to vector<900x32xf32>
    %dot_general3A_51 = arith.constant dense<0.000000e+00> : vector<900x900xf32>
    %dot_general3A_52 = tpu.matmul %slice3A_49, %slice3A_50, %dot_general3A_51 {dimension_numbers = #tpu.dot_dimension_numbers<[1], [1], [0], [0], [0, 0, 1, 0], [], []>, transpose_lhs_hint = false} : vector<900x32xf32>, vector<900x32xf32>, vector<900x900xf32> -> vector<900x900xf32>
    %exp3A_53 = math.exp %dot_general3A_52 : vector<900x900xf32>
    %reduce_sum3A_54 = arith.constant dense<0.000000e+00> : vector<900xf32>
    %reduce_sum3A_55 = vector.multi_reduction <add>, %exp3A_53, %reduce_sum3A_54 [1] : vector<900x900xf32> to vector<900xf32>
    %broadcast_in_dim3A_56 = vector.shape_cast %reduce_sum3A_55 : vector<900xf32> to vector<900x1xf32>
    %div3A_57 = arith.constant 1.000000e+00 : f32
    %div3A_58 = vector.broadcast %div3A_57 : f32 to vector<900x1xf32>
    %div3A_59 = arith.divf %div3A_58, %broadcast_in_dim3A_56 : vector<900x1xf32>
    %slice3A_60 = vector.extract_strided_slice %add3A_36 {offsets = [0, 32], sizes = [900, 32], strides = [1, 1]} : vector<900x256xf32> to vector<900x32xf32>
    %dot_general3A_61 = arith.constant dense<0.000000e+00> : vector<900x32xf32>
    %dot_general3A_62 = tpu.matmul %exp3A_53, %slice3A_60, %dot_general3A_61 {dimension_numbers = #tpu.dot_dimension_numbers<[1], [0], [0], [1], [0, 0, 1, 1], [], []>, transpose_lhs_hint = false} : vector<900x900xf32>, vector<900x32xf32>, vector<900x32xf32> -> vector<900x32xf32>
    %mul3A_63 = vector.broadcast %div3A_59 : vector<900x1xf32> to vector<900x32xf32>
    %mul3A_64 = arith.mulf %dot_general3A_62, %mul3A_63 : vector<900x32xf32>
    %slice3A_65 = vector.extract_strided_slice %mul3A_16 {offsets = [0, 64], sizes = [900, 32], strides = [1, 1]} : vector<900x256xf32> to vector<900x32xf32>
    %slice3A_66 = vector.extract_strided_slice %add3A_26 {offsets = [0, 64], sizes = [900, 32], strides = [1, 1]} : vector<900x256xf32> to vector<900x32xf32>
    %dot_general3A_67 = arith.constant dense<0.000000e+00> : vector<900x900xf32>
    %dot_general3A_68 = tpu.matmul %slice3A_65, %slice3A_66, %dot_general3A_67 {dimension_numbers = #tpu.dot_dimension_numbers<[1], [1], [0], [0], [0, 0, 1, 0], [], []>, transpose_lhs_hint = false} : vector<900x32xf32>, vector<900x32xf32>, vector<900x900xf32> -> vector<900x900xf32>
    %exp3A_69 = math.exp %dot_general3A_68 : vector<900x900xf32>
    %reduce_sum3A_70 = arith.constant dense<0.000000e+00> : vector<900xf32>
    %reduce_sum3A_71 = vector.multi_reduction <add>, %exp3A_69, %reduce_sum3A_70 [1] : vector<900x900xf32> to vector<900xf32>
    %broadcast_in_dim3A_72 = vector.shape_cast %reduce_sum3A_71 : vector<900xf32> to vector<900x1xf32>
    %div3A_73 = arith.constant 1.000000e+00 : f32
    %div3A_74 = vector.broadcast %div3A_73 : f32 to vector<900x1xf32>
    %div3A_75 = arith.divf %div3A_74, %broadcast_in_dim3A_72 : vector<900x1xf32>
    %slice3A_76 = vector.extract_strided_slice %add3A_36 {offsets = [0, 64], sizes = [900, 32], strides = [1, 1]} : vector<900x256xf32> to vector<900x32xf32>
    %dot_general3A_77 = arith.constant dense<0.000000e+00> : vector<900x32xf32>
    %dot_general3A_78 = tpu.matmul %exp3A_69, %slice3A_76, %dot_general3A_77 {dimension_numbers = #tpu.dot_dimension_numbers<[1], [0], [0], [1], [0, 0, 1, 1], [], []>, transpose_lhs_hint = false} : vector<900x900xf32>, vector<900x32xf32>, vector<900x32xf32> -> vector<900x32xf32>
    %mul3A_79 = vector.broadcast %div3A_75 : vector<900x1xf32> to vector<900x32xf32>
    %mul3A_80 = arith.mulf %dot_general3A_78, %mul3A_79 : vector<900x32xf32>
    %slice3A_81 = vector.extract_strided_slice %mul3A_16 {offsets = [0, 96], sizes = [900, 32], strides = [1, 1]} : vector<900x256xf32> to vector<900x32xf32>
    %slice3A_82 = vector.extract_strided_slice %add3A_26 {offsets = [0, 96], sizes = [900, 32], strides = [1, 1]} : vector<900x256xf32> to vector<900x32xf32>
    %dot_general3A_83 = arith.constant dense<0.000000e+00> : vector<900x900xf32>
    %dot_general3A_84 = tpu.matmul %slice3A_81, %slice3A_82, %dot_general3A_83 {dimension_numbers = #tpu.dot_dimension_numbers<[1], [1], [0], [0], [0, 0, 1, 0], [], []>, transpose_lhs_hint = false} : vector<900x32xf32>, vector<900x32xf32>, vector<900x900xf32> -> vector<900x900xf32>
    %exp3A_85 = math.exp %dot_general3A_84 : vector<900x900xf32>
    %reduce_sum3A_86 = arith.constant dense<0.000000e+00> : vector<900xf32>
    %reduce_sum3A_87 = vector.multi_reduction <add>, %exp3A_85, %reduce_sum3A_86 [1] : vector<900x900xf32> to vector<900xf32>
    %broadcast_in_dim3A_88 = vector.shape_cast %reduce_sum3A_87 : vector<900xf32> to vector<900x1xf32>
    %div3A_89 = arith.constant 1.000000e+00 : f32
    %div3A_90 = vector.broadcast %div3A_89 : f32 to vector<900x1xf32>
    %div3A_91 = arith.divf %div3A_90, %broadcast_in_dim3A_88 : vector<900x1xf32>
    %slice3A_92 = vector.extract_strided_slice %add3A_36 {offsets = [0, 96], sizes = [900, 32], strides = [1, 1]} : vector<900x256xf32> to vector<900x32xf32>
    %dot_general3A_93 = arith.constant dense<0.000000e+00> : vector<900x32xf32>
    %dot_general3A_94 = tpu.matmul %exp3A_85, %slice3A_92, %dot_general3A_93 {dimension_numbers = #tpu.dot_dimension_numbers<[1], [0], [0], [1], [0, 0, 1, 1], [], []>, transpose_lhs_hint = false} : vector<900x900xf32>, vector<900x32xf32>, vector<900x32xf32> -> vector<900x32xf32>
    %mul3A_95 = vector.broadcast %div3A_91 : vector<900x1xf32> to vector<900x32xf32>
    %mul3A_96 = arith.mulf %dot_general3A_94, %mul3A_95 : vector<900x32xf32>
    %slice3A_97 = vector.extract_strided_slice %mul3A_16 {offsets = [0, 128], sizes = [900, 32], strides = [1, 1]} : vector<900x256xf32> to vector<900x32xf32>
    %slice3A_98 = vector.extract_strided_slice %add3A_26 {offsets = [0, 128], sizes = [900, 32], strides = [1, 1]} : vector<900x256xf32> to vector<900x32xf32>
    %dot_general3A_99 = arith.constant dense<0.000000e+00> : vector<900x900xf32>
    %dot_general3A_100 = tpu.matmul %slice3A_97, %slice3A_98, %dot_general3A_99 {dimension_numbers = #tpu.dot_dimension_numbers<[1], [1], [0], [0], [0, 0, 1, 0], [], []>, transpose_lhs_hint = false} : vector<900x32xf32>, vector<900x32xf32>, vector<900x900xf32> -> vector<900x900xf32>
    %exp3A_101 = math.exp %dot_general3A_100 : vector<900x900xf32>
    %reduce_sum3A_102 = arith.constant dense<0.000000e+00> : vector<900xf32>
    %reduce_sum3A_103 = vector.multi_reduction <add>, %exp3A_101, %reduce_sum3A_102 [1] : vector<900x900xf32> to vector<900xf32>
    %broadcast_in_dim3A_104 = vector.shape_cast %reduce_sum3A_103 : vector<900xf32> to vector<900x1xf32>
    %div3A_105 = arith.constant 1.000000e+00 : f32
    %div3A_106 = vector.broadcast %div3A_105 : f32 to vector<900x1xf32>
    %div3A_107 = arith.divf %div3A_106, %broadcast_in_dim3A_104 : vector<900x1xf32>
    %slice3A_108 = vector.extract_strided_slice %add3A_36 {offsets = [0, 128], sizes = [900, 32], strides = [1, 1]} : vector<900x256xf32> to vector<900x32xf32>
    %dot_general3A_109 = arith.constant dense<0.000000e+00> : vector<900x32xf32>
    %dot_general3A_110 = tpu.matmul %exp3A_101, %slice3A_108, %dot_general3A_109 {dimension_numbers = #tpu.dot_dimension_numbers<[1], [0], [0], [1], [0, 0, 1, 1], [], []>, transpose_lhs_hint = false} : vector<900x900xf32>, vector<900x32xf32>, vector<900x32xf32> -> vector<900x32xf32>
    %mul3A_111 = vector.broadcast %div3A_107 : vector<900x1xf32> to vector<900x32xf32>
    %mul3A_112 = arith.mulf %dot_general3A_110, %mul3A_111 : vector<900x32xf32>
    %slice3A_113 = vector.extract_strided_slice %mul3A_16 {offsets = [0, 160], sizes = [900, 32], strides = [1, 1]} : vector<900x256xf32> to vector<900x32xf32>
    %slice3A_114 = vector.extract_strided_slice %add3A_26 {offsets = [0, 160], sizes = [900, 32], strides = [1, 1]} : vector<900x256xf32> to vector<900x32xf32>
    %dot_general3A_115 = arith.constant dense<0.000000e+00> : vector<900x900xf32>
    %dot_general3A_116 = tpu.matmul %slice3A_113, %slice3A_114, %dot_general3A_115 {dimension_numbers = #tpu.dot_dimension_numbers<[1], [1], [0], [0], [0, 0, 1, 0], [], []>, transpose_lhs_hint = false} : vector<900x32xf32>, vector<900x32xf32>, vector<900x900xf32> -> vector<900x900xf32>
    %exp3A_117 = math.exp %dot_general3A_116 : vector<900x900xf32>
    %reduce_sum3A_118 = arith.constant dense<0.000000e+00> : vector<900xf32>
    %reduce_sum3A_119 = vector.multi_reduction <add>, %exp3A_117, %reduce_sum3A_118 [1] : vector<900x900xf32> to vector<900xf32>
    %broadcast_in_dim3A_120 = vector.shape_cast %reduce_sum3A_119 : vector<900xf32> to vector<900x1xf32>
    %div3A_121 = arith.constant 1.000000e+00 : f32
    %div3A_122 = vector.broadcast %div3A_121 : f32 to vector<900x1xf32>
    %div3A_123 = arith.divf %div3A_122, %broadcast_in_dim3A_120 : vector<900x1xf32>
    %slice3A_124 = vector.extract_strided_slice %add3A_36 {offsets = [0, 160], sizes = [900, 32], strides = [1, 1]} : vector<900x256xf32> to vector<900x32xf32>
    %dot_general3A_125 = arith.constant dense<0.000000e+00> : vector<900x32xf32>
    %dot_general3A_126 = tpu.matmul %exp3A_117, %slice3A_124, %dot_general3A_125 {dimension_numbers = #tpu.dot_dimension_numbers<[1], [0], [0], [1], [0, 0, 1, 1], [], []>, transpose_lhs_hint = false} : vector<900x900xf32>, vector<900x32xf32>, vector<900x32xf32> -> vector<900x32xf32>
    %mul3A_127 = vector.broadcast %div3A_123 : vector<900x1xf32> to vector<900x32xf32>
    %mul3A_128 = arith.mulf %dot_general3A_126, %mul3A_127 : vector<900x32xf32>
    %slice3A_129 = vector.extract_strided_slice %mul3A_16 {offsets = [0, 192], sizes = [900, 32], strides = [1, 1]} : vector<900x256xf32> to vector<900x32xf32>
    %slice3A_130 = vector.extract_strided_slice %add3A_26 {offsets = [0, 192], sizes = [900, 32], strides = [1, 1]} : vector<900x256xf32> to vector<900x32xf32>
    %dot_general3A_131 = arith.constant dense<0.000000e+00> : vector<900x900xf32>
    %dot_general3A_132 = tpu.matmul %slice3A_129, %slice3A_130, %dot_general3A_131 {dimension_numbers = #tpu.dot_dimension_numbers<[1], [1], [0], [0], [0, 0, 1, 0], [], []>, transpose_lhs_hint = false} : vector<900x32xf32>, vector<900x32xf32>, vector<900x900xf32> -> vector<900x900xf32>
    %exp3A_133 = math.exp %dot_general3A_132 : vector<900x900xf32>
    %reduce_sum3A_134 = arith.constant dense<0.000000e+00> : vector<900xf32>
    %reduce_sum3A_135 = vector.multi_reduction <add>, %exp3A_133, %reduce_sum3A_134 [1] : vector<900x900xf32> to vector<900xf32>
    %broadcast_in_dim3A_136 = vector.shape_cast %reduce_sum3A_135 : vector<900xf32> to vector<900x1xf32>
    %div3A_137 = arith.constant 1.000000e+00 : f32
    %div3A_138 = vector.broadcast %div3A_137 : f32 to vector<900x1xf32>
    %div3A_139 = arith.divf %div3A_138, %broadcast_in_dim3A_136 : vector<900x1xf32>
    %slice3A_140 = vector.extract_strided_slice %add3A_36 {offsets = [0, 192], sizes = [900, 32], strides = [1, 1]} : vector<900x256xf32> to vector<900x32xf32>
    %dot_general3A_141 = arith.constant dense<0.000000e+00> : vector<900x32xf32>
    %dot_general3A_142 = tpu.matmul %exp3A_133, %slice3A_140, %dot_general3A_141 {dimension_numbers = #tpu.dot_dimension_numbers<[1], [0], [0], [1], [0, 0, 1, 1], [], []>, transpose_lhs_hint = false} : vector<900x900xf32>, vector<900x32xf32>, vector<900x32xf32> -> vector<900x32xf32>
    %mul3A_143 = vector.broadcast %div3A_139 : vector<900x1xf32> to vector<900x32xf32>
    %mul3A_144 = arith.mulf %dot_general3A_142, %mul3A_143 : vector<900x32xf32>
    %slice3A_145 = vector.extract_strided_slice %mul3A_16 {offsets = [0, 224], sizes = [900, 32], strides = [1, 1]} : vector<900x256xf32> to vector<900x32xf32>
    %slice3A_146 = vector.extract_strided_slice %add3A_26 {offsets = [0, 224], sizes = [900, 32], strides = [1, 1]} : vector<900x256xf32> to vector<900x32xf32>
    %dot_general3A_147 = arith.constant dense<0.000000e+00> : vector<900x900xf32>
    %dot_general3A_148 = tpu.matmul %slice3A_145, %slice3A_146, %dot_general3A_147 {dimension_numbers = #tpu.dot_dimension_numbers<[1], [1], [0], [0], [0, 0, 1, 0], [], []>, transpose_lhs_hint = false} : vector<900x32xf32>, vector<900x32xf32>, vector<900x900xf32> -> vector<900x900xf32>
    %exp3A_149 = math.exp %dot_general3A_148 : vector<900x900xf32>
    %reduce_sum3A_150 = arith.constant dense<0.000000e+00> : vector<900xf32>
    %reduce_sum3A_151 = vector.multi_reduction <add>, %exp3A_149, %reduce_sum3A_150 [1] : vector<900x900xf32> to vector<900xf32>
    %broadcast_in_dim3A_152 = vector.shape_cast %reduce_sum3A_151 : vector<900xf32> to vector<900x1xf32>
    %div3A_153 = arith.constant 1.000000e+00 : f32
    %div3A_154 = vector.broadcast %div3A_153 : f32 to vector<900x1xf32>
    %div3A_155 = arith.divf %div3A_154, %broadcast_in_dim3A_152 : vector<900x1xf32>
    %slice3A_156 = vector.extract_strided_slice %add3A_36 {offsets = [0, 224], sizes = [900, 32], strides = [1, 1]} : vector<900x256xf32> to vector<900x32xf32>
    %dot_general3A_157 = arith.constant dense<0.000000e+00> : vector<900x32xf32>
    %dot_general3A_158 = tpu.matmul %exp3A_149, %slice3A_156, %dot_general3A_157 {dimension_numbers = #tpu.dot_dimension_numbers<[1], [0], [0], [1], [0, 0, 1, 1], [], []>, transpose_lhs_hint = false} : vector<900x900xf32>, vector<900x32xf32>, vector<900x32xf32> -> vector<900x32xf32>
    %mul3A_159 = vector.broadcast %div3A_155 : vector<900x1xf32> to vector<900x32xf32>
    %mul3A_160 = arith.mulf %dot_general3A_158, %mul3A_159 : vector<900x32xf32>
    %concatenate3A = tpu.concatenate %mul3A_48, %mul3A_64, %mul3A_80, %mul3A_96, %mul3A_112, %mul3A_128, %mul3A_144, %mul3A_160 in 1 : vector<900x32xf32>, vector<900x32xf32>, vector<900x32xf32>, vector<900x32xf32>, vector<900x32xf32>, vector<900x32xf32>, vector<900x32xf32>, vector<900x32xf32> -> vector<900x256xf32>
    %get3A_161 = arith.constant 0 : index
    %get3A_162 = arith.constant 0 : index
    %get3A_163 = vector.load %arg9[%get3A_161, %get3A_162] : memref<256x256xf32, #tpu.memory_space<vmem>>, vector<256x256xf32>
    %dot_general3A_164 = arith.constant dense<0.000000e+00> : vector<900x256xf32>
    %dot_general3A_165 = tpu.matmul %concatenate3A, %get3A_163, %dot_general3A_164 {dimension_numbers = #tpu.dot_dimension_numbers<[1], [0], [0], [1], [0, 0, 1, 1], [], []>, transpose_lhs_hint = false} : vector<900x256xf32>, vector<256x256xf32>, vector<900x256xf32> -> vector<900x256xf32>
    %get3A_166 = arith.constant 0 : index
    %get3A_167 = arith.constant 0 : index
    %get3A_168 = vector.load %arg10[%get3A_166, %get3A_167] : memref<1x256xf32, #tpu.memory_space<vmem>>, vector<1x256xf32>
    %add3A_169 = vector.broadcast %get3A_168 : vector<1x256xf32> to vector<900x256xf32>
    %add3A_170 = arith.addf %dot_general3A_165, %add3A_169 : vector<900x256xf32>
    %add3A_171 = arith.addf %get3A_1, %add3A_170 : vector<900x256xf32>
    %get3A_172 = arith.constant 0 : index
    %get3A_173 = arith.constant 0 : index
    %get3A_174 = vector.load %arg11[%get3A_172, %get3A_173] : memref<1x256xf32, #tpu.memory_space<vmem>>, vector<1x256xf32>
    %get3A_175 = arith.constant 0 : index
    %get3A_176 = arith.constant 0 : index
    %get3A_177 = vector.load %arg12[%get3A_175, %get3A_176] : memref<1x256xf32, #tpu.memory_space<vmem>>, vector<1x256xf32>
    %reduce_sum3A_178 = arith.constant dense<0.000000e+00> : vector<900xf32>
    %reduce_sum3A_179 = vector.multi_reduction <add>, %add3A_171, %reduce_sum3A_178 [1] : vector<900x256xf32> to vector<900xf32>
    %broadcast_in_dim3A_180 = vector.shape_cast %reduce_sum3A_179 : vector<900xf32> to vector<900x1xf32>
    %div3A_181 = arith.constant 2.560000e+02 : f32
    %div3A_182 = vector.broadcast %div3A_181 : f32 to vector<900x1xf32>
    %div3A_183 = arith.divf %broadcast_in_dim3A_180, %div3A_182 : vector<900x1xf32>
    %sub3A = vector.broadcast %div3A_183 : vector<900x1xf32> to vector<900x256xf32>
    %sub3A_184 = arith.subf %add3A_171, %sub3A : vector<900x256xf32>
    %integer_pow3A = arith.mulf %sub3A_184, %sub3A_184 : vector<900x256xf32>
    %reduce_sum3A_185 = arith.constant dense<0.000000e+00> : vector<900xf32>
    %reduce_sum3A_186 = vector.multi_reduction <add>, %integer_pow3A, %reduce_sum3A_185 [1] : vector<900x256xf32> to vector<900xf32>
    %broadcast_in_dim3A_187 = vector.shape_cast %reduce_sum3A_186 : vector<900xf32> to vector<900x1xf32>
    %div3A_188 = arith.constant 2.560000e+02 : f32
    %div3A_189 = vector.broadcast %div3A_188 : f32 to vector<900x1xf32>
    %div3A_190 = arith.divf %broadcast_in_dim3A_187, %div3A_189 : vector<900x1xf32>
    %sub3A_191 = vector.broadcast %div3A_183 : vector<900x1xf32> to vector<900x256xf32>
    %sub3A_192 = arith.subf %add3A_171, %sub3A_191 : vector<900x256xf32>
    %add3A_193 = arith.constant 9.99999974E-6 : f32
    %add3A_194 = vector.broadcast %add3A_193 : f32 to vector<900x1xf32>
    %add3A_195 = arith.addf %div3A_190, %add3A_194 : vector<900x1xf32>
    %sqrt3A_196 = math.sqrt %add3A_195 : vector<900x1xf32>
    %div3A_197 = vector.broadcast %sqrt3A_196 : vector<900x1xf32> to vector<900x256xf32>
    %div3A_198 = arith.divf %sub3A_192, %div3A_197 : vector<900x256xf32>
    %mul3A_199 = vector.broadcast %get3A_174 : vector<1x256xf32> to vector<900x256xf32>
    %mul3A_200 = arith.mulf %div3A_198, %mul3A_199 : vector<900x256xf32>
    %add3A_201 = vector.broadcast %get3A_177 : vector<1x256xf32> to vector<900x256xf32>
    %add3A_202 = arith.addf %mul3A_200, %add3A_201 : vector<900x256xf32>
    %swap3A = arith.constant 0 : index
    %swap3A_203 = arith.constant 0 : index
    %swap3A_204 = vector.load %arg19[%swap3A, %swap3A_203] : memref<900x256xf32, #tpu.memory_space<vmem>>, vector<900x256xf32>
    tpu.vector_store %arg19[%swap3A, %swap3A_203], %add3A_202 {strides = array<i32>} : memref<900x256xf32, #tpu.memory_space<vmem>>, vector<900x256xf32>,
    %add3A_205 = arith.addf %add3A_202, %get3A_4 : vector<900x256xf32>
    %get3A_206 = arith.constant 0 : index
    %get3A_207 = arith.constant 0 : index
    %get3A_208 = vector.load %arg13[%get3A_206, %get3A_207] : memref<256x32xf32, #tpu.memory_space<vmem>>, vector<256x32xf32>
    %dot_general3A_209 = arith.constant dense<0.000000e+00> : vector<900x32xf32>
    %dot_general3A_210 = tpu.matmul %add3A_205, %get3A_208, %dot_general3A_209 {dimension_numbers = #tpu.dot_dimension_numbers<[1], [0], [0], [1], [0, 0, 1, 1], [], []>, transpose_lhs_hint = false} : vector<900x256xf32>, vector<256x32xf32>, vector<900x32xf32> -> vector<900x32xf32>
    %get3A_211 = arith.constant 0 : index
    %get3A_212 = arith.constant 0 : index
    %get3A_213 = vector.load %arg14[%get3A_211, %get3A_212] : memref<1x32xf32, #tpu.memory_space<vmem>>, vector<1x32xf32>
    %add3A_214 = vector.broadcast %get3A_213 : vector<1x32xf32> to vector<900x32xf32>
    %add3A_215 = arith.addf %dot_general3A_210, %add3A_214 : vector<900x32xf32>
    %get3A_216 = arith.constant 0 : index
    %get3A_217 = arith.constant 0 : index
    %get3A_218 = vector.load %arg15[%get3A_216, %get3A_217] : memref<256x32xf32, #tpu.memory_space<vmem>>, vector<256x32xf32>
    %dot_general3A_219 = arith.constant dense<0.000000e+00> : vector<900x32xf32>
    %dot_general3A_220 = tpu.matmul %add3A_205, %get3A_218, %dot_general3A_219 {dimension_numbers = #tpu.dot_dimension_numbers<[1], [0], [0], [1], [0, 0, 1, 1], [], []>, transpose_lhs_hint = false} : vector<900x256xf32>, vector<256x32xf32>, vector<900x32xf32> -> vector<900x32xf32>
    %get3A_221 = arith.constant 0 : index
    %get3A_222 = arith.constant 0 : index
    %get3A_223 = vector.load %arg16[%get3A_221, %get3A_222] : memref<1x32xf32, #tpu.memory_space<vmem>>, vector<1x32xf32>
    %add3A_224 = vector.broadcast %get3A_223 : vector<1x32xf32> to vector<900x32xf32>
    %add3A_225 = arith.addf %dot_general3A_220, %add3A_224 : vector<900x32xf32>
    %get3A_226 = arith.constant 0 : index
    %get3A_227 = arith.constant 0 : index
    %get3A_228 = vector.load %arg17[%get3A_226, %get3A_227] : memref<256x32xf32, #tpu.memory_space<vmem>>, vector<256x32xf32>
    %dot_general3A_229 = arith.constant dense<0.000000e+00> : vector<900x32xf32>
    %dot_general3A_230 = tpu.matmul %add3A_205, %get3A_228, %dot_general3A_229 {dimension_numbers = #tpu.dot_dimension_numbers<[1], [0], [0], [1], [0, 0, 1, 1], [], []>, transpose_lhs_hint = false} : vector<900x256xf32>, vector<256x32xf32>, vector<900x32xf32> -> vector<900x32xf32>
    %get3A_231 = arith.constant 0 : index
    %get3A_232 = arith.constant 0 : index
    %get3A_233 = vector.load %arg18[%get3A_231, %get3A_232] : memref<1x32xf32, #tpu.memory_space<vmem>>, vector<1x32xf32>
    %add3A_234 = vector.broadcast %get3A_233 : vector<1x32xf32> to vector<900x32xf32>
    %add3A_235 = arith.addf %dot_general3A_230, %add3A_234 : vector<900x32xf32>
    %slice3A_236 = vector.extract_strided_slice %add3A_235 {offsets = [0, 0], sizes = [900, 4], strides = [1, 1]} : vector<900x32xf32> to vector<900x4xf32>
    %reduce_max3A = arith.constant dense<0xFF800000> : vector<900xf32>
    %reduce_max3A_237 = vector.multi_reduction <maximumf>, %slice3A_236, %reduce_max3A [1] : vector<900x4xf32> to vector<900xf32>
    %broadcast_in_dim3A_238 = vector.shape_cast %reduce_max3A_237 : vector<900xf32> to vector<900x1xf32>
    %sub3A_239 = vector.broadcast %broadcast_in_dim3A_238 : vector<900x1xf32> to vector<900x4xf32>
    %sub3A_240 = arith.subf %slice3A_236, %sub3A_239 : vector<900x4xf32>
    %exp3A_241 = math.exp %sub3A_240 : vector<900x4xf32>
    %reduce_sum3A_242 = arith.constant dense<0.000000e+00> : vector<900xf32>
    %reduce_sum3A_243 = vector.multi_reduction <add>, %exp3A_241, %reduce_sum3A_242 [1] : vector<900x4xf32> to vector<900xf32>
    %broadcast_in_dim3A_244 = vector.shape_cast %reduce_sum3A_243 : vector<900xf32> to vector<900x1xf32>
    %div3A_245 = vector.broadcast %broadcast_in_dim3A_244 : vector<900x1xf32> to vector<900x4xf32>
    %div3A_246 = arith.divf %exp3A_241, %div3A_245 : vector<900x4xf32>
    %slice3A_247 = vector.extract_strided_slice %add3A_235 {offsets = [0, 4], sizes = [900, 4], strides = [1, 1]} : vector<900x32xf32> to vector<900x4xf32>
    %reduce_max3A_248 = arith.constant dense<0xFF800000> : vector<900xf32>
    %reduce_max3A_249 = vector.multi_reduction <maximumf>, %slice3A_247, %reduce_max3A_248 [1] : vector<900x4xf32> to vector<900xf32>
    %broadcast_in_dim3A_250 = vector.shape_cast %reduce_max3A_249 : vector<900xf32> to vector<900x1xf32>
    %sub3A_251 = vector.broadcast %broadcast_in_dim3A_250 : vector<900x1xf32> to vector<900x4xf32>
    %sub3A_252 = arith.subf %slice3A_247, %sub3A_251 : vector<900x4xf32>
    %exp3A_253 = math.exp %sub3A_252 : vector<900x4xf32>
    %reduce_sum3A_254 = arith.constant dense<0.000000e+00> : vector<900xf32>
    %reduce_sum3A_255 = vector.multi_reduction <add>, %exp3A_253, %reduce_sum3A_254 [1] : vector<900x4xf32> to vector<900xf32>
    %broadcast_in_dim3A_256 = vector.shape_cast %reduce_sum3A_255 : vector<900xf32> to vector<900x1xf32>
    %div3A_257 = vector.broadcast %broadcast_in_dim3A_256 : vector<900x1xf32> to vector<900x4xf32>
    %div3A_258 = arith.divf %exp3A_253, %div3A_257 : vector<900x4xf32>
    %slice3A_259 = vector.extract_strided_slice %add3A_235 {offsets = [0, 8], sizes = [900, 4], strides = [1, 1]} : vector<900x32xf32> to vector<900x4xf32>
    %reduce_max3A_260 = arith.constant dense<0xFF800000> : vector<900xf32>
    %reduce_max3A_261 = vector.multi_reduction <maximumf>, %slice3A_259, %reduce_max3A_260 [1] : vector<900x4xf32> to vector<900xf32>
    %broadcast_in_dim3A_262 = vector.shape_cast %reduce_max3A_261 : vector<900xf32> to vector<900x1xf32>
    %sub3A_263 = vector.broadcast %broadcast_in_dim3A_262 : vector<900x1xf32> to vector<900x4xf32>
    %sub3A_264 = arith.subf %slice3A_259, %sub3A_263 : vector<900x4xf32>
    %exp3A_265 = math.exp %sub3A_264 : vector<900x4xf32>
    %reduce_sum3A_266 = arith.constant dense<0.000000e+00> : vector<900xf32>
    %reduce_sum3A_267 = vector.multi_reduction <add>, %exp3A_265, %reduce_sum3A_266 [1] : vector<900x4xf32> to vector<900xf32>
    %broadcast_in_dim3A_268 = vector.shape_cast %reduce_sum3A_267 : vector<900xf32> to vector<900x1xf32>
    %div3A_269 = vector.broadcast %broadcast_in_dim3A_268 : vector<900x1xf32> to vector<900x4xf32>
    %div3A_270 = arith.divf %exp3A_265, %div3A_269 : vector<900x4xf32>
    %slice3A_271 = vector.extract_strided_slice %add3A_235 {offsets = [0, 12], sizes = [900, 4], strides = [1, 1]} : vector<900x32xf32> to vector<900x4xf32>
    %reduce_max3A_272 = arith.constant dense<0xFF800000> : vector<900xf32>
    %reduce_max3A_273 = vector.multi_reduction <maximumf>, %slice3A_271, %reduce_max3A_272 [1] : vector<900x4xf32> to vector<900xf32>
    %broadcast_in_dim3A_274 = vector.shape_cast %reduce_max3A_273 : vector<900xf32> to vector<900x1xf32>
    %sub3A_275 = vector.broadcast %broadcast_in_dim3A_274 : vector<900x1xf32> to vector<900x4xf32>
    %sub3A_276 = arith.subf %slice3A_271, %sub3A_275 : vector<900x4xf32>
    %exp3A_277 = math.exp %sub3A_276 : vector<900x4xf32>
    %reduce_sum3A_278 = arith.constant dense<0.000000e+00> : vector<900xf32>
    %reduce_sum3A_279 = vector.multi_reduction <add>, %exp3A_277, %reduce_sum3A_278 [1] : vector<900x4xf32> to vector<900xf32>
    %broadcast_in_dim3A_280 = vector.shape_cast %reduce_sum3A_279 : vector<900xf32> to vector<900x1xf32>
    %div3A_281 = vector.broadcast %broadcast_in_dim3A_280 : vector<900x1xf32> to vector<900x4xf32>
    %div3A_282 = arith.divf %exp3A_277, %div3A_281 : vector<900x4xf32>
    %slice3A_283 = vector.extract_strided_slice %add3A_235 {offsets = [0, 16], sizes = [900, 4], strides = [1, 1]} : vector<900x32xf32> to vector<900x4xf32>
    %reduce_max3A_284 = arith.constant dense<0xFF800000> : vector<900xf32>
    %reduce_max3A_285 = vector.multi_reduction <maximumf>, %slice3A_283, %reduce_max3A_284 [1] : vector<900x4xf32> to vector<900xf32>
    %broadcast_in_dim3A_286 = vector.shape_cast %reduce_max3A_285 : vector<900xf32> to vector<900x1xf32>
    %sub3A_287 = vector.broadcast %broadcast_in_dim3A_286 : vector<900x1xf32> to vector<900x4xf32>
    %sub3A_288 = arith.subf %slice3A_283, %sub3A_287 : vector<900x4xf32>
    %exp3A_289 = math.exp %sub3A_288 : vector<900x4xf32>
    %reduce_sum3A_290 = arith.constant dense<0.000000e+00> : vector<900xf32>
    %reduce_sum3A_291 = vector.multi_reduction <add>, %exp3A_289, %reduce_sum3A_290 [1] : vector<900x4xf32> to vector<900xf32>
    %broadcast_in_dim3A_292 = vector.shape_cast %reduce_sum3A_291 : vector<900xf32> to vector<900x1xf32>
    %div3A_293 = vector.broadcast %broadcast_in_dim3A_292 : vector<900x1xf32> to vector<900x4xf32>
    %div3A_294 = arith.divf %exp3A_289, %div3A_293 : vector<900x4xf32>
    %slice3A_295 = vector.extract_strided_slice %add3A_235 {offsets = [0, 20], sizes = [900, 4], strides = [1, 1]} : vector<900x32xf32> to vector<900x4xf32>
    %reduce_max3A_296 = arith.constant dense<0xFF800000> : vector<900xf32>
    %reduce_max3A_297 = vector.multi_reduction <maximumf>, %slice3A_295, %reduce_max3A_296 [1] : vector<900x4xf32> to vector<900xf32>
    %broadcast_in_dim3A_298 = vector.shape_cast %reduce_max3A_297 : vector<900xf32> to vector<900x1xf32>
    %sub3A_299 = vector.broadcast %broadcast_in_dim3A_298 : vector<900x1xf32> to vector<900x4xf32>
    %sub3A_300 = arith.subf %slice3A_295, %sub3A_299 : vector<900x4xf32>
    %exp3A_301 = math.exp %sub3A_300 : vector<900x4xf32>
    %reduce_sum3A_302 = arith.constant dense<0.000000e+00> : vector<900xf32>
    %reduce_sum3A_303 = vector.multi_reduction <add>, %exp3A_301, %reduce_sum3A_302 [1] : vector<900x4xf32> to vector<900xf32>
    %broadcast_in_dim3A_304 = vector.shape_cast %reduce_sum3A_303 : vector<900xf32> to vector<900x1xf32>
    %div3A_305 = vector.broadcast %broadcast_in_dim3A_304 : vector<900x1xf32> to vector<900x4xf32>
    %div3A_306 = arith.divf %exp3A_301, %div3A_305 : vector<900x4xf32>
    %slice3A_307 = vector.extract_strided_slice %add3A_235 {offsets = [0, 24], sizes = [900, 4], strides = [1, 1]} : vector<900x32xf32> to vector<900x4xf32>
    %reduce_max3A_308 = arith.constant dense<0xFF800000> : vector<900xf32>
    %reduce_max3A_309 = vector.multi_reduction <maximumf>, %slice3A_307, %reduce_max3A_308 [1] : vector<900x4xf32> to vector<900xf32>
    %broadcast_in_dim3A_310 = vector.shape_cast %reduce_max3A_309 : vector<900xf32> to vector<900x1xf32>
    %sub3A_311 = vector.broadcast %broadcast_in_dim3A_310 : vector<900x1xf32> to vector<900x4xf32>
    %sub3A_312 = arith.subf %slice3A_307, %sub3A_311 : vector<900x4xf32>
    %exp3A_313 = math.exp %sub3A_312 : vector<900x4xf32>
    %reduce_sum3A_314 = arith.constant dense<0.000000e+00> : vector<900xf32>
    %reduce_sum3A_315 = vector.multi_reduction <add>, %exp3A_313, %reduce_sum3A_314 [1] : vector<900x4xf32> to vector<900xf32>
    %broadcast_in_dim3A_316 = vector.shape_cast %reduce_sum3A_315 : vector<900xf32> to vector<900x1xf32>
    %div3A_317 = vector.broadcast %broadcast_in_dim3A_316 : vector<900x1xf32> to vector<900x4xf32>
    %div3A_318 = arith.divf %exp3A_313, %div3A_317 : vector<900x4xf32>
    %slice3A_319 = vector.extract_strided_slice %add3A_235 {offsets = [0, 28], sizes = [900, 4], strides = [1, 1]} : vector<900x32xf32> to vector<900x4xf32>
    %reduce_max3A_320 = arith.constant dense<0xFF800000> : vector<900xf32>
    %reduce_max3A_321 = vector.multi_reduction <maximumf>, %slice3A_319, %reduce_max3A_320 [1] : vector<900x4xf32> to vector<900xf32>
    %broadcast_in_dim3A_322 = vector.shape_cast %reduce_max3A_321 : vector<900xf32> to vector<900x1xf32>
    %sub3A_323 = vector.broadcast %broadcast_in_dim3A_322 : vector<900x1xf32> to vector<900x4xf32>
    %sub3A_324 = arith.subf %slice3A_319, %sub3A_323 : vector<900x4xf32>
    %exp3A_325 = math.exp %sub3A_324 : vector<900x4xf32>
    %reduce_sum3A_326 = arith.constant dense<0.000000e+00> : vector<900xf32>
    %reduce_sum3A_327 = vector.multi_reduction <add>, %exp3A_325, %reduce_sum3A_326 [1] : vector<900x4xf32> to vector<900xf32>
    %broadcast_in_dim3A_328 = vector.shape_cast %reduce_sum3A_327 : vector<900xf32> to vector<900x1xf32>
    %div3A_329 = vector.broadcast %broadcast_in_dim3A_328 : vector<900x1xf32> to vector<900x4xf32>
    %div3A_330 = arith.divf %exp3A_325, %div3A_329 : vector<900x4xf32>
    %concatenate3A_331 = tpu.concatenate %div3A_246, %div3A_258, %div3A_270, %div3A_282, %div3A_294, %div3A_306, %div3A_318, %div3A_330 in 1 : vector<900x4xf32>, vector<900x4xf32>, vector<900x4xf32>, vector<900x4xf32>, vector<900x4xf32>, vector<900x4xf32>, vector<900x4xf32>, vector<900x4xf32> -> vector<900x32xf32>
    %get3A_332 = arith.constant 0 : index
    %get3A_333 = arith.constant 0 : index
    %get3A_334 = vector.load %arg2[%get3A_332, %get3A_333] : memref<900x2xf32, #tpu.memory_space<vmem>>, vector<900x1xf32>
    %get3A_335 = arith.constant 0 : index
    %get3A_336 = arith.constant 1 : index
    %get3A_337 = vector.load %arg2[%get3A_335, %get3A_336] : memref<900x2xf32, #tpu.memory_space<vmem>>, vector<900x1xf32>
    %div3A_338 = arith.constant 2.000000e+02 : f32
    %div3A_339 = vector.broadcast %div3A_338 : f32 to vector<900x32xf32>
    %div3A_340 = arith.divf %add3A_215, %div3A_339 : vector<900x32xf32>
    %add3A_341 = vector.broadcast %get3A_334 : vector<900x1xf32> to vector<900x32xf32>
    %add3A_342 = arith.addf %add3A_341, %div3A_340 : vector<900x32xf32>
    %mul3A_343 = arith.constant 2.000000e+02 : f32
    %mul3A_344 = vector.broadcast %mul3A_343 : f32 to vector<900x32xf32>
    %mul3A_345 = arith.mulf %add3A_342, %mul3A_344 : vector<900x32xf32>
    %sub3A_346 = arith.constant 5.000000e-01 : f32
    %sub3A_347 = vector.broadcast %sub3A_346 : f32 to vector<900x32xf32>
    %sub3A_348 = arith.subf %mul3A_345, %sub3A_347 : vector<900x32xf32>
    %div3A_349 = arith.constant 2.000000e+02 : f32
    %div3A_350 = vector.broadcast %div3A_349 : f32 to vector<900x32xf32>
    %div3A_351 = arith.divf %add3A_225, %div3A_350 : vector<900x32xf32>
    %add3A_352 = vector.broadcast %get3A_337 : vector<900x1xf32> to vector<900x32xf32>
    %add3A_353 = arith.addf %add3A_352, %div3A_351 : vector<900x32xf32>
    %mul3A_354 = arith.constant 2.000000e+02 : f32
    %mul3A_355 = vector.broadcast %mul3A_354 : f32 to vector<900x32xf32>
    %mul3A_356 = arith.mulf %add3A_353, %mul3A_355 : vector<900x32xf32>
    %sub3A_357 = arith.constant 5.000000e-01 : f32
    %sub3A_358 = vector.broadcast %sub3A_357 : f32 to vector<900x32xf32>
    %sub3A_359 = arith.subf %mul3A_356, %sub3A_358 : vector<900x32xf32>
    %floor3A = math.floor %sub3A_348 : vector<900x32xf32>
    %floor3A_360 = math.floor %sub3A_359 : vector<900x32xf32>
    %sub3A_361 = arith.subf %sub3A_348, %floor3A : vector<900x32xf32>
    %sub3A_362 = arith.subf %sub3A_359, %floor3A_360 : vector<900x32xf32>
    %iota3A = tpu.iota {dimensions = array<i32: 1>} : vector<900x32xi32>
    %jit3A = arith.constant 4 : i32
    %div3A_363 = vector.broadcast %jit3A : i32 to vector<900x32xi32>
    %div3A_364 = arith.divsi %iota3A, %div3A_363 : vector<900x32xi32>
    %sign3A = arith.constant 0 : i32
    %sign3A_365 = vector.broadcast %sign3A : i32 to vector<900x32xi32>
    %sign3A_366 = arith.cmpi sgt, %iota3A, %sign3A_365 : vector<900x32xi32>
    %sign3A_367 = arith.extui %sign3A_366 : vector<900x32xi1> to vector<900x32xi32>
    %sign3A_368 = arith.constant 0 : i32
    %sign3A_369 = vector.broadcast %sign3A_368 : i32 to vector<900x32xi32>
    %sign3A_370 = arith.cmpi slt, %iota3A, %sign3A_369 : vector<900x32xi32>
    %sign3A_371 = arith.extui %sign3A_370 : vector<900x32xi1> to vector<900x32xi32>
    %sign3A_372 = arith.subi %sign3A_367, %sign3A_371 : vector<900x32xi32>
    %sign3A_373 = arith.constant 0 : i32
    %sign3A_374 = arith.cmpi sgt, %jit3A, %sign3A_373 : i32
    %sign3A_375 = arith.extui %sign3A_374 : i1 to i32
    %sign3A_376 = arith.constant 0 : i32
    %sign3A_377 = arith.cmpi slt, %jit3A, %sign3A_376 : i32
    %sign3A_378 = arith.extui %sign3A_377 : i1 to i32
    %sign3A_379 = arith.subi %sign3A_375, %sign3A_378 : i32
    %ne3A = vector.broadcast %sign3A_379 : i32 to vector<900x32xi32>
    %ne3A_380 = arith.cmpi ne, %sign3A_372, %ne3A : vector<900x32xi32>
    %rem3A = vector.broadcast %jit3A : i32 to vector<900x32xi32>
    %rem3A_381 = arith.remsi %iota3A, %rem3A : vector<900x32xi32>
    %ne3A_382 = arith.constant 0 : i32
    %ne3A_383 = vector.broadcast %ne3A_382 : i32 to vector<900x32xi32>
    %ne3A_384 = arith.cmpi ne, %rem3A_381, %ne3A_383 : vector<900x32xi32>
    %and3A = arith.andi %ne3A_380, %ne3A_384 : vector<900x32xi1>
    %sub3A_385 = arith.constant 1 : i32
    %sub3A_386 = vector.broadcast %sub3A_385 : i32 to vector<900x32xi32>
    %sub3A_387 = arith.subi %div3A_364, %sub3A_386 : vector<900x32xi32>
    %select_n3A = arith.select %and3A, %sub3A_387, %div3A_364 : vector<900x32xi1>, vector<900x32xi32>
    %sub3A_388 = arith.constant 1.000000e+00 : f32
    %sub3A_389 = vector.broadcast %sub3A_388 : f32 to vector<900x32xf32>
    %sub3A_390 = arith.subf %sub3A_389, %sub3A_361 : vector<900x32xf32>
    %sub3A_391 = arith.constant 1.000000e+00 : f32
    %sub3A_392 = vector.broadcast %sub3A_391 : f32 to vector<900x32xf32>
    %sub3A_393 = arith.subf %sub3A_392, %sub3A_362 : vector<900x32xf32>
    %mul3A_394 = arith.mulf %sub3A_390, %sub3A_393 : vector<900x32xf32>
    %add3A_395 = arith.constant 1.000000e+00 : f32
    %add3A_396 = vector.broadcast %add3A_395 : f32 to vector<900x32xf32>
    %add3A_397 = arith.addf %floor3A, %add3A_396 : vector<900x32xf32>
    %sub3A_398 = arith.constant 1.000000e+00 : f32
    %sub3A_399 = vector.broadcast %sub3A_398 : f32 to vector<900x32xf32>
    %sub3A_400 = arith.subf %sub3A_399, %sub3A_362 : vector<900x32xf32>
    %mul3A_401 = arith.mulf %sub3A_361, %sub3A_400 : vector<900x32xf32>
    %add3A_402 = arith.constant 1.000000e+00 : f32
    %add3A_403 = vector.broadcast %add3A_402 : f32 to vector<900x32xf32>
    %add3A_404 = arith.addf %floor3A_360, %add3A_403 : vector<900x32xf32>
    %sub3A_405 = arith.constant 1.000000e+00 : f32
    %sub3A_406 = vector.broadcast %sub3A_405 : f32 to vector<900x32xf32>
    %sub3A_407 = arith.subf %sub3A_406, %sub3A_361 : vector<900x32xf32>
    %mul3A_408 = arith.mulf %sub3A_407, %sub3A_362 : vector<900x32xf32>
    %add3A_409 = arith.constant 1.000000e+00 : f32
    %add3A_410 = vector.broadcast %add3A_409 : f32 to vector<900x32xf32>
    %add3A_411 = arith.addf %floor3A, %add3A_410 : vector<900x32xf32>
    %add3A_412 = arith.constant 1.000000e+00 : f32
    %add3A_413 = vector.broadcast %add3A_412 : f32 to vector<900x32xf32>
    %add3A_414 = arith.addf %floor3A_360, %add3A_413 : vector<900x32xf32>
    %mul3A_415 = arith.mulf %sub3A_361, %sub3A_362 : vector<900x32xf32>
    %ge3A = arith.constant 0.000000e+00 : f32
    %ge3A_416 = vector.broadcast %ge3A : f32 to vector<900x32xf32>
    %ge3A_417 = arith.cmpf oge, %floor3A, %ge3A_416 : vector<900x32xf32>
    %lt3A = arith.constant 2.000000e+02 : f32
    %lt3A_418 = vector.broadcast %lt3A : f32 to vector<900x32xf32>
    %lt3A_419 = arith.cmpf olt, %floor3A, %lt3A_418 : vector<900x32xf32>
    %and3A_420 = arith.andi %ge3A_417, %lt3A_419 : vector<900x32xi1>
    %ge3A_421 = arith.constant 0.000000e+00 : f32
    %ge3A_422 = vector.broadcast %ge3A_421 : f32 to vector<900x32xf32>
    %ge3A_423 = arith.cmpf oge, %floor3A_360, %ge3A_422 : vector<900x32xf32>
    %and3A_424 = arith.andi %and3A_420, %ge3A_423 : vector<900x32xi1>
    %lt3A_425 = arith.constant 2.000000e+02 : f32
    %lt3A_426 = vector.broadcast %lt3A_425 : f32 to vector<900x32xf32>
    %lt3A_427 = arith.cmpf olt, %floor3A_360, %lt3A_426 : vector<900x32xf32>
    %and3A_428 = arith.andi %and3A_424, %lt3A_427 : vector<900x32xi1>
    %convert_element_type3A = arith.extui %and3A_428 : vector<900x32xi1> to vector<900x32xi32>
    %convert_element_type3A_429 = arith.sitofp %convert_element_type3A : vector<900x32xi32> to vector<900x32xf32>
    %jit3A_430 = arith.constant 0 : i32
    %jit3A_431 = arith.constant 199 : i32
    %convert_element_type3A_432 = arith.sitofp %jit3A_430 : i32 to f32
    %max3A = vector.broadcast %convert_element_type3A_432 : f32 to vector<900x32xf32>
    %max3A_433 = arith.maximumf %max3A, %floor3A : vector<900x32xf32>
    %convert_element_type3A_434 = arith.sitofp %jit3A_431 : i32 to f32
    %min3A = vector.broadcast %convert_element_type3A_434 : f32 to vector<900x32xf32>
    %min3A_435 = arith.minimumf %min3A, %max3A_433 : vector<900x32xf32>
    %convert_element_type3A_436 = arith.fptosi %min3A_435 : vector<900x32xf32> to vector<900x32xi32>
    %jit3A_437 = arith.constant 0 : i32
    %jit3A_438 = arith.constant 199 : i32
    %convert_element_type3A_439 = arith.sitofp %jit3A_437 : i32 to f32
    %max3A_440 = vector.broadcast %convert_element_type3A_439 : f32 to vector<900x32xf32>
    %max3A_441 = arith.maximumf %max3A_440, %floor3A_360 : vector<900x32xf32>
    %convert_element_type3A_442 = arith.sitofp %jit3A_438 : i32 to f32
    %min3A_443 = vector.broadcast %convert_element_type3A_442 : f32 to vector<900x32xf32>
    %min3A_444 = arith.minimumf %min3A_443, %max3A_441 : vector<900x32xf32>
    %convert_element_type3A_445 = arith.fptosi %min3A_444 : vector<900x32xf32> to vector<900x32xi32>
    %mul3A_446 = arith.constant 200 : i32
    %mul3A_447 = vector.broadcast %mul3A_446 : i32 to vector<900x32xi32>
    %mul3A_448 = arith.muli %convert_element_type3A_445, %mul3A_447 : vector<900x32xi32>
    %add3A_449 = arith.addi %mul3A_448, %convert_element_type3A_436 : vector<900x32xi32>
    %mul3A_450 = arith.constant 8 : i32
    %mul3A_451 = vector.broadcast %mul3A_450 : i32 to vector<900x32xi32>
    %mul3A_452 = arith.muli %add3A_449, %mul3A_451 : vector<900x32xi32>
    %add3A_453 = arith.addi %mul3A_452, %select_n3A : vector<900x32xi32>
    %swap3A_454 = arith.constant 0 : index
    %swap3A_455 = arith.constant 0 : index
    %swap3A_456 = arith.constant 0 : index
    %swap3A_457 = vector.load %arg20[%swap3A_454, %swap3A_455, %swap3A_456] : memref<4x900x32xi32, #tpu.memory_space<vmem>>, vector<1x900x32xi32>
    %swap3A_458 = vector.shape_cast %swap3A_457 : vector<1x900x32xi32> to vector<900x32xi32>
    %swap3A_459 = vector.shape_cast %add3A_453 : vector<900x32xi32> to vector<1x900x32xi32>
    tpu.vector_store %arg20[%swap3A_454, %swap3A_455, %swap3A_456], %swap3A_459 {strides = array<i32>} : memref<4x900x32xi32, #tpu.memory_space<vmem>>, vector<1x900x32xi32>,
    %mul3A_460 = arith.mulf %mul3A_394, %convert_element_type3A_429 : vector<900x32xf32>
    %mul3A_461 = arith.mulf %mul3A_460, %concatenate3A_331 : vector<900x32xf32>
    %swap3A_462 = arith.constant 0 : index
    %swap3A_463 = arith.constant 0 : index
    %swap3A_464 = arith.constant 0 : index
    %swap3A_465 = vector.load %arg21[%swap3A_462, %swap3A_463, %swap3A_464] : memref<4x900x32xf32, #tpu.memory_space<vmem>>, vector<1x900x32xf32>
    %swap3A_466 = vector.shape_cast %swap3A_465 : vector<1x900x32xf32> to vector<900x32xf32>
    %swap3A_467 = vector.shape_cast %mul3A_461 : vector<900x32xf32> to vector<1x900x32xf32>
    tpu.vector_store %arg21[%swap3A_462, %swap3A_463, %swap3A_464], %swap3A_467 {strides = array<i32>} : memref<4x900x32xf32, #tpu.memory_space<vmem>>, vector<1x900x32xf32>,
    %ge3A_468 = arith.constant 0.000000e+00 : f32
    %ge3A_469 = vector.broadcast %ge3A_468 : f32 to vector<900x32xf32>
    %ge3A_470 = arith.cmpf oge, %add3A_397, %ge3A_469 : vector<900x32xf32>
    %lt3A_471 = arith.constant 2.000000e+02 : f32
    %lt3A_472 = vector.broadcast %lt3A_471 : f32 to vector<900x32xf32>
    %lt3A_473 = arith.cmpf olt, %add3A_397, %lt3A_472 : vector<900x32xf32>
    %and3A_474 = arith.andi %ge3A_470, %lt3A_473 : vector<900x32xi1>
    %ge3A_475 = arith.constant 0.000000e+00 : f32
    %ge3A_476 = vector.broadcast %ge3A_475 : f32 to vector<900x32xf32>
    %ge3A_477 = arith.cmpf oge, %floor3A_360, %ge3A_476 : vector<900x32xf32>
    %and3A_478 = arith.andi %and3A_474, %ge3A_477 : vector<900x32xi1>
    %lt3A_479 = arith.constant 2.000000e+02 : f32
    %lt3A_480 = vector.broadcast %lt3A_479 : f32 to vector<900x32xf32>
    %lt3A_481 = arith.cmpf olt, %floor3A_360, %lt3A_480 : vector<900x32xf32>
    %and3A_482 = arith.andi %and3A_478, %lt3A_481 : vector<900x32xi1>
    %convert_element_type3A_483 = arith.extui %and3A_482 : vector<900x32xi1> to vector<900x32xi32>
    %convert_element_type3A_484 = arith.sitofp %convert_element_type3A_483 : vector<900x32xi32> to vector<900x32xf32>
    %jit3A_485 = arith.constant 0 : i32
    %jit3A_486 = arith.constant 199 : i32
    %convert_element_type3A_487 = arith.sitofp %jit3A_485 : i32 to f32
    %max3A_488 = vector.broadcast %convert_element_type3A_487 : f32 to vector<900x32xf32>
    %max3A_489 = arith.maximumf %max3A_488, %add3A_397 : vector<900x32xf32>
    %convert_element_type3A_490 = arith.sitofp %jit3A_486 : i32 to f32
    %min3A_491 = vector.broadcast %convert_element_type3A_490 : f32 to vector<900x32xf32>
    %min3A_492 = arith.minimumf %min3A_491, %max3A_489 : vector<900x32xf32>
    %convert_element_type3A_493 = arith.fptosi %min3A_492 : vector<900x32xf32> to vector<900x32xi32>
    %jit3A_494 = arith.constant 0 : i32
    %jit3A_495 = arith.constant 199 : i32
    %convert_element_type3A_496 = arith.sitofp %jit3A_494 : i32 to f32
    %max3A_497 = vector.broadcast %convert_element_type3A_496 : f32 to vector<900x32xf32>
    %max3A_498 = arith.maximumf %max3A_497, %floor3A_360 : vector<900x32xf32>
    %convert_element_type3A_499 = arith.sitofp %jit3A_495 : i32 to f32
    %min3A_500 = vector.broadcast %convert_element_type3A_499 : f32 to vector<900x32xf32>
    %min3A_501 = arith.minimumf %min3A_500, %max3A_498 : vector<900x32xf32>
    %convert_element_type3A_502 = arith.fptosi %min3A_501 : vector<900x32xf32> to vector<900x32xi32>
    %mul3A_503 = arith.constant 200 : i32
    %mul3A_504 = vector.broadcast %mul3A_503 : i32 to vector<900x32xi32>
    %mul3A_505 = arith.muli %convert_element_type3A_502, %mul3A_504 : vector<900x32xi32>
    %add3A_506 = arith.addi %mul3A_505, %convert_element_type3A_493 : vector<900x32xi32>
    %mul3A_507 = arith.constant 8 : i32
    %mul3A_508 = vector.broadcast %mul3A_507 : i32 to vector<900x32xi32>
    %mul3A_509 = arith.muli %add3A_506, %mul3A_508 : vector<900x32xi32>
    %add3A_510 = arith.addi %mul3A_509, %select_n3A : vector<900x32xi32>
    %swap3A_511 = arith.constant 1 : index
    %swap3A_512 = arith.constant 0 : index
    %swap3A_513 = arith.constant 0 : index
    %swap3A_514 = vector.load %arg20[%swap3A_511, %swap3A_512, %swap3A_513] : memref<4x900x32xi32, #tpu.memory_space<vmem>>, vector<1x900x32xi32>
    %swap3A_515 = vector.shape_cast %swap3A_514 : vector<1x900x32xi32> to vector<900x32xi32>
    %swap3A_516 = vector.shape_cast %add3A_510 : vector<900x32xi32> to vector<1x900x32xi32>
    tpu.vector_store %arg20[%swap3A_511, %swap3A_512, %swap3A_513], %swap3A_516 {strides = array<i32>} : memref<4x900x32xi32, #tpu.memory_space<vmem>>, vector<1x900x32xi32>,
    %mul3A_517 = arith.mulf %mul3A_401, %convert_element_type3A_484 : vector<900x32xf32>
    %mul3A_518 = arith.mulf %mul3A_517, %concatenate3A_331 : vector<900x32xf32>
    %swap3A_519 = arith.constant 1 : index
    %swap3A_520 = arith.constant 0 : index
    %swap3A_521 = arith.constant 0 : index
    %swap3A_522 = vector.load %arg21[%swap3A_519, %swap3A_520, %swap3A_521] : memref<4x900x32xf32, #tpu.memory_space<vmem>>, vector<1x900x32xf32>
    %swap3A_523 = vector.shape_cast %swap3A_522 : vector<1x900x32xf32> to vector<900x32xf32>
    %swap3A_524 = vector.shape_cast %mul3A_518 : vector<900x32xf32> to vector<1x900x32xf32>
    tpu.vector_store %arg21[%swap3A_519, %swap3A_520, %swap3A_521], %swap3A_524 {strides = array<i32>} : memref<4x900x32xf32, #tpu.memory_space<vmem>>, vector<1x900x32xf32>,
    %ge3A_525 = arith.constant 0.000000e+00 : f32
    %ge3A_526 = vector.broadcast %ge3A_525 : f32 to vector<900x32xf32>
    %ge3A_527 = arith.cmpf oge, %floor3A, %ge3A_526 : vector<900x32xf32>
    %lt3A_528 = arith.constant 2.000000e+02 : f32
    %lt3A_529 = vector.broadcast %lt3A_528 : f32 to vector<900x32xf32>
    %lt3A_530 = arith.cmpf olt, %floor3A, %lt3A_529 : vector<900x32xf32>
    %and3A_531 = arith.andi %ge3A_527, %lt3A_530 : vector<900x32xi1>
    %ge3A_532 = arith.constant 0.000000e+00 : f32
    %ge3A_533 = vector.broadcast %ge3A_532 : f32 to vector<900x32xf32>
    %ge3A_534 = arith.cmpf oge, %add3A_404, %ge3A_533 : vector<900x32xf32>
    %and3A_535 = arith.andi %and3A_531, %ge3A_534 : vector<900x32xi1>
    %lt3A_536 = arith.constant 2.000000e+02 : f32
    %lt3A_537 = vector.broadcast %lt3A_536 : f32 to vector<900x32xf32>
    %lt3A_538 = arith.cmpf olt, %add3A_404, %lt3A_537 : vector<900x32xf32>
    %and3A_539 = arith.andi %and3A_535, %lt3A_538 : vector<900x32xi1>
    %convert_element_type3A_540 = arith.extui %and3A_539 : vector<900x32xi1> to vector<900x32xi32>
    %convert_element_type3A_541 = arith.sitofp %convert_element_type3A_540 : vector<900x32xi32> to vector<900x32xf32>
    %jit3A_542 = arith.constant 0 : i32
    %jit3A_543 = arith.constant 199 : i32
    %convert_element_type3A_544 = arith.sitofp %jit3A_542 : i32 to f32
    %max3A_545 = vector.broadcast %convert_element_type3A_544 : f32 to vector<900x32xf32>
    %max3A_546 = arith.maximumf %max3A_545, %floor3A : vector<900x32xf32>
    %convert_element_type3A_547 = arith.sitofp %jit3A_543 : i32 to f32
    %min3A_548 = vector.broadcast %convert_element_type3A_547 : f32 to vector<900x32xf32>
    %min3A_549 = arith.minimumf %min3A_548, %max3A_546 : vector<900x32xf32>
    %convert_element_type3A_550 = arith.fptosi %min3A_549 : vector<900x32xf32> to vector<900x32xi32>
    %jit3A_551 = arith.constant 0 : i32
    %jit3A_552 = arith.constant 199 : i32
    %convert_element_type3A_553 = arith.sitofp %jit3A_551 : i32 to f32
    %max3A_554 = vector.broadcast %convert_element_type3A_553 : f32 to vector<900x32xf32>
    %max3A_555 = arith.maximumf %max3A_554, %add3A_404 : vector<900x32xf32>
    %convert_element_type3A_556 = arith.sitofp %jit3A_552 : i32 to f32
    %min3A_557 = vector.broadcast %convert_element_type3A_556 : f32 to vector<900x32xf32>
    %min3A_558 = arith.minimumf %min3A_557, %max3A_555 : vector<900x32xf32>
    %convert_element_type3A_559 = arith.fptosi %min3A_558 : vector<900x32xf32> to vector<900x32xi32>
    %mul3A_560 = arith.constant 200 : i32
    %mul3A_561 = vector.broadcast %mul3A_560 : i32 to vector<900x32xi32>
    %mul3A_562 = arith.muli %convert_element_type3A_559, %mul3A_561 : vector<900x32xi32>
    %add3A_563 = arith.addi %mul3A_562, %convert_element_type3A_550 : vector<900x32xi32>
    %mul3A_564 = arith.constant 8 : i32
    %mul3A_565 = vector.broadcast %mul3A_564 : i32 to vector<900x32xi32>
    %mul3A_566 = arith.muli %add3A_563, %mul3A_565 : vector<900x32xi32>
    %add3A_567 = arith.addi %mul3A_566, %select_n3A : vector<900x32xi32>
    %swap3A_568 = arith.constant 2 : index
    %swap3A_569 = arith.constant 0 : index
    %swap3A_570 = arith.constant 0 : index
    %swap3A_571 = vector.load %arg20[%swap3A_568, %swap3A_569, %swap3A_570] : memref<4x900x32xi32, #tpu.memory_space<vmem>>, vector<1x900x32xi32>
    %swap3A_572 = vector.shape_cast %swap3A_571 : vector<1x900x32xi32> to vector<900x32xi32>
    %swap3A_573 = vector.shape_cast %add3A_567 : vector<900x32xi32> to vector<1x900x32xi32>
    tpu.vector_store %arg20[%swap3A_568, %swap3A_569, %swap3A_570], %swap3A_573 {strides = array<i32>} : memref<4x900x32xi32, #tpu.memory_space<vmem>>, vector<1x900x32xi32>,
    %mul3A_574 = arith.mulf %mul3A_408, %convert_element_type3A_541 : vector<900x32xf32>
    %mul3A_575 = arith.mulf %mul3A_574, %concatenate3A_331 : vector<900x32xf32>
    %swap3A_576 = arith.constant 2 : index
    %swap3A_577 = arith.constant 0 : index
    %swap3A_578 = arith.constant 0 : index
    %swap3A_579 = vector.load %arg21[%swap3A_576, %swap3A_577, %swap3A_578] : memref<4x900x32xf32, #tpu.memory_space<vmem>>, vector<1x900x32xf32>
    %swap3A_580 = vector.shape_cast %swap3A_579 : vector<1x900x32xf32> to vector<900x32xf32>
    %swap3A_581 = vector.shape_cast %mul3A_575 : vector<900x32xf32> to vector<1x900x32xf32>
    tpu.vector_store %arg21[%swap3A_576, %swap3A_577, %swap3A_578], %swap3A_581 {strides = array<i32>} : memref<4x900x32xf32, #tpu.memory_space<vmem>>, vector<1x900x32xf32>,
    %ge3A_582 = arith.constant 0.000000e+00 : f32
    %ge3A_583 = vector.broadcast %ge3A_582 : f32 to vector<900x32xf32>
    %ge3A_584 = arith.cmpf oge, %add3A_411, %ge3A_583 : vector<900x32xf32>
    %lt3A_585 = arith.constant 2.000000e+02 : f32
    %lt3A_586 = vector.broadcast %lt3A_585 : f32 to vector<900x32xf32>
    %lt3A_587 = arith.cmpf olt, %add3A_411, %lt3A_586 : vector<900x32xf32>
    %and3A_588 = arith.andi %ge3A_584, %lt3A_587 : vector<900x32xi1>
    %ge3A_589 = arith.constant 0.000000e+00 : f32
    %ge3A_590 = vector.broadcast %ge3A_589 : f32 to vector<900x32xf32>
    %ge3A_591 = arith.cmpf oge, %add3A_414, %ge3A_590 : vector<900x32xf32>
    %and3A_592 = arith.andi %and3A_588, %ge3A_591 : vector<900x32xi1>
    %lt3A_593 = arith.constant 2.000000e+02 : f32
    %lt3A_594 = vector.broadcast %lt3A_593 : f32 to vector<900x32xf32>
    %lt3A_595 = arith.cmpf olt, %add3A_414, %lt3A_594 : vector<900x32xf32>
    %and3A_596 = arith.andi %and3A_592, %lt3A_595 : vector<900x32xi1>
    %convert_element_type3A_597 = arith.extui %and3A_596 : vector<900x32xi1> to vector<900x32xi32>
    %convert_element_type3A_598 = arith.sitofp %convert_element_type3A_597 : vector<900x32xi32> to vector<900x32xf32>
    %jit3A_599 = arith.constant 0 : i32
    %jit3A_600 = arith.constant 199 : i32
    %convert_element_type3A_601 = arith.sitofp %jit3A_599 : i32 to f32
    %max3A_602 = vector.broadcast %convert_element_type3A_601 : f32 to vector<900x32xf32>
    %max3A_603 = arith.maximumf %max3A_602, %add3A_411 : vector<900x32xf32>
    %convert_element_type3A_604 = arith.sitofp %jit3A_600 : i32 to f32
    %min3A_605 = vector.broadcast %convert_element_type3A_604 : f32 to vector<900x32xf32>
    %min3A_606 = arith.minimumf %min3A_605, %max3A_603 : vector<900x32xf32>
    %convert_element_type3A_607 = arith.fptosi %min3A_606 : vector<900x32xf32> to vector<900x32xi32>
    %jit3A_608 = arith.constant 0 : i32
    %jit3A_609 = arith.constant 199 : i32
    %convert_element_type3A_610 = arith.sitofp %jit3A_608 : i32 to f32
    %max3A_611 = vector.broadcast %convert_element_type3A_610 : f32 to vector<900x32xf32>
    %max3A_612 = arith.maximumf %max3A_611, %add3A_414 : vector<900x32xf32>
    %convert_element_type3A_613 = arith.sitofp %jit3A_609 : i32 to f32
    %min3A_614 = vector.broadcast %convert_element_type3A_613 : f32 to vector<900x32xf32>
    %min3A_615 = arith.minimumf %min3A_614, %max3A_612 : vector<900x32xf32>
    %convert_element_type3A_616 = arith.fptosi %min3A_615 : vector<900x32xf32> to vector<900x32xi32>
    %mul3A_617 = arith.constant 200 : i32
    %mul3A_618 = vector.broadcast %mul3A_617 : i32 to vector<900x32xi32>
    %mul3A_619 = arith.muli %convert_element_type3A_616, %mul3A_618 : vector<900x32xi32>
    %add3A_620 = arith.addi %mul3A_619, %convert_element_type3A_607 : vector<900x32xi32>
    %mul3A_621 = arith.constant 8 : i32
    %mul3A_622 = vector.broadcast %mul3A_621 : i32 to vector<900x32xi32>
    %mul3A_623 = arith.muli %add3A_620, %mul3A_622 : vector<900x32xi32>
    %add3A_624 = arith.addi %mul3A_623, %select_n3A : vector<900x32xi32>
    %swap3A_625 = arith.constant 3 : index
    %swap3A_626 = arith.constant 0 : index
    %swap3A_627 = arith.constant 0 : index
    %swap3A_628 = vector.load %arg20[%swap3A_625, %swap3A_626, %swap3A_627] : memref<4x900x32xi32, #tpu.memory_space<vmem>>, vector<1x900x32xi32>
    %swap3A_629 = vector.shape_cast %swap3A_628 : vector<1x900x32xi32> to vector<900x32xi32>
    %swap3A_630 = vector.shape_cast %add3A_624 : vector<900x32xi32> to vector<1x900x32xi32>
    tpu.vector_store %arg20[%swap3A_625, %swap3A_626, %swap3A_627], %swap3A_630 {strides = array<i32>} : memref<4x900x32xi32, #tpu.memory_space<vmem>>, vector<1x900x32xi32>,
    %mul3A_631 = arith.mulf %mul3A_415, %convert_element_type3A_598 : vector<900x32xf32>
    %mul3A_632 = arith.mulf %mul3A_631, %concatenate3A_331 : vector<900x32xf32>
    %swap3A_633 = arith.constant 3 : index
    %swap3A_634 = arith.constant 0 : index
    %swap3A_635 = arith.constant 0 : index
    %swap3A_636 = vector.load %arg21[%swap3A_633, %swap3A_634, %swap3A_635] : memref<4x900x32xf32, #tpu.memory_space<vmem>>, vector<1x900x32xf32>
    %swap3A_637 = vector.shape_cast %swap3A_636 : vector<1x900x32xf32> to vector<900x32xf32>
    %swap3A_638 = vector.shape_cast %mul3A_632 : vector<900x32xf32> to vector<1x900x32xf32>
    tpu.vector_store %arg21[%swap3A_633, %swap3A_634, %swap3A_635], %swap3A_638 {strides = array<i32>} : memref<4x900x32xf32, #tpu.memory_space<vmem>>, vector<1x900x32xf32>,
    return
  }
}

module attributes {stable_mosaic.version = 14 : i64} {
  func.func @_dense2_body(%arg0: memref<230400xf32, #tpu.memory_space<vmem>>, %arg1: memref<900x256xf32, #tpu.memory_space<vmem>>, %arg2: memref<256x256xf32, #tpu.memory_space<vmem>>, %arg3: memref<1x256xf32, #tpu.memory_space<vmem>>, %arg4: memref<1x256xf32, #tpu.memory_space<vmem>>, %arg5: memref<1x256xf32, #tpu.memory_space<vmem>>, %arg6: memref<256x512xf32, #tpu.memory_space<vmem>>, %arg7: memref<1x512xf32, #tpu.memory_space<vmem>>, %arg8: memref<512x256xf32, #tpu.memory_space<vmem>>, %arg9: memref<1x256xf32, #tpu.memory_space<vmem>>, %arg10: memref<1x256xf32, #tpu.memory_space<vmem>>, %arg11: memref<1x256xf32, #tpu.memory_space<vmem>>, %arg12: memref<900x256xf32, #tpu.memory_space<vmem>>) attributes {dimension_semantics = [], scalar_prefetch = 0 : i64, scratch_operands = 0 : i64, tpu.core_type = #tpu.core_type<tc>} {
    %get3A = arith.constant 0 : index
    %get3A_0 = vector.load %arg0[%get3A] : memref<230400xf32, #tpu.memory_space<vmem>>, vector<230400xf32>
    %reshape3A = vector.shape_cast %get3A_0 : vector<230400xf32> to vector<900x256xf32>
    %get3A_1 = arith.constant 0 : index
    %get3A_2 = arith.constant 0 : index
    %get3A_3 = vector.load %arg2[%get3A_1, %get3A_2] : memref<256x256xf32, #tpu.memory_space<vmem>>, vector<256x256xf32>
    %dot_general3A = arith.constant dense<0.000000e+00> : vector<900x256xf32>
    %dot_general3A_4 = tpu.matmul %reshape3A, %get3A_3, %dot_general3A {dimension_numbers = #tpu.dot_dimension_numbers<[1], [0], [0], [1], [0, 0, 1, 1], [], []>, transpose_lhs_hint = false} : vector<900x256xf32>, vector<256x256xf32>, vector<900x256xf32> -> vector<900x256xf32>
    %get3A_5 = arith.constant 0 : index
    %get3A_6 = arith.constant 0 : index
    %get3A_7 = vector.load %arg3[%get3A_5, %get3A_6] : memref<1x256xf32, #tpu.memory_space<vmem>>, vector<1x256xf32>
    %add3A = vector.broadcast %get3A_7 : vector<1x256xf32> to vector<900x256xf32>
    %add3A_8 = arith.addf %dot_general3A_4, %add3A : vector<900x256xf32>
    %get3A_9 = arith.constant 0 : index
    %get3A_10 = arith.constant 0 : index
    %get3A_11 = vector.load %arg1[%get3A_9, %get3A_10] : memref<900x256xf32, #tpu.memory_space<vmem>>, vector<900x256xf32>
    %add3A_12 = arith.addf %add3A_8, %get3A_11 : vector<900x256xf32>
    %get3A_13 = arith.constant 0 : index
    %get3A_14 = arith.constant 0 : index
    %get3A_15 = vector.load %arg4[%get3A_13, %get3A_14] : memref<1x256xf32, #tpu.memory_space<vmem>>, vector<1x256xf32>
    %get3A_16 = arith.constant 0 : index
    %get3A_17 = arith.constant 0 : index
    %get3A_18 = vector.load %arg5[%get3A_16, %get3A_17] : memref<1x256xf32, #tpu.memory_space<vmem>>, vector<1x256xf32>
    %reduce_sum3A = arith.constant dense<0.000000e+00> : vector<900xf32>
    %reduce_sum3A_19 = vector.multi_reduction <add>, %add3A_12, %reduce_sum3A [1] : vector<900x256xf32> to vector<900xf32>
    %broadcast_in_dim3A = vector.shape_cast %reduce_sum3A_19 : vector<900xf32> to vector<900x1xf32>
    %div3A = arith.constant 2.560000e+02 : f32
    %div3A_20 = vector.broadcast %div3A : f32 to vector<900x1xf32>
    %div3A_21 = arith.divf %broadcast_in_dim3A, %div3A_20 : vector<900x1xf32>
    %sub3A = vector.broadcast %div3A_21 : vector<900x1xf32> to vector<900x256xf32>
    %sub3A_22 = arith.subf %add3A_12, %sub3A : vector<900x256xf32>
    %integer_pow3A = arith.mulf %sub3A_22, %sub3A_22 : vector<900x256xf32>
    %reduce_sum3A_23 = arith.constant dense<0.000000e+00> : vector<900xf32>
    %reduce_sum3A_24 = vector.multi_reduction <add>, %integer_pow3A, %reduce_sum3A_23 [1] : vector<900x256xf32> to vector<900xf32>
    %broadcast_in_dim3A_25 = vector.shape_cast %reduce_sum3A_24 : vector<900xf32> to vector<900x1xf32>
    %div3A_26 = arith.constant 2.560000e+02 : f32
    %div3A_27 = vector.broadcast %div3A_26 : f32 to vector<900x1xf32>
    %div3A_28 = arith.divf %broadcast_in_dim3A_25, %div3A_27 : vector<900x1xf32>
    %sub3A_29 = vector.broadcast %div3A_21 : vector<900x1xf32> to vector<900x256xf32>
    %sub3A_30 = arith.subf %add3A_12, %sub3A_29 : vector<900x256xf32>
    %add3A_31 = arith.constant 9.99999974E-6 : f32
    %add3A_32 = vector.broadcast %add3A_31 : f32 to vector<900x1xf32>
    %add3A_33 = arith.addf %div3A_28, %add3A_32 : vector<900x1xf32>
    %sqrt3A = math.sqrt %add3A_33 : vector<900x1xf32>
    %div3A_34 = vector.broadcast %sqrt3A : vector<900x1xf32> to vector<900x256xf32>
    %div3A_35 = arith.divf %sub3A_30, %div3A_34 : vector<900x256xf32>
    %mul3A = vector.broadcast %get3A_15 : vector<1x256xf32> to vector<900x256xf32>
    %mul3A_36 = arith.mulf %div3A_35, %mul3A : vector<900x256xf32>
    %add3A_37 = vector.broadcast %get3A_18 : vector<1x256xf32> to vector<900x256xf32>
    %add3A_38 = arith.addf %mul3A_36, %add3A_37 : vector<900x256xf32>
    %get3A_39 = arith.constant 0 : index
    %get3A_40 = arith.constant 0 : index
    %get3A_41 = vector.load %arg6[%get3A_39, %get3A_40] : memref<256x512xf32, #tpu.memory_space<vmem>>, vector<256x512xf32>
    %dot_general3A_42 = arith.constant dense<0.000000e+00> : vector<900x512xf32>
    %dot_general3A_43 = tpu.matmul %add3A_38, %get3A_41, %dot_general3A_42 {dimension_numbers = #tpu.dot_dimension_numbers<[1], [0], [0], [1], [0, 0, 1, 1], [], []>, transpose_lhs_hint = false} : vector<900x256xf32>, vector<256x512xf32>, vector<900x512xf32> -> vector<900x512xf32>
    %get3A_44 = arith.constant 0 : index
    %get3A_45 = arith.constant 0 : index
    %get3A_46 = vector.load %arg7[%get3A_44, %get3A_45] : memref<1x512xf32, #tpu.memory_space<vmem>>, vector<1x512xf32>
    %add3A_47 = vector.broadcast %get3A_46 : vector<1x512xf32> to vector<900x512xf32>
    %add3A_48 = arith.addf %dot_general3A_43, %add3A_47 : vector<900x512xf32>
    %max3A = arith.constant 0.000000e+00 : f32
    %max3A_49 = vector.broadcast %max3A : f32 to vector<900x512xf32>
    %max3A_50 = arith.maximumf %add3A_48, %max3A_49 : vector<900x512xf32>
    %get3A_51 = arith.constant 0 : index
    %get3A_52 = arith.constant 0 : index
    %get3A_53 = vector.load %arg8[%get3A_51, %get3A_52] : memref<512x256xf32, #tpu.memory_space<vmem>>, vector<512x256xf32>
    %dot_general3A_54 = arith.constant dense<0.000000e+00> : vector<900x256xf32>
    %dot_general3A_55 = tpu.matmul %max3A_50, %get3A_53, %dot_general3A_54 {dimension_numbers = #tpu.dot_dimension_numbers<[1], [0], [0], [1], [0, 0, 1, 1], [], []>, transpose_lhs_hint = false} : vector<900x512xf32>, vector<512x256xf32>, vector<900x256xf32> -> vector<900x256xf32>
    %get3A_56 = arith.constant 0 : index
    %get3A_57 = arith.constant 0 : index
    %get3A_58 = vector.load %arg9[%get3A_56, %get3A_57] : memref<1x256xf32, #tpu.memory_space<vmem>>, vector<1x256xf32>
    %add3A_59 = vector.broadcast %get3A_58 : vector<1x256xf32> to vector<900x256xf32>
    %add3A_60 = arith.addf %dot_general3A_55, %add3A_59 : vector<900x256xf32>
    %add3A_61 = arith.addf %add3A_38, %add3A_60 : vector<900x256xf32>
    %get3A_62 = arith.constant 0 : index
    %get3A_63 = arith.constant 0 : index
    %get3A_64 = vector.load %arg10[%get3A_62, %get3A_63] : memref<1x256xf32, #tpu.memory_space<vmem>>, vector<1x256xf32>
    %get3A_65 = arith.constant 0 : index
    %get3A_66 = arith.constant 0 : index
    %get3A_67 = vector.load %arg11[%get3A_65, %get3A_66] : memref<1x256xf32, #tpu.memory_space<vmem>>, vector<1x256xf32>
    %reduce_sum3A_68 = arith.constant dense<0.000000e+00> : vector<900xf32>
    %reduce_sum3A_69 = vector.multi_reduction <add>, %add3A_61, %reduce_sum3A_68 [1] : vector<900x256xf32> to vector<900xf32>
    %broadcast_in_dim3A_70 = vector.shape_cast %reduce_sum3A_69 : vector<900xf32> to vector<900x1xf32>
    %div3A_71 = arith.constant 2.560000e+02 : f32
    %div3A_72 = vector.broadcast %div3A_71 : f32 to vector<900x1xf32>
    %div3A_73 = arith.divf %broadcast_in_dim3A_70, %div3A_72 : vector<900x1xf32>
    %sub3A_74 = vector.broadcast %div3A_73 : vector<900x1xf32> to vector<900x256xf32>
    %sub3A_75 = arith.subf %add3A_61, %sub3A_74 : vector<900x256xf32>
    %integer_pow3A_76 = arith.mulf %sub3A_75, %sub3A_75 : vector<900x256xf32>
    %reduce_sum3A_77 = arith.constant dense<0.000000e+00> : vector<900xf32>
    %reduce_sum3A_78 = vector.multi_reduction <add>, %integer_pow3A_76, %reduce_sum3A_77 [1] : vector<900x256xf32> to vector<900xf32>
    %broadcast_in_dim3A_79 = vector.shape_cast %reduce_sum3A_78 : vector<900xf32> to vector<900x1xf32>
    %div3A_80 = arith.constant 2.560000e+02 : f32
    %div3A_81 = vector.broadcast %div3A_80 : f32 to vector<900x1xf32>
    %div3A_82 = arith.divf %broadcast_in_dim3A_79, %div3A_81 : vector<900x1xf32>
    %sub3A_83 = vector.broadcast %div3A_73 : vector<900x1xf32> to vector<900x256xf32>
    %sub3A_84 = arith.subf %add3A_61, %sub3A_83 : vector<900x256xf32>
    %add3A_85 = arith.constant 9.99999974E-6 : f32
    %add3A_86 = vector.broadcast %add3A_85 : f32 to vector<900x1xf32>
    %add3A_87 = arith.addf %div3A_82, %add3A_86 : vector<900x1xf32>
    %sqrt3A_88 = math.sqrt %add3A_87 : vector<900x1xf32>
    %div3A_89 = vector.broadcast %sqrt3A_88 : vector<900x1xf32> to vector<900x256xf32>
    %div3A_90 = arith.divf %sub3A_84, %div3A_89 : vector<900x256xf32>
    %mul3A_91 = vector.broadcast %get3A_64 : vector<1x256xf32> to vector<900x256xf32>
    %mul3A_92 = arith.mulf %div3A_90, %mul3A_91 : vector<900x256xf32>
    %add3A_93 = vector.broadcast %get3A_67 : vector<1x256xf32> to vector<900x256xf32>
    %add3A_94 = arith.addf %mul3A_92, %add3A_93 : vector<900x256xf32>
    %swap3A = arith.constant 0 : index
    %swap3A_95 = arith.constant 0 : index
    %swap3A_96 = vector.load %arg12[%swap3A, %swap3A_95] : memref<900x256xf32, #tpu.memory_space<vmem>>, vector<900x256xf32>
    tpu.vector_store %arg12[%swap3A, %swap3A_95], %add3A_94 {strides = array<i32>} : memref<900x256xf32, #tpu.memory_space<vmem>>, vector<900x256xf32>,
    return
  }
}

</mosaic_0001>

<sc_bundles>
// kernel: kernel.6.cloned.1.call-start
scs
__scs_entry_jumppad:
0x0: {  	(pc) =	sbr.rel $0x88, $3  }
0x1: {  	(tag) =	ssettag $0x0;
	lr =	simm.s32 $0x1  }
0x2: {  	[smem:$0x3F83] =	sst lr;
	_ =	strace $0xD0000000  }
0x3: {  	_ = 	snop  }
0x4: {  	_ = 	snop  }
0x5: {  	_ = 	snop  }
0x6: {  	_ = 	snop  }
0x7: {  	_ = 	snop  }
__scs_overlays_trampoline_lowered:
0x8: {  	[smem:$0x3F92] =	sst s0  }
0x9: {  	[smem:$0x3F93] =	sst s1  }
0xa: {  	[smem:$0x3F94] =	sst s2  }
0xb: {  	[smem:$0x3F95] =	sst s3  }
0xc: {  	[smem:$0x3F96] =	sst s4  }
0xd: {  	[smem:$0x3F97] =	sst s5  }
0xe: {  	[smem:$0x3F98] =	sst s6  }
0xf: {  	[smem:$0x3F99] =	sst s7  }
0x10: {  	[smem:$0x3F9A] =	sst s8  }
0x11: {  	[smem:$0x3F9B] =	sst s9;
	s0 =	simm.s32 @!p0 $0x0  }
0x12: {  	s1 =	sld [smem:$0x3F81];
	s0 =	simm.s32 @p0 $0x1  }
0x13: {  	[smem:$0x3F9C] =	sst s0;
	s0 =	simm.s32 @!p1 $0x0  }
0x14: {  	s2 =	sld [smem:$0x3F80];
	s0 =	simm.s32 @p1 $0x1  }
0x15: {  	[smem:$0x3F9D] =	sst s0;
	s0 =	simm.s32 @!p2 $0x0  }
0x16: {  	s3 =	sld [smem:$0x3FDB];
	s0 =	simm.s32 @p2 $0x1  }
0x17: {  	s4 =	simm.s32 $0x1BF5;
	[smem:$0x3F9F] =	sst s0  }
0x18: {  	s0 =	sld [smem:$0x3F82];
	_ =	swait.ge [sflag:s4], $0x0  }
0x19: {  	s7 =	sld [smem:$0x3F83]  }
0x1a: {  	s8 =	sadd.s32 $0xFFFFE003, lr  }
0x1b: {  	s9 =	sadd.s32 $0xFFFFFEF7, lr;
	s5 =	simm.s32 $0xFFFFFFFF;
	p2 =	slt.u32 s8, $0xFFFFF086  }
0x1c: {  	p1 =	slt.u32 s9, $0xF7A;
	s5 =	simm.s32 @!p2 $0x0  }
0x1d: {  	s5 =	simm.s32 @p1 $0x1;
	p0 =	seq.s32 s7, s2  }
0x1e: {  	s7 =	smul.u32 @!p0 $0xF7A, s2;
	p2 =	seq.s32 @!p0 s5, $0x0  }
0x1f: {  	s9 =	smul.u32 $0xF7A, s1;
	s8 =	simm.s32 @!p0 $0x1BF5;
	p2 =	por !p2, p0  }
0x20: {  	[sflag:s8] =	ssyncset.s32 @!p0 $0xFFFFF086;
	s6 =	sadd.s32 @!p0 s3, s7;
	s7 =	simm.s32 @!p0 $0x108  }
0x21: {  	s3 =	sadd.s32 s3, s9;
	s6 =	sadd.s32 @!p0 $0x88, s6;
	s7 =	simm.s32 @p2 $0x1082  }
0x22: {  	[simem:s7], [sflag:s8] =	dma.local @!p0 [hbm:s6], $0xF7A  }
0x23: {  	s9 =	sor.u32 $0xD0000000, s2;
	s6 =	simm.s32 $0x108;
	_ =	swait.ge @!p0 [sflag:s8], $0x0  }
0x24: {  	s3 =	sadd.s32 $0x88, s3;
	s6 =	simm.s32 @!p1 $0x1082;
	[sflag:s4] =	ssyncset.s32 $0xFFFFF086  }
0x25: {  	[simem:s6], [sflag:s4] =	dma.local [hbm:s3], $0xF7A  }
0x26: {  	[smem:$0x3F83] =	sst s1;
	(tag) =	ssettag s2;
	_ =	strace s9  }
0x27: {  	s1 =	sld [smem:$0x3F93]  }
0x28: {  	s2 =	sld [smem:$0x3F94]  }
0x29: {  	s4 =	sld [smem:$0x3F96]  }
0x2a: {  	p0 =	seq.s32 s5, $0x0;
	s5 =	sld [smem:$0x3F97]  }
0x2b: {  	s6 =	sld [smem:$0x3F98]  }
0x2c: {  	s7 =	sld [smem:$0x3F99]  }
0x2d: {  	s3 =	simm.s32 $0x108;
	s8 =	sld [smem:$0x3F9A]  }
0x2e: {  	s3 =	simm.s32 @!p0 $0x1082;
	s9 =	sld [smem:$0x3F9B]  }
0x2f: {  	lr =	sadd.s32 s0, s3;
	s0 =	sld [smem:$0x3F92]  }
0x30: {  	s3 =	sld [smem:$0x3F95]  }
0x31: {  	[smem:$0x3F9E] =	sst s10  }
0x32: {  	s10 =	sld [smem:$0x3F9C];
	_ =	sdelay $0x3  }
0x33: {  	p0 =	seq.s32 s10, $0x1;
	s10 =	sld [smem:$0x3F9E];
	_ =	sdelay $0x3  }
0x34: {  	[smem:$0x3F9E] =	sst s10  }
0x35: {  	s10 =	sld [smem:$0x3F9D];
	_ =	sdelay $0x3  }
0x36: {  	p1 =	seq.s32 s10, $0x1;
	s10 =	sld [smem:$0x3F9E];
	_ =	sdelay $0x3  }
0x37: {  	[smem:$0x3F9E] =	sst s10  }
0x38: {  	s10 =	sld [smem:$0x3F9F]  }
0x39: {  	_ = 	snop;
	(pc) =	sbr.ind lr, $3  }
0x3a: {  	_ = 	snop  }
0x3b: {  	_ = 	snop  }
0x3c: {  	p2 =	seq.s32 s10, $0x1;
	s10 =	sld [smem:$0x3F9E]  }
0x3d: {  	_ =	shalt  }
0x3e: {  	_ =	shalt  }
0x3f: {  	_ =	shalt  }
0x40: {  	_ =	shalt  }
0x41: {  	_ =	shalt  }
0x42: {  	_ =	shalt  }
0x43: {  	_ =	shalt  }
0x44: {  	_ =	shalt  }
0x45: {  	_ =	shalt  }
0x46: {  	_ =	shalt  }
0x47: {  	_ =	shalt  }
0x48: {  	_ =	shalt  }
0x49: {  	_ =	shalt  }
0x4a: {  	_ =	shalt  }
0x4b: {  	_ =	shalt  }
0x4c: {  	_ =	shalt  }
0x4d: {  	_ =	shalt  }
0x4e: {  	_ =	shalt  }
0x4f: {  	_ =	shalt  }
0x50: {  	_ =	shalt  }
0x51: {  	_ =	shalt  }
0x52: {  	_ =	shalt  }
0x53: {  	_ =	shalt  }
0x54: {  	_ =	shalt  }
0x55: {  	_ =	shalt  }
0x56: {  	_ =	shalt  }
0x57: {  	_ =	shalt  }
0x58: {  	_ =	shalt  }
0x59: {  	_ =	shalt  }
0x5a: {  	_ =	shalt  }
0x5b: {  	_ =	shalt  }
0x5c: {  	_ =	shalt  }
0x5d: {  	_ =	shalt  }
0x5e: {  	_ =	shalt  }
0x5f: {  	_ =	shalt  }
0x60: {  	_ =	shalt  }
0x61: {  	_ =	shalt  }
0x62: {  	_ =	shalt  }
0x63: {  	_ =	shalt  }
0x64: {  	_ =	shalt  }
0x65: {  	_ =	shalt  }
0x66: {  	_ =	shalt  }
0x67: {  	_ =	shalt  }
0x68: {  	_ =	shalt  }
0x69: {  	_ =	shalt  }
0x6a: {  	_ =	shalt  }
0x6b: {  	_ =	shalt  }
0x6c: {  	_ =	shalt  }
0x6d: {  	_ =	shalt  }
0x6e: {  	_ =	shalt  }
0x6f: {  	_ =	shalt  }
0x70: {  	_ =	shalt  }
0x71: {  	_ =	shalt  }
0x72: {  	_ =	shalt  }
0x73: {  	_ =	shalt  }
0x74: {  	_ =	shalt  }
0x75: {  	_ =	shalt  }
0x76: {  	_ =	shalt  }
0x77: {  	_ =	shalt  }
0x78: {  	_ =	shalt  }
0x79: {  	_ =	shalt  }
0x7a: {  	_ =	shalt  }
0x7b: {  	_ =	shalt  }
0x7c: {  	_ =	shalt  }
0x7d: {  	_ =	shalt  }
0x7e: {  	_ =	shalt  }
0x7f: {  	_ =	shalt  }
0x80: {  	_ =	shalt  }
0x81: {  	_ =	shalt  }
0x82: {  	_ =	shalt  }
0x83: {  	_ =	shalt  }
0x84: {  	_ =	shalt  }
0x85: {  	_ =	shalt  }
0x86: {  	_ =	shalt  }
0x87: {  	_ =	shalt  }
.Lfunc_end0:
.L_simem_size_0:
called_computation.1_lowered:
.L_overlay_start_0:
0x88: {  	s2 =	sld [smem:$0x3FD9]  }
0x89: {  	s3 =	sld [smem:$0x3FFE];
	_ =	sdelay $0x1  }
0x8a: {  	s1 =	srdreg.scid  }
0x8b: {  	s0 =	sand.u32 $0x1, s1  }
0x8c: {  	s17 =	sshll.u32 s0, $0xA;
	s2 =	sadd.s32 s3, s2  }
0x8d: {  	s2 =	sadd.s32 s2, s17  }
0x8e: {  	[smem:$0x3FAA] =	sst s2  }
0x8f: {  	_ = 	snop  }
0x90: {  	s2 =	sld [smem:$0x3FD0];
	(tm) =	ssettm $0x1  }
0x91: {  	s18 =	sld [smem:$0x3FFB];
	_ =	sdelay $0x3  }
0x92: {  	_ =	strace s18  }
0x93: {  	s3 =	sld [smem:$0x3FFC];
	_ =	sdelay $0x3  }
0x94: {  	_ =	strace s3  }
0x95: {  	s3 =	sld [smem:$0x3FFD];
	_ =	sdelay $0x3  }
0x96: {  	_ =	strace s3  }
0x97: {  	_ =	strace $0x8FFFFFFF  }
0x98: {  	s19 =	sld [smem:$0x3FDB];
	_ =	sdelay $0x1  }
0x99: {  	s4 =	simm.s32 $_scs_section_size  }
0x9a: {  	s5 =	simm.s32 $_size__tile_overlayer_lowered;
	s6 =	simm.s32 $_tile_overlayer_lowered  }
0x9b: {  	s22 =	simm.s32 $0x1BFF;
	s21 =	sshll.u32 s6, $0x1;
	s3 =	sadd.s32 s4, s19  }
0x9c: {  	s7 =	simm.s32 $0x0;
	s20 =	sshll.u32 s5, $0x1;
	s5 =	sadd.s32 s21, s3  }
0x9d: {  	[timem:s7], [sflag:s22] =	dma.local [hbm:s5], s20  }
0x9e: {  	_ =	swait.ge [sflag:s22], s20  }
0x9f: {  	s4 =	ssub.s32 $0x0, s20;
	[sflag:s22] =	ssyncset.done $0x0  }
0xa0: {  	[sflag:s22] =	ssyncadd.s32 s4;
	_ =	sdelay $0x1  }
0xa1: {  	s23 =	simm.s32 $0x1B8B  }
0xa2: {  	_ =	swait.ge [sflag:s23], $0x1  }
0xa3: {  	[sflag:s23] =	ssyncset.done $0x0  }
0xa4: {  	s25 =	simm.s32 $0x1B8E;
	s24 =	sld [smem:$0x3FFE];
	[sflag:s23] =	ssyncadd.s32 $0xFFFFFFFF  }
0xa5: {  	s26 =	simm.s32 $execute0_lowered;
	[smem:$0x3FD2] =	sst s25  }
0xa6: {  	s5 =	sshll.u32 s26, $0x1;
	_ =	strace $0x80000049;
	[dreg:$0x1] =	wrdreg $0xFFFFFFFF  }
0xa7: {  	s28 =	simm.s32 $_size_execute0_lowered;
	s3 =	sadd.s32 s3, s5;
	[dreg:$0x0] =	wrdreg $0x0  }
0xa8: {  	s5 =	sshll.u32 s28, $0x1;
	[dreg:$0x2] =	wrdreg s3  }
0xa9: {  	[dreg:$0x3] =	wrdreg s5  }
0xaa: {  	[dreg:$0x4] =	wrdreg $0xC0  }
0xab: {  	_ =	task [dreg:s7], $0x5FFFF  }
0xac: {  	[dreg:$0x1] =	wrdreg $0xFFFFFFFF  }
0xad: {  	[dreg:$0x0] =	wrdreg $0x60  }
0xae: {  	[dreg:$0x2] =	wrdreg s24  }
0xaf: {  	[dreg:$0x3] =	wrdreg s2  }
0xb0: {  	[dreg:$0x4] =	wrdreg $0x9  }
0xb1: {  	_ =	task.clear_ibuf [dreg:s7], $0x5FFFF;
	_ =	strace $0x90000049  }
0xb2: {  	s29 =	simm.s32 $0x9;
	_ =	strace $0x8000004B  }
0xb3: {  	_ =	swait.ge [sflag:s29], $0x1  }
0xb4: {  	[sflag:s29] =	ssyncadd.s32 $0xFFFFFFFF  }
0xb5: {  	_ =	strace $0x9000004B  }
0xb6: {  	_ =	sfence  }
0xb7: {  	s30 =	sld [smem:$0x0];
	_ =	sdelay $0x2  }
0xb8: {  	s31 =	sshll.u32 s1, $0xD;
	s1 =	sshrl.u32 s1, $0x2  }
0xb9: {  	s3 =	sand.u32 $0x4000, s31;
	s1 =	sadd.s32 s1, s30  }
0xba: {  	s0 =	sor.u32 s3, s0;
	s1 =	sshll.u32 s1, $0x11  }
0xbb: {  	s0 =	sor.u32 s1, s0  }
0xbc: {  	s0 =	sadd.s32 $0x8F2B, s0  }
0xbd: {  	[sflag:s0] =	ssyncadd.remote.s32 $0x1  }
0xbe: {  	_ =	sfence.sel $0xFFFF  }
0xbf: {  	[dreg:$0x0] =	wrdreg $0xFFFFFFFF;
	(pc) =	sbr.abs _section_cstart, $3  }
0xc0: {  	[dreg:$0x1] =	wrdreg $0xFFFFFFFF  }
0xc1: {  	_ =	task.clear_ibuf [dreg:s7], $0x2FFFF;
	_ =	strace $0x9FFFFFFF  }
0xc2: {  	(tm) =	ssettm $0x7FFFFFFF  }
0xc3: {  	_ =	shalt  }
tec
execute0_lowered:
.L_overlay_start_1:
0x0: {  	(tag) =	ssettag $0x1  }
0x1: {  	s4 =	rddreg [dreg:$0x0];
	s1 =	srdreg.scid  }
0x2: {  	s0 =	stileid.u32;
	s6 =	rddreg [dreg:$0x1];
	s2 =	simm.s32 $0x0  }
0x3: {  	s10 =	simm.s32 $0x4B0;
	s11 =	simm.s32 $0x1C20;
	s12 =	simm.s32 $0x1  }
0x4: {  	s13 =	simm.s32 $0xB220;
	s14 =	simm.s32 $0x2;
	s15 =	simm.s32 $0x960  }
0x5: {  	s16 =	simm.s32 $0x14820;
	s5 =	sand.u32 $0x1, s1;
	s3 =	sshll.u32 s0, $0x1  }
0x6: {  	s17 =	simm.s32 $0x0;
	s1 =	rddreg [dreg:$0x2];
	s7 =	sor.u32 s5, s3  }
0x7: {  	[smem:$0x7FF] =	sst s2;
	s5 =	ssub.s32 $0x2, s5;
	s8 =	smul.u32 $0x1C2, s7  }
0x8: {  	_ =	strace $0x8000004A;
	s31 =	sshrl.u32 s5, $0x1;
	s7 =	smul.u32 $0x384, s7  }
0x9: {  	s3 =	sadd.s32 $0x13D000, s4;
	s9 =	ssub.s32 s5, s31;
	s8 =	sadd.s32 s8, s4  }
0xa: {  	v0 =	vimm.s32 $0x0;
	vm0 =	vcmask $0x300;
	s6 =	sadd.s32 s6, s7;
	s7 =	smax.u32 s9, $0x1;
	s9 =	simm.s32 $0xE10  }
0xb: {  	v0 =	vsel vm0, $0x3, v0;
	s4 =	sadd.s32 $0x275800, s8;
	s5 =	sadd.s32 $0x279200, s8;
	s8 =	simm.s32 $0x3  }
.LBB2_1:
0xc: {  	[tilespmem:s2], [sflag:$0x3] =	stream.linear.gather [hbm4b:s4+s2], $0xE10, $0x38;
	[tilespmem:$0x16440] =	vst v63  }
0xd: {  	_ =	swait.ge [sflag:s8], $0xE10  }
0xe: {  	[sflag:s8] =	ssyncset.done $0x0  }
0xf: {  	[sflag:s8] =	ssyncadd.s32 $0xFFFFF1F0  }
0x10: {  	[tilespmem:s9], [sflag:$0x3] =	stream.linear.gather [hbm4b:s5+s2], $0xE10, $0x38;
	[tilespmem:$0x16440] =	vst v63  }
0x11: {  	_ =	swait.ge [sflag:s8], $0xE10  }
0x12: {  	[sflag:s8] =	ssyncset.done $0x0  }
0x13: {  	[sflag:s8] =	ssyncadd.s32 $0xFFFFF1F0  }
0x14: {  	[tilespmem:s11], [sflag:$0x1] =	stream.indirect.gather [hbm4b:s3+s10], $0x20, s2, s10, $0xb8;
	[tilespmem:$0x16440] =	vst v63  }
0x15: {  	_ =	swait.ge [sflag:s12], $0x9600  }
0x16: {  	s19 =	simm.s32 $0x0;
	[sflag:s12] =	ssyncset.done $0x0  }
0x17: {  	s18 =	simm.s32 $0x1D20;
	s30 =	simm.s32 $0x1;
	[sflag:s12] =	ssyncadd.s32 $0xFFFF6A00  }
0x18: {  	v1 =	vmov s19;
	[tilespmem:s13], [sflag:$0x2] =	stream.indirect.gather [hbm4b:s3+s10], $0x20, s10, s10, $0xb8;
	[tilespmem:$0x16440] =	vst v63  }
0x19: {  	v3 =	vmov s30;
	v1 =	vshrl.u32 v1, $0x3;
	v2 =	vld [tilespmem:s18+$0xD0]  }
0x1a: {  	s31 =	simm.s32 $0x2;
	v3 =	vshrl.u32 v3, $0x3;
	v4 =	vshll.u32 v1, v0;
	v1 =	vld [tilespmem:s18+$0x50]  }
0x1b: {  	v6 =	vmov s31;
	v5 =	vshll.u32 v3, v0;
	v4 =	vbroadcast v4, $0x0;
	v3 =	vld [tilespmem:s18+$0xFFFFFFD0]  }
0x1c: {  	s20 =	simm.s32 $0x3;
	v6 =	vshrl.u32 v6, $0x3;
	v5 =	vadd.s32 $0x1, v5;
	v7 =	vld [tilespmem:s18+$0xFFFFFF90]  }
0x1d: {  	v8 =	vmov s20;
	v6 =	vshll.u32 v6, v0;
	v5 =	vbroadcast v5, $0x0;
	v9 =	vld [tilespmem:s18+$0xFFFFFF70]  }
0x1e: {  	s21 =	simm.s32 $0x4;
	v8 =	vshrl.u32 v8, $0x3;
	v6 =	vadd.s32 $0x2, v6;
	v10 =	vld [tilespmem:s18+$0xFFFFFF50]  }
0x1f: {  	v12 =	vmov s21;
	v8 =	vshll.u32 v8, v0;
	v6 =	vbroadcast v6, $0x0;
	v11 =	vld [tilespmem:s18+$0xFFFFFF30]  }
0x20: {  	s22 =	simm.s32 $0x5;
	v12 =	vshrl.u32 v12, $0x3;
	v8 =	vadd.s32 $0x3, v8;
	v13 =	vld [tilespmem:s18+$0xFFFFFF10]  }
0x21: {  	v14 =	vmov s22;
	v12 =	vshll.u32 v12, v0;
	v8 =	vbroadcast v8, $0x0;
	v4 =	vld.idx.msk [tilespmem:v4+s9+$0x0], $0xffff  }
0x22: {  	s24 =	simm.s32 $0x6;
	v14 =	vshrl.u32 v14, $0x3;
	v12 =	vadd.s32 $0x4, v12;
	v15 =	vld [tilespmem:s18+$0xFFFFFF00]  }
0x23: {  	s25 =	simm.s32 $0x7;
	s26 =	simm.s32 $0x8;
	v18 =	vmov s24;
	v14 =	vshll.u32 v14, v0;
	v12 =	vbroadcast v12, $0x0;
	v5 =	vld.idx.msk [tilespmem:v5+s9+$0x0], $0xffff  }
0x24: {  	s28 =	simm.s32 $0x9;
	v22 =	vmov s25;
	v24 =	vmov s26;
	v14 =	vadd.s32 $0x5, v14;
	v19 =	vld [tilespmem:s18+$0xFFFFFF20]  }
0x25: {  	v48 =	vmov s28;
	v18 =	vshrl.u32 v18, $0x3;
	v14 =	vbroadcast v14, $0x0;
	v6 =	vld.idx.msk [tilespmem:v6+s9+$0x0], $0xffff  }
0x26: {  	v22 =	vshrl.u32 v22, $0x3;
	v24 =	vshrl.u32 v24, $0x3;
	v18 =	vshll.u32 v18, v0;
	v21 =	vld [tilespmem:s18+$0xFFFFFF40]  }
0x27: {  	v22 =	vshll.u32 v22, v0;
	v45 =	vshll.u32 v24, v0;
	v18 =	vadd.s32 $0x6, v18;
	v8 =	vld.idx.msk [tilespmem:v8+s9+$0x0], $0xffff  }
0x28: {  	v24 =	vshrl.u32 v48, $0x3;
	v22 =	vadd.s32 $0x7, v22;
	v18 =	vbroadcast v18, $0x0;
	v23 =	vld [tilespmem:s18+$0xFFFFFF60]  }
0x29: {  	s23 =	simm.s32 $0xB;
	s29 =	simm.s32 $0xA;
	v24 =	vshll.u32 v24, v0;
	v22 =	vbroadcast v22, $0x0;
	v12 =	vld.idx.msk [tilespmem:v12+s9+$0x0], $0xffff  }
0x2a: {  	s20 =	simm.s32 $0xC;
	v16 =	vmov s23;
	s21 =	simm.s32 $0xE;
	v49 =	vmov s29;
	v24 =	vadd.s32 $0x1, v24;
	v25 =	vld [tilespmem:s18+$0xFFFFFF80]  }
0x2b: {  	s30 =	simm.s32 $0xD;
	v17 =	vmov s20;
	v20 =	vmov s21;
	v24 =	vbroadcast v24, $0x0;
	v14 =	vld.idx.msk [tilespmem:v14+s9+$0x0], $0xffff  }
0x2c: {  	v16 =	vshrl.u32 v16, $0x3;
	v54 =	vmov s30;
	v17 =	vshrl.u32 v17, $0x3;
	v46 =	vld [tilespmem:s18+$0xFFFFFFA0]  }
0x2d: {  	v16 =	vshll.u32 v16, v0;
	v47 =	vld [tilespmem:s18+$0xFFFFFFB0];
	v13 =	vmul.f32 v13, v4;
	v4 =	vmul.f32 v15, v4  }
0x2e: {  	v20 =	vshrl.u32 v20, $0x3;
	v16 =	vadd.s32 $0x3, v16;
	v17 =	vshll.u32 v17, v0;
	v18 =	vld.idx.msk [tilespmem:v18+s9+$0x0], $0xffff  }
0x2f: {  	v22 =	vld.idx.msk [tilespmem:v22+s9+$0x0], $0xffff;
	v11 =	vmul.f32 v11, v5;
	v5 =	vmul.f32 v19, v5;
	v4 =	vadd.f32 $0.0e+00, v4  }
0x30: {  	v20 =	vshll.u32 v20, v0;
	v16 =	vbroadcast v16, $0x0;
	v50 =	vld [tilespmem:s18+$0x10];
	v13 =	vadd.f32 $0.0e+00, v13  }
0x31: {  	v17 =	vadd.s32 $0x4, v17;
	v52 =	vld.idx.msk [tilespmem:v24+s9+$0x0], $0xffff;
	v21 =	vmul.f32 v21, v6;
	v4 =	vadd.f32 v5, v4  }
0x32: {  	v53 =	vld [tilespmem:s18+$0x20];
	v15 =	vbroadcast v45, $0x0;
	v6 =	vmul.f32 v10, v6;
	v11 =	vadd.f32 v11, v13  }
0x33: {  	v17 =	vbroadcast v17, $0x0;
	v55 =	vld [tilespmem:s18+$0x70];
	v23 =	vmul.f32 v23, v8;
	v4 =	vadd.f32 v21, v4  }
0x34: {  	v10 =	vld [tilespmem:s18+$0xFFFFFFC0];
	v8 =	vmul.f32 v9, v8;
	v6 =	vadd.f32 v6, v11;
	v21 =	vshrl.u32 v49, $0x3  }
0x35: {  	v9 =	vld [tilespmem:s18+$0x0];
	v25 =	vmul.f32 v25, v12;
	v21 =	vshll.u32 v21, v0;
	v4 =	vadd.f32 v23, v4  }
0x36: {  	v7 =	vmul.f32 v7, v12;
	v11 =	vld [tilespmem:s18+$0xFFFFFFE0];
	v21 =	vadd.s32 $0x2, v21;
	v6 =	vadd.f32 v8, v6  }
0x37: {  	v5 =	vld [tilespmem:s18+$0xFFFFFFF0];
	v13 =	vmul.f32 v46, v14;
	v51 =	vbroadcast v21, $0x0;
	v4 =	vadd.f32 v25, v4  }
0x38: {  	v20 =	vadd.s32 $0x6, v20;
	v15 =	vld.idx.msk [tilespmem:v15+s9+$0x0], $0xffff;
	v6 =	vadd.f32 v7, v6;
	v7 =	vmul.f32 v47, v14  }
0x39: {  	v20 =	vbroadcast v20, $0x0;
	v59 =	vld [tilespmem:s18+$0x40];
	v10 =	vmul.f32 v10, v18;
	v4 =	vadd.f32 v13, v4  }
0x3a: {  	v60 =	vld.idx.msk [tilespmem:v17+s9+$0x0], $0xffff;
	v19 =	vshrl.u32 v54, $0x3;
	v3 =	vmul.f32 v3, v18;
	v6 =	vadd.f32 v7, v6  }
0x3b: {  	v56 =	vshll.u32 v19, v0;
	v8 =	vld [tilespmem:s18+$0x30];
	v11 =	vmul.f32 v11, v22;
	v4 =	vadd.f32 v10, v4  }
0x3c: {  	v61 =	vld [tilespmem:s18+$0x90];
	v57 =	vadd.s32 $0x5, v56;
	v5 =	vmul.f32 v5, v22;
	v3 =	vadd.f32 v3, v6  }
0x3d: {  	s31 =	simm.s32 $0xF;
	v58 =	vbroadcast v57, $0x0;
	v9 =	vmul.f32 v9, v15;
	v6 =	vld.idx.msk [tilespmem:v51+s9+$0x0], $0xffff;
	v4 =	vadd.f32 v11, v4  }
0x3e: {  	v7 =	vld [tilespmem:s18+$0x60];
	v11 =	vmov s31;
	v3 =	vadd.f32 v5, v3;
	v5 =	vmul.f32 v50, v15  }
0x3f: {  	v10 =	vld.idx.msk [tilespmem:v16+s9+$0x0], $0xffff;
	v11 =	vshrl.u32 v11, $0x3;
	v4 =	vadd.f32 v9, v4;
	v9 =	vmul.f32 v53, v52  }
0x40: {  	v62 =	vld [tilespmem:s18+$0x80];
	v8 =	vmul.f32 v8, v52;
	v11 =	vshll.u32 v11, v0;
	v5 =	vadd.f32 v5, v3  }
0x41: {  	v63 =	vld [tilespmem:s18+$0xA0];
	v11 =	vadd.s32 $0x7, v11;
	v4 =	vadd.f32 v9, v4  }
0x42: {  	v3 =	vld.idx.msk [tilespmem:v20+s9+$0x0], $0xffff;
	v9 =	vbroadcast v11, $0x0;
	v8 =	vadd.f32 v8, v5;
	v1 =	vmul.f32 v1, v6  }
0x43: {  	v11 =	vmul.f32 v59, v6;
	v5 =	vld.idx.msk [tilespmem:v58+s9+$0x0], $0xffff  }
0x44: {  	v6 =	vmul.f32 v7, v10;
	v7 =	vmul.f32 v55, v10;
	v10 =	vadd.f32 v1, v8;
	v1 =	vld [tilespmem:s18+$0xC0]  }
0x45: {  	v4 =	vadd.f32 v11, v4;
	v8 =	vld [tilespmem:s18+$0xB0]  }
0x46: {  	v11 =	vmul.f32 v61, v60  }
0x47: {  	v6 =	vadd.f32 v6, v4;
	v7 =	vadd.f32 v7, v10;
	v10 =	vmul.f32 v62, v60  }
0x48: {  	s19 =	simm.s32 $0x14830;
	v2 =	vmul.f32 v2, v3;
	v4 =	vld.idx.msk [tilespmem:v9+s9+$0x0], $0xffff  }
0x49: {  	s22 =	simm.s32 $0x1F20;
	s20 =	simm.s32 $0x1F;
	s21 =	simm.s32 $0x14850;
	v9 =	vadd.f32 v10, v6;
	v7 =	vadd.f32 v11, v7;
	v10 =	vmul.f32 v63, v5;
	v6 =	vld [tilespmem:s18+$0xF0]  }
.LBB2_2:
0x4a: {  	s23 =	sadd.s32 $0xFFFFFFFC, s20;
	s24 =	sadd.s32 $0xFFFFFFFD, s20;
	s25 =	sadd.s32 $0xFFFFFFFF, s20;
	v5 =	vmul.f32 v8, v5;
	v1 =	vmul.f32 v1, v3  }
0x4b: {  	p0 =	sne.s32 s20, $0x4AF;
	v3 =	vmov s23;
	v8 =	vmov s24;
	v11 =	vmov s25;
	v12 =	vld [tilespmem:s18+$0xE0];
	s23 =	smov.u32 s20;
	s20 =	sadd.s32 $0x10, s20  }
0x4c: {  	v9 =	vadd.f32 v10, v9;
	s18 =	smov.u32 s22;
	v3 =	vshrl.u32 v3, $0x3;
	v8 =	vshrl.u32 v8, $0x3  }
0x4d: {  	v10 =	vshrl.u32 v11, $0x3;
	v7 =	vadd.f32 v5, v7;
	v3 =	vshll.u32 v3, v0  }
0x4e: {  	v8 =	vshll.u32 v8, v0;
	v3 =	vadd.s32 $0x3, v3;
	v6 =	vmul.f32 v6, v4  }
0x4f: {  	v1 =	vadd.f32 v1, v9;
	v5 =	vbroadcast v3, $0x0;
	v3 =	vshll.u32 v10, v0  }
0x50: {  	v8 =	vadd.s32 $0x4, v8;
	v3 =	vadd.s32 $0x6, v3;
	v9 =	vmul.f32 v12, v4  }
0x51: {  	v2 =	vadd.f32 v2, v7;
	v4 =	vbroadcast v8, $0x0;
	v3 =	vbroadcast v3, $0x0  }
0x52: {  	v1 =	vadd.f32 v9, v1  }
0x53: {  	v2 =	vadd.f32 v6, v2  }
0x54: {  	[tilespmem:s19+$0xFFFFFFF0] =	vst v1  }
0x55: {  	s24 =	sadd.s32 $0xFFFFFFF1, s23;
	[tilespmem:s19+$0x0] =	vst v2;
	s19 =	smov.u32 s21  }
0x56: {  	v2 =	vmov s24;
	s24 =	sadd.s32 $0xFFFFFFF2, s23;
	v1 =	vld [tilespmem:s22+$0xC0]  }
0x57: {  	v6 =	vshrl.u32 v2, $0x3;
	v7 =	vmov s24;
	v2 =	vld [tilespmem:s22+$0xD0]  }
0x58: {  	s24 =	sadd.s32 $0xFFFFFFF3, s23;
	v8 =	vshll.u32 v6, v0;
	v7 =	vshrl.u32 v7, $0x3;
	v6 =	vld [tilespmem:s22+$0x50]  }
0x59: {  	v9 =	vmov s24;
	v8 =	vbroadcast v8, $0x0;
	v7 =	vshll.u32 v7, v0;
	v10 =	vld [tilespmem:s22+$0xFFFFFFD0]  }
0x5a: {  	s24 =	sadd.s32 $0xFFFFFFF4, s23;
	v9 =	vshrl.u32 v9, $0x3;
	v7 =	vadd.s32 $0x1, v7;
	v11 =	vld [tilespmem:s22+$0xFFFFFF90]  }
0x5b: {  	v12 =	vmov s24;
	v9 =	vshll.u32 v9, v0;
	v7 =	vbroadcast v7, $0x0;
	v13 =	vld [tilespmem:s22+$0xFFFFFF70]  }
0x5c: {  	s24 =	sadd.s32 $0xFFFFFFF5, s23;
	v12 =	vshrl.u32 v12, $0x3;
	v9 =	vadd.s32 $0x2, v9;
	v14 =	vld [tilespmem:s22+$0xFFFFFF50]  }
0x5d: {  	v16 =	vmov s24;
	v12 =	vshll.u32 v12, v0;
	v9 =	vbroadcast v9, $0x0;
	v15 =	vld [tilespmem:s22+$0xFFFFFF30]  }
0x5e: {  	s24 =	sadd.s32 $0xFFFFFFF6, s23;
	v16 =	vshrl.u32 v16, $0x3;
	v12 =	vadd.s32 $0x3, v12;
	v17 =	vld [tilespmem:s22+$0xFFFFFF10]  }
0x5f: {  	v18 =	vmov s24;
	v16 =	vshll.u32 v16, v0;
	v12 =	vbroadcast v12, $0x0;
	v8 =	vld.idx.msk [tilespmem:v8+s9+$0x0], $0xffff  }
0x60: {  	s24 =	sadd.s32 $0xFFFFFFF7, s23;
	v18 =	vshrl.u32 v18, $0x3;
	v16 =	vadd.s32 $0x4, v16;
	v19 =	vld [tilespmem:s22+$0xFFFFFF00]  }
0x61: {  	v20 =	vmov s24;
	v18 =	vshll.u32 v18, v0;
	v16 =	vbroadcast v16, $0x0;
	v7 =	vld.idx.msk [tilespmem:v7+s9+$0x0], $0xffff  }
0x62: {  	v20 =	vshrl.u32 v20, $0x3;
	v18 =	vadd.s32 $0x5, v18;
	v21 =	vld [tilespmem:s22+$0xFFFFFF20]  }
0x63: {  	s24 =	sadd.s32 $0xFFFFFFF8, s23;
	v20 =	vshll.u32 v20, v0;
	v18 =	vbroadcast v18, $0x0;
	v9 =	vld.idx.msk [tilespmem:v9+s9+$0x0], $0xffff  }
0x64: {  	v23 =	vmov s24;
	v20 =	vadd.s32 $0x6, v20;
	v22 =	vld [tilespmem:s22+$0xFFFFFF40]  }
0x65: {  	v19 =	vmul.f32 v19, v8;
	v8 =	vmul.f32 v17, v8;
	v12 =	vld.idx.msk [tilespmem:v12+s9+$0x0], $0xffff;
	v17 =	vshrl.u32 v23, $0x3  }
0x66: {  	s24 =	sadd.s32 $0xFFFFFFF9, s23;
	v20 =	vbroadcast v20, $0x0;
	v23 =	vld [tilespmem:s22+$0xFFFFFF60];
	v17 =	vshll.u32 v17, v0  }
0x67: {  	v24 =	vmov s24;
	v19 =	vadd.f32 $0.0e+00, v19;
	v8 =	vadd.f32 $0.0e+00, v8;
	v16 =	vld.idx.msk [tilespmem:v16+s9+$0x0], $0xffff  }
0x68: {  	v24 =	vshrl.u32 v24, $0x3;
	v15 =	vmul.f32 v15, v7;
	v17 =	vadd.s32 $0x7, v17;
	v25 =	vld [tilespmem:s22+$0xFFFFFF80]  }
0x69: {  	s24 =	sadd.s32 $0xFFFFFFFA, s23;
	v24 =	vshll.u32 v24, v0;
	v17 =	vbroadcast v17, $0x0;
	v22 =	vmul.f32 v22, v9;
	v18 =	vld.idx.msk [tilespmem:v18+s9+$0x0], $0xffff  }
0x6a: {  	v8 =	vadd.f32 v15, v8;
	v9 =	vmul.f32 v14, v9;
	v15 =	vbroadcast v24, $0x0;
	v14 =	vld [tilespmem:s22+$0xFFFFFFA0]  }
0x6b: {  	v7 =	vmul.f32 v21, v7;
	v24 =	vmov s24;
	v21 =	vmul.f32 v23, v12;
	v23 =	vld [tilespmem:s22+$0xFFFFFFB0]  }
0x6c: {  	s24 =	sadd.s32 $0xFFFFFFFB, s23;
	v8 =	vadd.f32 v9, v8;
	v9 =	vmul.f32 v13, v12;
	v13 =	vshrl.u32 v24, $0x3;
	v12 =	vld.idx.msk [tilespmem:v20+s9+$0x0], $0xffff  }
0x6d: {  	v7 =	vadd.f32 v7, v19;
	v13 =	vshll.u32 v13, v0;
	v19 =	vmul.f32 v25, v16;
	v20 =	vld [tilespmem:s22+$0xFFFFFFC0]  }
0x6e: {  	v8 =	vadd.f32 v9, v8;
	v9 =	vmul.f32 v11, v16;
	v13 =	vadd.s32 $0x1, v13;
	v11 =	vld [tilespmem:s22+$0xFFFFFFF0]  }
0x6f: {  	v7 =	vadd.f32 v22, v7;
	v13 =	vbroadcast v13, $0x0;
	v14 =	vmul.f32 v14, v18;
	v16 =	vld.idx.msk [tilespmem:v17+s9+$0x0], $0xffff  }
0x70: {  	v8 =	vadd.f32 v9, v8;
	v9 =	vmul.f32 v23, v18;
	v17 =	vld [tilespmem:s22+$0xFFFFFFE0];
	v18 =	vmov s24  }
0x71: {  	v7 =	vadd.f32 v21, v7;
	v15 =	vld.idx.msk [tilespmem:v15+s9+$0x0], $0xffff;
	v18 =	vshrl.u32 v18, $0x3  }
0x72: {  	v8 =	vadd.f32 v9, v8;
	v9 =	vmul.f32 v20, v12;
	v20 =	vld [tilespmem:s22+$0x0];
	v18 =	vshll.u32 v18, v0  }
0x73: {  	v7 =	vadd.f32 v19, v7;
	v10 =	vmul.f32 v10, v12;
	v12 =	vld [tilespmem:s22+$0x10];
	v18 =	vadd.s32 $0x2, v18  }
0x74: {  	v19 =	vld [tilespmem:s22+$0x30];
	v18 =	vbroadcast v18, $0x0  }
0x75: {  	s24 =	sadd.s32 $0xFFFFFFFE, s23;
	v7 =	vadd.f32 v14, v7;
	v11 =	vmul.f32 v11, v16;
	v14 =	vmul.f32 v17, v16;
	v13 =	vld.idx.msk [tilespmem:v13+s9+$0x0], $0xffff  }
0x76: {  	v8 =	vadd.f32 v10, v8;
	v16 =	vmov s24;
	v10 =	vld [tilespmem:s22+$0x20]  }
0x77: {  	v7 =	vadd.f32 v9, v7;
	v16 =	vshrl.u32 v16, $0x3;
	v9 =	vmul.f32 v20, v15;
	v17 =	vld [tilespmem:s22+$0x70]  }
0x78: {  	v8 =	vadd.f32 v11, v8;
	v11 =	vmul.f32 v12, v15;
	v12 =	vld [tilespmem:s22+$0x60];
	v15 =	vshll.u32 v16, v0  }
0x79: {  	v7 =	vadd.f32 v14, v7;
	v14 =	vld.idx.msk [tilespmem:v5+s9+$0x0], $0xffff;
	v5 =	vadd.s32 $0x5, v15  }
0x7a: {  	v16 =	vmov s23;
	v15 =	vld.idx.msk [tilespmem:v18+s9+$0x0], $0xffff;
	v5 =	vbroadcast v5, $0x0  }
0x7b: {  	v7 =	vadd.f32 v9, v7;
	v9 =	vmul.f32 v10, v13;
	v10 =	vmul.f32 v19, v13;
	v13 =	vld [tilespmem:s22+$0x40]  }
0x7c: {  	v16 =	vshrl.u32 v16, $0x3;
	v4 =	vld.idx.msk [tilespmem:v4+s9+$0x0], $0xffff  }
0x7d: {  	v16 =	vshll.u32 v16, v0;
	v7 =	vadd.f32 v9, v7;
	v9 =	vld [tilespmem:s22+$0x90]  }
0x7e: {  	v8 =	vadd.f32 v11, v8;
	v16 =	vadd.s32 $0x7, v16;
	v11 =	vld [tilespmem:s22+$0x80]  }
0x7f: {  	v16 =	vbroadcast v16, $0x0;
	v12 =	vmul.f32 v12, v14;
	v3 =	vld.idx.msk [tilespmem:v3+s9+$0x0], $0xffff  }
0x80: {  	v8 =	vadd.f32 v10, v8;
	v6 =	vmul.f32 v6, v15;
	v10 =	vmul.f32 v13, v15;
	v5 =	vld.idx.msk [tilespmem:v5+s9+$0x0], $0xffff  }
0x81: {  	v13 =	vmul.f32 v17, v14;
	v14 =	vld [tilespmem:s22+$0xA0]  }
.Ltmp0:
0x82: {  	v6 =	vadd.f32 v6, v8;
	v7 =	vadd.f32 v10, v7;
	v10 =	vmul.f32 v9, v4;
	v8 =	vld [tilespmem:s22+$0xB0];
	(pc) =	sbr.rel @p0 .LBB2_2-.Ltmp0, $4  }
0x83: {  	_ = 	snop  }
0x84: {  	v6 =	vadd.f32 v13, v6;
	v9 =	vmul.f32 v11, v4;
	v7 =	vadd.f32 v12, v7  }
0x85: {  	v2 =	vmul.f32 v2, v3;
	v4 =	vld.idx.msk [tilespmem:v16+s9+$0x0], $0xffff  }
0x86: {  	s21 =	sadd.s32 $0x20, s21;
	s22 =	sadd.s32 $0x200, s22;
	v9 =	vadd.f32 v9, v7;
	v7 =	vadd.f32 v10, v6;
	v10 =	vmul.f32 v14, v5;
	v6 =	vld [tilespmem:s18+$0xF0]  }
0x87: {  	v11 =	vld [tilespmem:s18+$0xE0];
	_ =	sdelay $0x1  }
0x88: {  	v5 =	vmul.f32 v8, v5  }
0x89: {  	v1 =	vmul.f32 v1, v3;
	v3 =	vadd.f32 v10, v9  }
0x8a: {  	v5 =	vadd.f32 v5, v7  }
0x8b: {  	v1 =	vadd.f32 v1, v3;
	v3 =	vmul.f32 v11, v4  }
0x8c: {  	v2 =	vadd.f32 v2, v5;
	v4 =	vmul.f32 v6, v4  }
0x8d: {  	v1 =	vadd.f32 v3, v1  }
0x8e: {  	v2 =	vadd.f32 v4, v2  }
0x8f: {  	[tilespmem:s19+$0xFFFFFFF0] =	vst v1  }
0x90: {  	[tilespmem:s19+$0x0] =	vst v2  }
0x91: {  	_ =	swait.ge [sflag:s14], $0x9600  }
0x92: {  	s20 =	simm.s32 $0x4B4;
	s21 =	simm.s32 $0x4B5;
	[sflag:s14] =	ssyncset.done $0x0  }
0x93: {  	s28 =	simm.s32 $0x4B0;
	s18 =	simm.s32 $0xB320;
	v10 =	vmov s20;
	v12 =	vmov s21;
	[sflag:s14] =	ssyncadd.s32 $0xFFFF6A00  }
0x94: {  	v10 =	vshrl.u32 v10, $0x3;
	v12 =	vshrl.u32 v12, $0x3;
	[tilespmem:s11], [sflag:$0x1] =	stream.indirect.gather [hbm4b:s3+s28], $0x20, s15, s28, $0xb8;
	[tilespmem:$0x16440] =	vst v63  }
0x95: {  	v10 =	vshll.u32 v10, v0;
	v12 =	vshll.u32 v12, v0;
	v4 =	vld [tilespmem:s18+$0xFFFFFFB0]  }
0x96: {  	s31 =	simm.s32 $0x4B3;
	v10 =	vadd.s32 $0x4, v10;
	v12 =	vadd.s32 $0x5, v12;
	v5 =	vld [tilespmem:s18+$0xFFFFFF90]  }
0x97: {  	s29 =	simm.s32 $0x4B1;
	v6 =	vmov s31;
	v10 =	vbroadcast v10, $0x0;
	v1 =	vmov s28;
	v7 =	vld [tilespmem:s18+$0xFFFFFF70]  }
0x98: {  	v12 =	vbroadcast v12, $0x0;
	v2 =	vmov s29;
	v1 =	vshrl.u32 v1, $0x3;
	v8 =	vld [tilespmem:s18+$0xFFFFFF50]  }
0x99: {  	s30 =	simm.s32 $0x4B2;
	v6 =	vshrl.u32 v6, $0x3;
	v2 =	vshrl.u32 v2, $0x3;
	v1 =	vshll.u32 v1, v0;
	v9 =	vld [tilespmem:s18+$0xFFFFFF30]  }
0x9a: {  	v3 =	vmov s30;
	v2 =	vshll.u32 v2, v0;
	v1 =	vbroadcast v1, $0x0;
	v11 =	vld [tilespmem:s18+$0xFFFFFF10]  }
0x9b: {  	v6 =	vshll.u32 v6, v0;
	v3 =	vshrl.u32 v3, $0x3;
	v2 =	vadd.s32 $0x1, v2;
	v13 =	vld [tilespmem:s18+$0xFFFFFF00]  }
0x9c: {  	v6 =	vadd.s32 $0x3, v6;
	v3 =	vshll.u32 v3, v0;
	v2 =	vbroadcast v2, $0x0;
	v15 =	vld [tilespmem:s18+$0xFFFFFF20]  }
0x9d: {  	v6 =	vbroadcast v6, $0x0;
	v3 =	vadd.s32 $0x2, v3;
	v16 =	vld [tilespmem:s18+$0xFFFFFF40]  }
0x9e: {  	s22 =	simm.s32 $0x4B6;
	v3 =	vbroadcast v3, $0x0;
	v10 =	vld.idx.msk [tilespmem:v10+s9+$0x0], $0xffff  }
0x9f: {  	s23 =	simm.s32 $0x4B7;
	v14 =	vmov s22;
	v21 =	vld [tilespmem:s18+$0xFFFFFF80]  }
0xa0: {  	s24 =	simm.s32 $0x4BE;
	v17 =	vmov s23;
	v14 =	vshrl.u32 v14, $0x3;
	v1 =	vld.idx.msk [tilespmem:v1+s9+$0x0], $0xffff  }
0xa1: {  	s25 =	simm.s32 $0x4B8;
	v18 =	vmov s24;
	v17 =	vshrl.u32 v17, $0x3;
	v14 =	vshll.u32 v14, v0;
	v12 =	vld.idx.msk [tilespmem:v12+s9+$0x0], $0xffff  }
0xa2: {  	s26 =	simm.s32 $0x4B9;
	v20 =	vmov s25;
	v17 =	vshll.u32 v17, v0;
	v14 =	vadd.s32 $0x6, v14;
	v2 =	vld.idx.msk [tilespmem:v2+s9+$0x0], $0xffff  }
0xa3: {  	v51 =	vmov s26;
	v17 =	vadd.s32 $0x7, v17;
	v14 =	vbroadcast v14, $0x0;
	v6 =	vld.idx.msk [tilespmem:v6+s9+$0x0], $0xffff  }
0xa4: {  	v18 =	vshrl.u32 v18, $0x3;
	v20 =	vshrl.u32 v20, $0x3;
	v17 =	vbroadcast v17, $0x0;
	s30 =	simm.s32 $0x4BC;
	v3 =	vld.idx.msk [tilespmem:v3+s9+$0x0], $0xffff  }
0xa5: {  	v59 =	vmov s30;
	s28 =	simm.s32 $0x4BA;
	v19 =	vld [tilespmem:s18+$0xFFFFFF60];
	v5 =	vmul.f32 v5, v10;
	v11 =	vmul.f32 v11, v1  }
0xa6: {  	v54 =	vmov s28;
	v10 =	vmul.f32 v21, v10;
	v1 =	vmul.f32 v13, v1  }
0xa7: {  	v4 =	vmul.f32 v4, v12;
	v9 =	vmul.f32 v9, v2;
	v11 =	vadd.f32 $0.0e+00, v11  }
0xa8: {  	v50 =	vld [tilespmem:s18+$0xFFFFFFA0];
	v21 =	vshrl.u32 v59, $0x3;
	v2 =	vmul.f32 v15, v2;
	v1 =	vadd.f32 $0.0e+00, v1  }
0xa9: {  	v14 =	vld.idx.msk [tilespmem:v14+s9+$0x0], $0xffff;
	v7 =	vmul.f32 v7, v6;
	v8 =	vmul.f32 v8, v3;
	v9 =	vadd.f32 v9, v11  }
0xaa: {  	v53 =	vld [tilespmem:s18+$0xFFFFFFC0];
	v6 =	vmul.f32 v19, v6;
	v3 =	vmul.f32 v16, v3;
	v1 =	vadd.f32 v2, v1  }
0xab: {  	v17 =	vld.idx.msk [tilespmem:v17+s9+$0x0], $0xffff;
	v13 =	vshll.u32 v20, v0;
	v20 =	vshrl.u32 v51, $0x3;
	v8 =	vadd.f32 v8, v9  }
0xac: {  	v13 =	vbroadcast v13, $0x0;
	v52 =	vshll.u32 v20, v0;
	v9 =	vld [tilespmem:s18+$0xFFFFFFD0];
	v1 =	vadd.f32 v3, v1  }
0xad: {  	v55 =	vld [tilespmem:s18+$0xFFFFFFE0];
	v15 =	vadd.s32 $0x1, v52;
	v11 =	vshll.u32 v18, v0;
	v7 =	vadd.f32 v7, v8  }
0xae: {  	v56 =	vld [tilespmem:s18+$0x10];
	v15 =	vbroadcast v15, $0x0;
	v11 =	vadd.s32 $0x6, v11;
	v1 =	vadd.f32 v6, v1  }
0xaf: {  	v16 =	vshrl.u32 v54, $0x3;
	v11 =	vbroadcast v11, $0x0;
	v8 =	vld [tilespmem:s18+$0xFFFFFFF0];
	v2 =	vadd.f32 v5, v7  }
0xb0: {  	v57 =	vld [tilespmem:s18+$0x30];
	v3 =	vmul.f32 v53, v14;
	v7 =	vmul.f32 v50, v12;
	v10 =	vadd.f32 v10, v1  }
0xb1: {  	s29 =	simm.s32 $0x4BD;
	v60 =	vld [tilespmem:s18+$0x50];
	v12 =	vshll.u32 v16, v0;
	v9 =	vmul.f32 v9, v14;
	v4 =	vadd.f32 v4, v2  }
0xb2: {  	s20 =	simm.s32 $0x4BB;
	v5 =	vld.idx.msk [tilespmem:v13+s9+$0x0], $0xffff;
	v2 =	vadd.s32 $0x2, v12;
	v12 =	vmov s29;
	v7 =	vadd.f32 v7, v10  }
0xb3: {  	v13 =	vld [tilespmem:s18+$0x0];
	v58 =	vbroadcast v2, $0x0;
	v2 =	vmov s20;
	v6 =	vshrl.u32 v12, $0x3  }
0xb4: {  	v14 =	vld.idx.msk [tilespmem:v15+s9+$0x0], $0xffff;
	v8 =	vmul.f32 v8, v17;
	v15 =	vshrl.u32 v2, $0x3;
	v6 =	vshll.u32 v6, v0  }
0xb5: {  	v1 =	vld.idx.msk [tilespmem:v11+s9+$0x0], $0xffff;
	v4 =	vadd.f32 v9, v4;
	v7 =	vadd.f32 v3, v7;
	v15 =	vshll.u32 v15, v0  }
0xb6: {  	v12 =	vld [tilespmem:s18+$0x20];
	v6 =	vadd.s32 $0x5, v6;
	v11 =	vadd.s32 $0x3, v15;
	v15 =	vshll.u32 v21, v0  }
0xb7: {  	v61 =	vld [tilespmem:s18+$0x40];
	v10 =	vbroadcast v11, $0x0;
	v11 =	vadd.s32 $0x4, v15;
	v15 =	vmul.f32 v55, v17  }
0xb8: {  	v2 =	vld [tilespmem:s18+$0xB0];
	v16 =	vmul.f32 v56, v5;
	v4 =	vadd.f32 v8, v4;
	v8 =	vbroadcast v6, $0x0  }
0xb9: {  	s31 =	simm.s32 $0x4BF;
	v3 =	vld [tilespmem:s18+$0x70];
	v5 =	vmul.f32 v13, v5;
	v11 =	vbroadcast v11, $0x0;
	v7 =	vadd.f32 v15, v7  }
0xba: {  	v62 =	vmov s31;
	v13 =	vmul.f32 v57, v14;
	v9 =	vld.idx.msk [tilespmem:v58+s9+$0x0], $0xffff  }
0xbb: {  	v6 =	vld [tilespmem:s18+$0x60];
	v12 =	vmul.f32 v12, v14;
	v14 =	vshrl.u32 v62, $0x3;
	v5 =	vadd.f32 v5, v7  }
0xbc: {  	v15 =	vadd.f32 v16, v4;
	v4 =	vld [tilespmem:s18+$0x90];
	v14 =	vshll.u32 v14, v0  }
0xbd: {  	v10 =	vld.idx.msk [tilespmem:v10+s9+$0x0], $0xffff;
	v63 =	vadd.f32 v12, v5;
	v12 =	vadd.s32 $0x7, v14  }
0xbe: {  	v5 =	vld.idx.msk [tilespmem:v8+s9+$0x0], $0xffff;
	v12 =	vbroadcast v12, $0x0  }
0xbf: {  	v13 =	vadd.f32 v13, v15;
	v7 =	vld.idx.msk [tilespmem:v11+s9+$0x0], $0xffff;
	v15 =	vmul.f32 v61, v9;
	v9 =	vmul.f32 v60, v9  }
0xc0: {  	s24 =	simm.s32 $0x4C0;
	v11 =	vld [tilespmem:s18+$0x80]  }
0xc1: {  	s21 =	simm.s32 $0xB520;
	s19 =	simm.s32 $0x15190;
	s20 =	simm.s32 $0x15190;
	v8 =	vadd.f32 v9, v13;
	v13 =	vadd.f32 v15, v63;
	v9 =	vld [tilespmem:s18+$0xA0]  }
.LBB2_4:
0xc2: {  	s25 =	sadd.s32 $0xE, s24  }
0xc3: {  	v6 =	vmul.f32 v6, v10;
	v3 =	vmul.f32 v3, v10;
	v10 =	vld [tilespmem:s18+$0xC0];
	s20 =	sadd.s32 $0x20, s20;
	s23 =	smov.u32 s24;
	s22 =	sadd.s32 $0x10, s24  }
0xc4: {  	p0 =	sne.s32 s24, $0x950;
	v4 =	vmul.f32 v4, v7;
	v14 =	vmov s25;
	v12 =	vld.idx.msk [tilespmem:v12+s9+$0x0], $0xffff  }
0xc5: {  	v6 =	vadd.f32 v6, v13;
	v3 =	vadd.f32 v3, v8;
	v7 =	vmul.f32 v11, v7;
	v8 =	vld [tilespmem:s18+$0xD0]  }
0xc6: {  	v11 =	vshrl.u32 v14, $0x3;
	v13 =	vld [tilespmem:s18+$0xE0]  }
0xc7: {  	v6 =	vadd.f32 v7, v6;
	v3 =	vadd.f32 v4, v3;
	v4 =	vmul.f32 v9, v5;
	v7 =	vld [tilespmem:s18+$0xF0];
	s18 =	smov.u32 s21  }
0xc8: {  	v9 =	vshll.u32 v11, v0;
	v5 =	vmul.f32 v2, v5  }
0xc9: {  	v2 =	vadd.s32 $0x6, v9;
	v4 =	vadd.f32 v4, v6;
	v6 =	vmul.f32 v10, v1  }
0xca: {  	v3 =	vadd.f32 v5, v3;
	v1 =	vmul.f32 v8, v1  }
0xcb: {  	v4 =	vadd.f32 v6, v4;
	v5 =	vmul.f32 v13, v12  }
0xcc: {  	v1 =	vadd.f32 v1, v3;
	v3 =	vmul.f32 v7, v12  }
0xcd: {  	v4 =	vadd.f32 v5, v4  }
0xce: {  	s24 =	sadd.s32 $0x1, s23;
	v5 =	vmov s23;
	v1 =	vadd.f32 v3, v1  }
0xcf: {  	v3 =	vshrl.u32 v5, $0x3;
	v5 =	vmov s24;
	[tilespmem:s19+$0xFFFFFFF0] =	vst v4  }
0xd0: {  	s24 =	sadd.s32 $0x2, s23;
	v3 =	vshll.u32 v3, v0;
	v4 =	vshrl.u32 v5, $0x3;
	[tilespmem:s19+$0x0] =	vst v1;
	s19 =	smov.u32 s20  }
0xd1: {  	v1 =	vbroadcast v3, $0x0;
	v3 =	vshll.u32 v4, v0;
	v4 =	vmov s24;
	v5 =	vld [tilespmem:s21+$0xFFFFFFB0]  }
0xd2: {  	s24 =	sadd.s32 $0x3, s23;
	v3 =	vadd.s32 $0x1, v3;
	v4 =	vshrl.u32 v4, $0x3;
	v6 =	vld [tilespmem:s21+$0xFFFFFF90]  }
0xd3: {  	v7 =	vmov s24;
	v3 =	vbroadcast v3, $0x0;
	v4 =	vshll.u32 v4, v0;
	v8 =	vld [tilespmem:s21+$0xFFFFFF70]  }
0xd4: {  	s24 =	sadd.s32 $0x4, s23;
	v7 =	vshrl.u32 v7, $0x3;
	v4 =	vadd.s32 $0x2, v4;
	v9 =	vld [tilespmem:s21+$0xFFFFFF50]  }
0xd5: {  	v11 =	vmov s24;
	v7 =	vshll.u32 v7, v0;
	v4 =	vbroadcast v4, $0x0;
	v10 =	vld [tilespmem:s21+$0xFFFFFF30]  }
0xd6: {  	s24 =	sadd.s32 $0x5, s23;
	v11 =	vshrl.u32 v11, $0x3;
	v7 =	vadd.s32 $0x3, v7;
	v12 =	vld [tilespmem:s21+$0xFFFFFF10]  }
0xd7: {  	v13 =	vmov s24;
	v11 =	vshll.u32 v11, v0;
	v7 =	vbroadcast v7, $0x0;
	v1 =	vld.idx.msk [tilespmem:v1+s9+$0x0], $0xffff  }
0xd8: {  	s24 =	sadd.s32 $0x6, s23;
	v13 =	vshrl.u32 v13, $0x3;
	v11 =	vadd.s32 $0x4, v11;
	v14 =	vld [tilespmem:s21+$0xFFFFFF00]  }
0xd9: {  	v15 =	vmov s24;
	v13 =	vshll.u32 v13, v0;
	v11 =	vbroadcast v11, $0x0;
	v3 =	vld.idx.msk [tilespmem:v3+s9+$0x0], $0xffff  }
0xda: {  	v15 =	vshrl.u32 v15, $0x3;
	v13 =	vadd.s32 $0x5, v13;
	v16 =	vld [tilespmem:s21+$0xFFFFFF20]  }
0xdb: {  	s24 =	sadd.s32 $0x7, s23;
	v15 =	vshll.u32 v15, v0;
	v13 =	vbroadcast v13, $0x0;
	v4 =	vld.idx.msk [tilespmem:v4+s9+$0x0], $0xffff  }
0xdc: {  	v18 =	vmov s24;
	v15 =	vadd.s32 $0x6, v15;
	v17 =	vld [tilespmem:s21+$0xFFFFFF40]  }
0xdd: {  	v14 =	vmul.f32 v14, v1;
	v1 =	vmul.f32 v12, v1;
	v7 =	vld.idx.msk [tilespmem:v7+s9+$0x0], $0xffff;
	v12 =	vshrl.u32 v18, $0x3  }
0xde: {  	s24 =	sadd.s32 $0x8, s23;
	v15 =	vbroadcast v15, $0x0;
	v18 =	vld [tilespmem:s21+$0xFFFFFF60];
	v12 =	vshll.u32 v12, v0  }
0xdf: {  	v19 =	vmov s24;
	v14 =	vadd.f32 $0.0e+00, v14;
	v1 =	vadd.f32 $0.0e+00, v1;
	v11 =	vld.idx.msk [tilespmem:v11+s9+$0x0], $0xffff  }
0xe0: {  	v19 =	vshrl.u32 v19, $0x3;
	v10 =	vmul.f32 v10, v3;
	v12 =	vadd.s32 $0x7, v12;
	v20 =	vld [tilespmem:s21+$0xFFFFFF80]  }
0xe1: {  	s24 =	sadd.s32 $0x9, s23;
	v19 =	vshll.u32 v19, v0;
	v12 =	vbroadcast v12, $0x0;
	v17 =	vmul.f32 v17, v4;
	v13 =	vld.idx.msk [tilespmem:v13+s9+$0x0], $0xffff  }
0xe2: {  	v1 =	vadd.f32 v10, v1;
	v4 =	vmul.f32 v9, v4;
	v10 =	vmov s24;
	v9 =	vld [tilespmem:s21+$0xFFFFFFA0]  }
0xe3: {  	v19 =	vbroadcast v19, $0x0;
	v10 =	vshrl.u32 v10, $0x3;
	v18 =	vmul.f32 v18, v7;
	v21 =	vld [tilespmem:s21+$0xFFFFFFD0]  }
0xe4: {  	s24 =	sadd.s32 $0xA, s23;
	v1 =	vadd.f32 v4, v1;
	v4 =	vmul.f32 v8, v7;
	v8 =	vshll.u32 v10, v0;
	v7 =	vld.idx.msk [tilespmem:v15+s9+$0x0], $0xffff  }
0xe5: {  	v3 =	vmul.f32 v16, v3;
	v16 =	vmov s24;
	v10 =	vmul.f32 v20, v11;
	v15 =	vld [tilespmem:s21+$0xFFFFFFC0]  }
0xe6: {  	v8 =	vadd.s32 $0x1, v8;
	v1 =	vadd.f32 v4, v1;
	v4 =	vmul.f32 v6, v11;
	v6 =	vld [tilespmem:s21+$0xFFFFFFF0]  }
0xe7: {  	v8 =	vbroadcast v8, $0x0;
	v9 =	vmul.f32 v9, v13;
	v11 =	vld.idx.msk [tilespmem:v12+s9+$0x0], $0xffff;
	v12 =	vshrl.u32 v16, $0x3  }
0xe8: {  	v3 =	vadd.f32 v3, v14;
	v1 =	vadd.f32 v4, v1;
	v4 =	vmul.f32 v5, v13;
	v5 =	vld [tilespmem:s21+$0xFFFFFFE0]  }
0xe9: {  	s25 =	sadd.s32 $0xD, s23;
	v14 =	vbroadcast v2, $0x0;
	s24 =	sadd.s32 $0xB, s23;
	v12 =	vshll.u32 v12, v0;
	v13 =	vld.idx.msk [tilespmem:v19+s9+$0x0], $0xffff  }
0xea: {  	v1 =	vadd.f32 v4, v1;
	v4 =	vmul.f32 v15, v7;
	v2 =	vld [tilespmem:s21+$0x0];
	v15 =	vmov s25  }
0xeb: {  	v12 =	vadd.s32 $0x2, v12;
	v7 =	vmul.f32 v21, v7;
	v16 =	vld [tilespmem:s21+$0x10];
	v15 =	vshrl.u32 v15, $0x3  }
0xec: {  	v3 =	vadd.f32 v17, v3;
	v12 =	vbroadcast v12, $0x0;
	s25 =	sadd.s32 $0xC, s23;
	v17 =	vld [tilespmem:s21+$0x30];
	v15 =	vshll.u32 v15, v0  }
0xed: {  	v6 =	vmul.f32 v6, v11;
	v5 =	vmul.f32 v5, v11;
	v8 =	vld.idx.msk [tilespmem:v8+s9+$0x0], $0xffff;
	v11 =	vmov s24  }
0xee: {  	v3 =	vadd.f32 v18, v3;
	v7 =	vadd.f32 v7, v1;
	v15 =	vadd.s32 $0x5, v15;
	v18 =	vld [tilespmem:s21+$0x20]  }
0xef: {  	v1 =	vshrl.u32 v11, $0x3;
	v11 =	vmov s25;
	v19 =	vmul.f32 v2, v13;
	v2 =	vld [tilespmem:s21+$0xB0]  }
0xf0: {  	v3 =	vadd.f32 v10, v3;
	v10 =	vmul.f32 v16, v13;
	v13 =	vshll.u32 v1, v0;
	v1 =	vld.idx.msk [tilespmem:v14+s9+$0x0], $0xffff  }
0xf1: {  	v6 =	vadd.f32 v6, v7;
	v11 =	vshrl.u32 v11, $0x3;
	v7 =	vld [tilespmem:s21+$0x50];
	v13 =	vadd.s32 $0x3, v13  }
0xf2: {  	v3 =	vadd.f32 v9, v3;
	v11 =	vshll.u32 v11, v0;
	v9 =	vld.idx.msk [tilespmem:v12+s9+$0x0], $0xffff;
	v12 =	vbroadcast v13, $0x0  }
0xf3: {  	v15 =	vbroadcast v15, $0x0;
	v11 =	vadd.s32 $0x4, v11;
	v13 =	vmul.f32 v18, v8;
	v14 =	vld [tilespmem:s21+$0x40]  }
0xf4: {  	s23 =	sadd.s32 $0xF, s23;
	v4 =	vadd.f32 v4, v3;
	v11 =	vbroadcast v11, $0x0;
	v8 =	vmul.f32 v17, v8  }
0xf5: {  	v6 =	vadd.f32 v10, v6;
	v10 =	vmov s23;
	v3 =	vld [tilespmem:s21+$0x70]  }
0xf6: {  	v4 =	vadd.f32 v5, v4;
	v5 =	vshrl.u32 v10, $0x3  }
0xf7: {  	v5 =	vshll.u32 v5, v0;
	v8 =	vadd.f32 v8, v6;
	v6 =	vld [tilespmem:s21+$0x60]  }
0xf8: {  	v16 =	vadd.f32 v19, v4;
	v7 =	vmul.f32 v7, v9;
	v14 =	vmul.f32 v14, v9;
	v4 =	vld [tilespmem:s21+$0x90]  }
0xf9: {  	v5 =	vadd.s32 $0x7, v5;
	v10 =	vld.idx.msk [tilespmem:v12+s9+$0x0], $0xffff  }
.Ltmp1:
0xfa: {  	v9 =	vadd.f32 v13, v16;
	v8 =	vadd.f32 v7, v8;
	v12 =	vbroadcast v5, $0x0;
	v7 =	vld.idx.msk [tilespmem:v11+s9+$0x0], $0xffff;
	(pc) =	sbr.rel @p0 .LBB2_4-.Ltmp1, $4  }
0xfb: {  	_ = 	snop  }
0xfc: {  	v13 =	vadd.f32 v14, v9;
	v11 =	vld [tilespmem:s21+$0x80]  }
0xfd: {  	v5 =	vld.idx.msk [tilespmem:v15+s9+$0x0], $0xffff  }
0xfe: {  	s24 =	smov.u32 s22;
	s21 =	sadd.s32 $0x200, s21;
	v9 =	vld [tilespmem:s18+$0xA0]  }
0xff: {  	_ =	sdelay $0x2  }
0x100: {  	v6 =	vmul.f32 v6, v10;
	v14 =	vld [tilespmem:s18+$0xC0]  }
0x101: {  	v3 =	vmul.f32 v3, v10;
	v10 =	vld.idx.msk [tilespmem:v12+s9+$0x0], $0xffff  }
0x102: {  	v12 =	vld [tilespmem:s18+$0xD0];
	v6 =	vadd.f32 v6, v13;
	v11 =	vmul.f32 v11, v7  }
0x103: {  	v4 =	vmul.f32 v4, v7;
	v3 =	vadd.f32 v3, v8;
	v7 =	vld [tilespmem:s18+$0xE0]  }
0x104: {  	v6 =	vadd.f32 v11, v6;
	v8 =	vmul.f32 v9, v5;
	v9 =	vld [tilespmem:s18+$0xF0]  }
0x105: {  	v2 =	vmul.f32 v2, v5;
	v3 =	vadd.f32 v4, v3  }
0x106: {  	v5 =	vmul.f32 v14, v1;
	v4 =	vadd.f32 v8, v6  }
0x107: {  	v1 =	vmul.f32 v12, v1;
	v2 =	vadd.f32 v2, v3  }
0x108: {  	v3 =	vadd.f32 v5, v4;
	v4 =	vmul.f32 v7, v10  }
0x109: {  	v1 =	vadd.f32 v1, v2;
	v2 =	vmul.f32 v9, v10  }
0x10a: {  	v3 =	vadd.f32 v4, v3  }
0x10b: {  	v1 =	vadd.f32 v2, v1  }
0x10c: {  	[tilespmem:s19+$0xFFFFFFF0] =	vst v3  }
0x10d: {  	[tilespmem:s19+$0x0] =	vst v1  }
0x10e: {  	s31 =	simm.s32 $0x963;
	s21 =	simm.s32 $0x965;
	_ =	swait.ge [sflag:s12], $0x9600  }
0x10f: {  	v12 =	vmov s21;
	v6 =	vmov s31;
	[sflag:s12] =	ssyncset.done $0x0  }
0x110: {  	s18 =	simm.s32 $0x1D20;
	v12 =	vshrl.u32 v12, $0x3;
	v6 =	vshrl.u32 v6, $0x3;
	[sflag:s12] =	ssyncadd.s32 $0xFFFF6A00  }
0x111: {  	v12 =	vshll.u32 v12, v0;
	v6 =	vshll.u32 v6, v0;
	v4 =	vld [tilespmem:s18+$0xFFFFFFB0]  }
0x112: {  	s28 =	simm.s32 $0x960;
	s20 =	simm.s32 $0x964;
	v12 =	vadd.s32 $0x5, v12;
	v6 =	vadd.s32 $0x3, v6;
	v5 =	vld [tilespmem:s18+$0xFFFFFF90]  }
0x113: {  	s29 =	simm.s32 $0x961;
	v10 =	vmov s20;
	v6 =	vbroadcast v6, $0x0;
	v1 =	vmov s28;
	v7 =	vld [tilespmem:s18+$0xFFFFFF70]  }
0x114: {  	v12 =	vbroadcast v12, $0x0;
	v2 =	vmov s29;
	v1 =	vshrl.u32 v1, $0x3;
	v8 =	vld [tilespmem:s18+$0xFFFFFF50]  }
0x115: {  	s30 =	simm.s32 $0x962;
	v10 =	vshrl.u32 v10, $0x3;
	v2 =	vshrl.u32 v2, $0x3;
	v1 =	vshll.u32 v1, v0;
	v9 =	vld [tilespmem:s18+$0xFFFFFF30]  }
0x116: {  	v3 =	vmov s30;
	v2 =	vshll.u32 v2, v0;
	v1 =	vbroadcast v1, $0x0;
	v11 =	vld [tilespmem:s18+$0xFFFFFF10]  }
0x117: {  	v10 =	vshll.u32 v10, v0;
	v3 =	vshrl.u32 v3, $0x3;
	v2 =	vadd.s32 $0x1, v2;
	v13 =	vld [tilespmem:s18+$0xFFFFFF00]  }
0x118: {  	v10 =	vadd.s32 $0x4, v10;
	v3 =	vshll.u32 v3, v0;
	v2 =	vbroadcast v2, $0x0;
	v15 =	vld [tilespmem:s18+$0xFFFFFF20]  }
0x119: {  	v10 =	vbroadcast v10, $0x0;
	v3 =	vadd.s32 $0x2, v3;
	v6 =	vld.idx.msk [tilespmem:v6+s9+$0x0], $0xffff  }
0x11a: {  	s22 =	simm.s32 $0x966;
	v3 =	vbroadcast v3, $0x0;
	v19 =	vld [tilespmem:s18+$0xFFFFFF60]  }
0x11b: {  	s23 =	simm.s32 $0x967;
	v14 =	vmov s22;
	v21 =	vld [tilespmem:s18+$0xFFFFFF80]  }
0x11c: {  	s24 =	simm.s32 $0x96E;
	v17 =	vmov s23;
	v14 =	vshrl.u32 v14, $0x3;
	v1 =	vld.idx.msk [tilespmem:v1+s9+$0x0], $0xffff  }
0x11d: {  	s25 =	simm.s32 $0x968;
	v18 =	vmov s24;
	v17 =	vshrl.u32 v17, $0x3;
	v14 =	vshll.u32 v14, v0;
	v12 =	vld.idx.msk [tilespmem:v12+s9+$0x0], $0xffff  }
0x11e: {  	s26 =	simm.s32 $0x969;
	v20 =	vmov s25;
	v17 =	vshll.u32 v17, v0;
	v14 =	vadd.s32 $0x6, v14;
	v2 =	vld.idx.msk [tilespmem:v2+s9+$0x0], $0xffff  }
0x11f: {  	v51 =	vmov s26;
	v17 =	vadd.s32 $0x7, v17;
	v14 =	vbroadcast v14, $0x0;
	v10 =	vld.idx.msk [tilespmem:v10+s9+$0x0], $0xffff  }
0x120: {  	v18 =	vshrl.u32 v18, $0x3;
	v20 =	vshrl.u32 v20, $0x3;
	v17 =	vbroadcast v17, $0x0;
	s30 =	simm.s32 $0x96C;
	v3 =	vld.idx.msk [tilespmem:v3+s9+$0x0], $0xffff  }
0x121: {  	s28 =	simm.s32 $0x96A;
	v59 =	vmov s30;
	v16 =	vld [tilespmem:s18+$0xFFFFFF40];
	v7 =	vmul.f32 v7, v6;
	v11 =	vmul.f32 v11, v1  }
0x122: {  	v54 =	vmov s28;
	v6 =	vmul.f32 v19, v6;
	v1 =	vmul.f32 v13, v1  }
0x123: {  	v4 =	vmul.f32 v4, v12;
	v9 =	vmul.f32 v9, v2;
	v11 =	vadd.f32 $0.0e+00, v11  }
0x124: {  	v50 =	vld [tilespmem:s18+$0xFFFFFFA0];
	v5 =	vmul.f32 v5, v10;
	v2 =	vmul.f32 v15, v2;
	v1 =	vadd.f32 $0.0e+00, v1  }
0x125: {  	v14 =	vld.idx.msk [tilespmem:v14+s9+$0x0], $0xffff;
	v10 =	vmul.f32 v21, v10;
	v8 =	vmul.f32 v8, v3;
	v9 =	vadd.f32 v9, v11  }
0x126: {  	v53 =	vld [tilespmem:s18+$0xFFFFFFC0];
	v21 =	vshrl.u32 v59, $0x3;
	v3 =	vmul.f32 v16, v3;
	v1 =	vadd.f32 v2, v1  }
0x127: {  	v17 =	vld.idx.msk [tilespmem:v17+s9+$0x0], $0xffff;
	v13 =	vshll.u32 v20, v0;
	v20 =	vshrl.u32 v51, $0x3;
	v8 =	vadd.f32 v8, v9  }
0x128: {  	v13 =	vbroadcast v13, $0x0;
	v52 =	vshll.u32 v20, v0;
	v9 =	vld [tilespmem:s18+$0xFFFFFFD0];
	v1 =	vadd.f32 v3, v1  }
0x129: {  	v55 =	vld [tilespmem:s18+$0xFFFFFFE0];
	v15 =	vadd.s32 $0x1, v52;
	v11 =	vshll.u32 v18, v0;
	v7 =	vadd.f32 v7, v8  }
0x12a: {  	v56 =	vld [tilespmem:s18+$0x10];
	v15 =	vbroadcast v15, $0x0;
	v11 =	vadd.s32 $0x6, v11;
	v1 =	vadd.f32 v6, v1  }
0x12b: {  	v16 =	vshrl.u32 v54, $0x3;
	v11 =	vbroadcast v11, $0x0;
	v8 =	vld [tilespmem:s18+$0xFFFFFFF0];
	v2 =	vadd.f32 v5, v7  }
0x12c: {  	v57 =	vld [tilespmem:s18+$0x30];
	v3 =	vmul.f32 v53, v14;
	v7 =	vmul.f32 v50, v12;
	v10 =	vadd.f32 v10, v1  }
0x12d: {  	s29 =	simm.s32 $0x96D;
	v60 =	vld [tilespmem:s18+$0x50];
	v12 =	vshll.u32 v16, v0;
	v9 =	vmul.f32 v9, v14;
	v4 =	vadd.f32 v4, v2  }
0x12e: {  	s20 =	simm.s32 $0x96B;
	v5 =	vld.idx.msk [tilespmem:v13+s9+$0x0], $0xffff;
	v2 =	vadd.s32 $0x2, v12;
	v12 =	vmov s29;
	v7 =	vadd.f32 v7, v10  }
0x12f: {  	v13 =	vld [tilespmem:s18+$0x0];
	v58 =	vbroadcast v2, $0x0;
	v2 =	vmov s20;
	v6 =	vshrl.u32 v12, $0x3  }
0x130: {  	v14 =	vld.idx.msk [tilespmem:v15+s9+$0x0], $0xffff;
	v8 =	vmul.f32 v8, v17;
	v15 =	vshrl.u32 v2, $0x3;
	v6 =	vshll.u32 v6, v0  }
0x131: {  	v1 =	vld.idx.msk [tilespmem:v11+s9+$0x0], $0xffff;
	v4 =	vadd.f32 v9, v4;
	v7 =	vadd.f32 v3, v7;
	v15 =	vshll.u32 v15, v0  }
0x132: {  	v12 =	vld [tilespmem:s18+$0x20];
	v6 =	vadd.s32 $0x5, v6;
	v11 =	vadd.s32 $0x3, v15;
	v15 =	vshll.u32 v21, v0  }
0x133: {  	v61 =	vld [tilespmem:s18+$0x40];
	v10 =	vbroadcast v11, $0x0;
	v11 =	vadd.s32 $0x4, v15;
	v15 =	vmul.f32 v55, v17  }
0x134: {  	v2 =	vld [tilespmem:s18+$0xB0];
	v16 =	vmul.f32 v56, v5;
	v4 =	vadd.f32 v8, v4;
	v8 =	vbroadcast v6, $0x0  }
0x135: {  	s31 =	simm.s32 $0x96F;
	v3 =	vld [tilespmem:s18+$0x70];
	v5 =	vmul.f32 v13, v5;
	v11 =	vbroadcast v11, $0x0;
	v7 =	vadd.f32 v15, v7  }
0x136: {  	v62 =	vmov s31;
	v13 =	vmul.f32 v57, v14;
	v9 =	vld.idx.msk [tilespmem:v58+s9+$0x0], $0xffff  }
0x137: {  	v6 =	vld [tilespmem:s18+$0x60];
	v12 =	vmul.f32 v12, v14;
	v14 =	vshrl.u32 v62, $0x3;
	v5 =	vadd.f32 v5, v7  }
0x138: {  	v15 =	vadd.f32 v16, v4;
	v4 =	vld [tilespmem:s18+$0x90];
	v14 =	vshll.u32 v14, v0  }
0x139: {  	v10 =	vld.idx.msk [tilespmem:v10+s9+$0x0], $0xffff;
	v63 =	vadd.f32 v12, v5;
	v12 =	vadd.s32 $0x7, v14  }
0x13a: {  	v5 =	vld.idx.msk [tilespmem:v8+s9+$0x0], $0xffff;
	v12 =	vbroadcast v12, $0x0  }
0x13b: {  	v13 =	vadd.f32 v13, v15;
	v7 =	vld.idx.msk [tilespmem:v11+s9+$0x0], $0xffff;
	v15 =	vmul.f32 v61, v9;
	v9 =	vmul.f32 v60, v9  }
0x13c: {  	s24 =	simm.s32 $0x970;
	v11 =	vld [tilespmem:s18+$0x80]  }
0x13d: {  	s21 =	simm.s32 $0x1F20;
	s19 =	simm.s32 $0x15AF0;
	s20 =	simm.s32 $0x15AF0;
	v8 =	vadd.f32 v9, v13;
	v13 =	vadd.f32 v15, v63;
	v9 =	vld [tilespmem:s18+$0xA0]  }
.LBB2_6:
0x13e: {  	s25 =	sadd.s32 $0xE, s24  }
0x13f: {  	v6 =	vmul.f32 v6, v10;
	v3 =	vmul.f32 v3, v10;
	v10 =	vld [tilespmem:s18+$0xC0];
	s20 =	sadd.s32 $0x20, s20;
	s23 =	smov.u32 s24;
	s22 =	sadd.s32 $0x10, s24  }
0x140: {  	p0 =	sne.s32 s24, $0xE00;
	v4 =	vmul.f32 v4, v7;
	v14 =	vmov s25;
	v12 =	vld.idx.msk [tilespmem:v12+s9+$0x0], $0xffff  }
0x141: {  	v6 =	vadd.f32 v6, v13;
	v3 =	vadd.f32 v3, v8;
	v7 =	vmul.f32 v11, v7;
	v8 =	vld [tilespmem:s18+$0xD0]  }
0x142: {  	v11 =	vshrl.u32 v14, $0x3;
	v13 =	vld [tilespmem:s18+$0xE0]  }
0x143: {  	v6 =	vadd.f32 v7, v6;
	v3 =	vadd.f32 v4, v3;
	v4 =	vmul.f32 v9, v5;
	v7 =	vld [tilespmem:s18+$0xF0];
	s18 =	smov.u32 s21  }
0x144: {  	v9 =	vshll.u32 v11, v0;
	v5 =	vmul.f32 v2, v5  }
0x145: {  	v2 =	vadd.s32 $0x6, v9;
	v4 =	vadd.f32 v4, v6;
	v6 =	vmul.f32 v10, v1  }
0x146: {  	v3 =	vadd.f32 v5, v3;
	v1 =	vmul.f32 v8, v1  }
0x147: {  	v4 =	vadd.f32 v6, v4;
	v5 =	vmul.f32 v13, v12  }
0x148: {  	v1 =	vadd.f32 v1, v3;
	v3 =	vmul.f32 v7, v12  }
0x149: {  	v4 =	vadd.f32 v5, v4  }
0x14a: {  	s24 =	sadd.s32 $0x1, s23;
	v5 =	vmov s23;
	v1 =	vadd.f32 v3, v1  }
0x14b: {  	v3 =	vshrl.u32 v5, $0x3;
	v5 =	vmov s24;
	[tilespmem:s19+$0xFFFFFFF0] =	vst v4  }
0x14c: {  	s24 =	sadd.s32 $0x2, s23;
	v3 =	vshll.u32 v3, v0;
	v4 =	vshrl.u32 v5, $0x3;
	[tilespmem:s19+$0x0] =	vst v1;
	s19 =	smov.u32 s20  }
0x14d: {  	v1 =	vbroadcast v3, $0x0;
	v3 =	vshll.u32 v4, v0;
	v4 =	vmov s24;
	v5 =	vld [tilespmem:s21+$0xFFFFFFB0]  }
0x14e: {  	s24 =	sadd.s32 $0x3, s23;
	v3 =	vadd.s32 $0x1, v3;
	v4 =	vshrl.u32 v4, $0x3;
	v6 =	vld [tilespmem:s21+$0xFFFFFF90]  }
0x14f: {  	v7 =	vmov s24;
	v3 =	vbroadcast v3, $0x0;
	v4 =	vshll.u32 v4, v0;
	v8 =	vld [tilespmem:s21+$0xFFFFFF70]  }
0x150: {  	s24 =	sadd.s32 $0x4, s23;
	v7 =	vshrl.u32 v7, $0x3;
	v4 =	vadd.s32 $0x2, v4;
	v9 =	vld [tilespmem:s21+$0xFFFFFF50]  }
0x151: {  	v11 =	vmov s24;
	v7 =	vshll.u32 v7, v0;
	v4 =	vbroadcast v4, $0x0;
	v10 =	vld [tilespmem:s21+$0xFFFFFF30]  }
0x152: {  	s24 =	sadd.s32 $0x5, s23;
	v11 =	vshrl.u32 v11, $0x3;
	v7 =	vadd.s32 $0x3, v7;
	v12 =	vld [tilespmem:s21+$0xFFFFFF10]  }
0x153: {  	v13 =	vmov s24;
	v11 =	vshll.u32 v11, v0;
	v7 =	vbroadcast v7, $0x0;
	v1 =	vld.idx.msk [tilespmem:v1+s9+$0x0], $0xffff  }
0x154: {  	s24 =	sadd.s32 $0x6, s23;
	v13 =	vshrl.u32 v13, $0x3;
	v11 =	vadd.s32 $0x4, v11;
	v14 =	vld [tilespmem:s21+$0xFFFFFF00]  }
0x155: {  	v15 =	vmov s24;
	v13 =	vshll.u32 v13, v0;
	v11 =	vbroadcast v11, $0x0;
	v3 =	vld.idx.msk [tilespmem:v3+s9+$0x0], $0xffff  }
0x156: {  	v15 =	vshrl.u32 v15, $0x3;
	v13 =	vadd.s32 $0x5, v13;
	v16 =	vld [tilespmem:s21+$0xFFFFFF20]  }
0x157: {  	s24 =	sadd.s32 $0x7, s23;
	v15 =	vshll.u32 v15, v0;
	v13 =	vbroadcast v13, $0x0;
	v4 =	vld.idx.msk [tilespmem:v4+s9+$0x0], $0xffff  }
0x158: {  	v18 =	vmov s24;
	v15 =	vadd.s32 $0x6, v15;
	v17 =	vld [tilespmem:s21+$0xFFFFFF40]  }
0x159: {  	v14 =	vmul.f32 v14, v1;
	v1 =	vmul.f32 v12, v1;
	v7 =	vld.idx.msk [tilespmem:v7+s9+$0x0], $0xffff;
	v12 =	vshrl.u32 v18, $0x3  }
0x15a: {  	s24 =	sadd.s32 $0x8, s23;
	v15 =	vbroadcast v15, $0x0;
	v18 =	vld [tilespmem:s21+$0xFFFFFF60];
	v12 =	vshll.u32 v12, v0  }
0x15b: {  	v19 =	vmov s24;
	v14 =	vadd.f32 $0.0e+00, v14;
	v1 =	vadd.f32 $0.0e+00, v1;
	v11 =	vld.idx.msk [tilespmem:v11+s9+$0x0], $0xffff  }
0x15c: {  	v19 =	vshrl.u32 v19, $0x3;
	v10 =	vmul.f32 v10, v3;
	v12 =	vadd.s32 $0x7, v12;
	v20 =	vld [tilespmem:s21+$0xFFFFFF80]  }
0x15d: {  	s24 =	sadd.s32 $0x9, s23;
	v19 =	vshll.u32 v19, v0;
	v12 =	vbroadcast v12, $0x0;
	v17 =	vmul.f32 v17, v4;
	v13 =	vld.idx.msk [tilespmem:v13+s9+$0x0], $0xffff  }
0x15e: {  	v1 =	vadd.f32 v10, v1;
	v4 =	vmul.f32 v9, v4;
	v10 =	vmov s24;
	v9 =	vld [tilespmem:s21+$0xFFFFFFA0]  }
0x15f: {  	v19 =	vbroadcast v19, $0x0;
	v10 =	vshrl.u32 v10, $0x3;
	v18 =	vmul.f32 v18, v7;
	v21 =	vld [tilespmem:s21+$0xFFFFFFD0]  }
0x160: {  	s24 =	sadd.s32 $0xA, s23;
	v1 =	vadd.f32 v4, v1;
	v4 =	vmul.f32 v8, v7;
	v8 =	vshll.u32 v10, v0;
	v7 =	vld.idx.msk [tilespmem:v15+s9+$0x0], $0xffff  }
0x161: {  	v3 =	vmul.f32 v16, v3;
	v16 =	vmov s24;
	v10 =	vmul.f32 v20, v11;
	v15 =	vld [tilespmem:s21+$0xFFFFFFC0]  }
0x162: {  	v8 =	vadd.s32 $0x1, v8;
	v1 =	vadd.f32 v4, v1;
	v4 =	vmul.f32 v6, v11;
	v6 =	vld [tilespmem:s21+$0xFFFFFFF0]  }
0x163: {  	v8 =	vbroadcast v8, $0x0;
	v9 =	vmul.f32 v9, v13;
	v11 =	vld.idx.msk [tilespmem:v12+s9+$0x0], $0xffff;
	v12 =	vshrl.u32 v16, $0x3  }
0x164: {  	v3 =	vadd.f32 v3, v14;
	v1 =	vadd.f32 v4, v1;
	v4 =	vmul.f32 v5, v13;
	v5 =	vld [tilespmem:s21+$0xFFFFFFE0]  }
0x165: {  	s25 =	sadd.s32 $0xD, s23;
	v14 =	vbroadcast v2, $0x0;
	s24 =	sadd.s32 $0xB, s23;
	v12 =	vshll.u32 v12, v0;
	v13 =	vld.idx.msk [tilespmem:v19+s9+$0x0], $0xffff  }
0x166: {  	v1 =	vadd.f32 v4, v1;
	v4 =	vmul.f32 v15, v7;
	v2 =	vld [tilespmem:s21+$0x0];
	v15 =	vmov s25  }
0x167: {  	v12 =	vadd.s32 $0x2, v12;
	v7 =	vmul.f32 v21, v7;
	v16 =	vld [tilespmem:s21+$0x10];
	v15 =	vshrl.u32 v15, $0x3  }
0x168: {  	v3 =	vadd.f32 v17, v3;
	v12 =	vbroadcast v12, $0x0;
	s25 =	sadd.s32 $0xC, s23;
	v17 =	vld [tilespmem:s21+$0x30];
	v15 =	vshll.u32 v15, v0  }
0x169: {  	v6 =	vmul.f32 v6, v11;
	v5 =	vmul.f32 v5, v11;
	v8 =	vld.idx.msk [tilespmem:v8+s9+$0x0], $0xffff;
	v11 =	vmov s24  }
0x16a: {  	v3 =	vadd.f32 v18, v3;
	v7 =	vadd.f32 v7, v1;
	v15 =	vadd.s32 $0x5, v15;
	v18 =	vld [tilespmem:s21+$0x20]  }
0x16b: {  	v1 =	vshrl.u32 v11, $0x3;
	v11 =	vmov s25;
	v19 =	vmul.f32 v2, v13;
	v2 =	vld [tilespmem:s21+$0xB0]  }
0x16c: {  	v3 =	vadd.f32 v10, v3;
	v10 =	vmul.f32 v16, v13;
	v13 =	vshll.u32 v1, v0;
	v1 =	vld.idx.msk [tilespmem:v14+s9+$0x0], $0xffff  }
0x16d: {  	v6 =	vadd.f32 v6, v7;
	v11 =	vshrl.u32 v11, $0x3;
	v7 =	vld [tilespmem:s21+$0x50];
	v13 =	vadd.s32 $0x3, v13  }
0x16e: {  	v3 =	vadd.f32 v9, v3;
	v11 =	vshll.u32 v11, v0;
	v9 =	vld.idx.msk [tilespmem:v12+s9+$0x0], $0xffff;
	v12 =	vbroadcast v13, $0x0  }
0x16f: {  	v15 =	vbroadcast v15, $0x0;
	v11 =	vadd.s32 $0x4, v11;
	v13 =	vmul.f32 v18, v8;
	v14 =	vld [tilespmem:s21+$0x40]  }
0x170: {  	s23 =	sadd.s32 $0xF, s23;
	v4 =	vadd.f32 v4, v3;
	v11 =	vbroadcast v11, $0x0;
	v8 =	vmul.f32 v17, v8  }
0x171: {  	v6 =	vadd.f32 v10, v6;
	v10 =	vmov s23;
	v3 =	vld [tilespmem:s21+$0x70]  }
0x172: {  	v4 =	vadd.f32 v5, v4;
	v5 =	vshrl.u32 v10, $0x3  }
0x173: {  	v5 =	vshll.u32 v5, v0;
	v8 =	vadd.f32 v8, v6;
	v6 =	vld [tilespmem:s21+$0x60]  }
0x174: {  	v16 =	vadd.f32 v19, v4;
	v7 =	vmul.f32 v7, v9;
	v14 =	vmul.f32 v14, v9;
	v4 =	vld [tilespmem:s21+$0x90]  }
0x175: {  	v5 =	vadd.s32 $0x7, v5;
	v10 =	vld.idx.msk [tilespmem:v12+s9+$0x0], $0xffff  }
.Ltmp2:
0x176: {  	v9 =	vadd.f32 v13, v16;
	v8 =	vadd.f32 v7, v8;
	v12 =	vbroadcast v5, $0x0;
	v7 =	vld.idx.msk [tilespmem:v11+s9+$0x0], $0xffff;
	(pc) =	sbr.rel @p0 .LBB2_6-.Ltmp2, $4  }
0x177: {  	_ = 	snop  }
0x178: {  	v13 =	vadd.f32 v14, v9;
	v11 =	vld [tilespmem:s21+$0x80]  }
0x179: {  	v5 =	vld.idx.msk [tilespmem:v15+s9+$0x0], $0xffff  }
0x17a: {  	s24 =	smov.u32 s22;
	s21 =	sadd.s32 $0x200, s21;
	v9 =	vld [tilespmem:s18+$0xA0]  }
0x17b: {  	_ =	sdelay $0x2  }
0x17c: {  	v6 =	vmul.f32 v6, v10;
	v14 =	vld [tilespmem:s18+$0xC0]  }
0x17d: {  	v3 =	vmul.f32 v3, v10;
	v56 =	vld.idx.msk [tilespmem:v12+s9+$0x0], $0xffff  }
0x17e: {  	v57 =	vld [tilespmem:s18+$0xD0];
	v6 =	vadd.f32 v6, v13;
	v11 =	vmul.f32 v11, v7  }
0x17f: {  	v4 =	vmul.f32 v4, v7;
	v58 =	vld [tilespmem:s18+$0xE0];
	v3 =	vadd.f32 v3, v8  }
0x180: {  	v60 =	vld [tilespmem:s18+$0xF0];
	v6 =	vadd.f32 v11, v6;
	v59 =	vmul.f32 v9, v5  }
0x181: {  	v2 =	vmul.f32 v2, v5;
	v3 =	vadd.f32 v4, v3  }
0x182: {  	v62 =	vmul.f32 v14, v1;
	v61 =	vadd.f32 v59, v6  }
0x183: {  	v1 =	vmul.f32 v57, v1;
	v2 =	vadd.f32 v2, v3  }
0x184: {  	v63 =	vmul.f32 v58, v56;
	v3 =	vadd.f32 v62, v61  }
0x185: {  	v1 =	vadd.f32 v1, v2;
	v2 =	vmul.f32 v60, v56  }
0x186: {  	v3 =	vadd.f32 v63, v3  }
0x187: {  	s17 =	sadd.s32 $0x1, s17;
	v1 =	vadd.f32 v2, v1  }
0x188: {  	p0 =	sne.s32 s17, s7;
	[tilespmem:s19+$0xFFFFFFF0] =	vst v3  }
.Ltmp3:
0x189: {  	[tilespmem:s19+$0x0] =	vst v1;
	(pc) =	sbr.rel @p0 .LBB2_1-.Ltmp3, $4  }
0x18a: {  	[hbm4b:s6+s2] =	stream.linear.scatter [tilespmem:s16], [sflag:$0x3], $0x1C20, $0x38;
	[tilespmem:$0x16440] =	vst v63  }
0x18b: {  	_ =	swait.ge [sflag:s8], $0x1C20  }
0x18c: {  	[sflag:s8] =	ssyncset.done $0x0  }
0x18d: {  	[sflag:s8] =	ssyncadd.s32 $0xFFFFE3E0  }
0x18e: {  	_ =	sfence.sel $0x180000  }
0x18f: {  	[bflag:$0x0] =	sbarrier.arrive $0xFFFF  }
0x190: {  	p0 =	sne.s32 s0, $0x0;
	_ =	strace $0x9000004A  }
0x191: {  	s0 =	sadd.s32 @!p0 $0x100000, s1;
	[bflag:$0x2] =	sbarrier.arrive $0xFFFF  }
0x192: {  	[sflag:s0] =	ssyncadd.tile.s32 @!p0 $0x1;
	_ =	shalt  }
.Lfunc_end2:
_tile_overlayer_lowered:
.L_overlay_start_2:
0x193: {  	(tag) =	ssettag $0x2  }
0x194: {  	s0 =	rddreg [dreg:$0x0];
	s2 =	stileid.u32  }
0x195: {  	s1 =	rddreg [dreg:$0x1];
	p0 =	sne.s32 s2, $0x0  }
0x196: {  	s3 =	rddreg [dreg:$0x2];
	[bflag:$0x3] =	sbarrier.arrive $0xFFFF;
	s2 =	simm.s32 @!p0 $0x1C03  }
0x197: {  	[timem:s3], [sflag:s2] =	dma.local @!p0 [hbm:s0], s1  }
0x198: {  	s0 =	simm.s32 @!p0 $0x3  }
0x199: {  	_ =	swait.ge @!p0 [sflag:s0], s1  }
0x19a: {  	s1 =	ssub.s32 @!p0 $0x0, s1;
	[sflag:s0] =	ssyncset.done @!p0 $0x0  }
0x19b: {  	[sflag:s0] =	ssyncadd.s32 @!p0 s1  }
0x19c: {  	[bflag:$0x3] =	sbarrier.arrive $0xFFFF  }
0x19d: {  	_ =	shalt  }

// kernel: sparse-core-data-format-call.cloned.1.call-start
scs
called_computation_lowered:
.L_overlay_start_0:
0x0: {  	s1 =	sld [smem:$0x3FD9]  }
0x1: {  	s2 =	sld [smem:$0x3FFE];
	_ =	sdelay $0x1  }
0x2: {  	s3 =	srdreg.scid  }
0x3: {  	s0 =	sand.u32 $0x1, s3  }
0x4: {  	s17 =	sshll.u32 s0, $0xA;
	s1 =	sadd.s32 s2, s1  }
0x5: {  	s1 =	sadd.s32 s1, s17  }
0x6: {  	[smem:$0x3FAA] =	sst s1  }
0x7: {  	_ = 	snop  }
0x8: {  	(tm) =	ssettm $0x1  }
0x9: {  	s18 =	sld [smem:$0x3FFB];
	_ =	sdelay $0x3  }
0xa: {  	_ =	strace s18  }
0xb: {  	s1 =	sld [smem:$0x3FFC];
	_ =	sdelay $0x3  }
0xc: {  	_ =	strace s1  }
0xd: {  	s1 =	sld [smem:$0x3FFD];
	_ =	sdelay $0x3  }
0xe: {  	_ =	strace s1  }
0xf: {  	_ =	strace $0x8FFFFFFF  }
0x10: {  	s19 =	sld [smem:$0x3FDB];
	_ =	sdelay $0x1  }
0x11: {  	s20 =	simm.s32 $_scs_section_size  }
0x12: {  	s4 =	simm.s32 $_size__tile_overlayer_lowered;
	s5 =	simm.s32 $_tile_overlayer_lowered  }
0x13: {  	s23 =	simm.s32 $0x1BFF;
	s22 =	sshll.u32 s5, $0x1;
	s1 =	sadd.s32 s20, s19  }
0x14: {  	s6 =	simm.s32 $0x0;
	s21 =	sshll.u32 s4, $0x1;
	s4 =	sadd.s32 s22, s1  }
0x15: {  	[timem:s6], [sflag:s23] =	dma.local [hbm:s4], s21  }
0x16: {  	_ =	swait.ge [sflag:s23], s21  }
0x17: {  	s2 =	ssub.s32 $0x0, s21;
	[sflag:s23] =	ssyncset.done $0x0  }
0x18: {  	[sflag:s23] =	ssyncadd.s32 s2;
	_ =	sdelay $0x1  }
0x19: {  	s24 =	simm.s32 $0x1B8B  }
0x1a: {  	_ =	swait.ge [sflag:s24], $0x1  }
0x1b: {  	[sflag:s24] =	ssyncset.done $0x0  }
0x1c: {  	s26 =	simm.s32 $0x1B8E;
	s25 =	sld [smem:$0x3FFE];
	[sflag:s24] =	ssyncadd.s32 $0xFFFFFFFF  }
0x1d: {  	s27 =	simm.s32 $execute0_lowered;
	[smem:$0x3FD2] =	sst s26  }
0x1e: {  	s4 =	sshll.u32 s27, $0x1;
	_ =	strace $0x80000046;
	[dreg:$0x1] =	wrdreg $0xFFFFFFFF  }
0x1f: {  	s28 =	simm.s32 $_size_execute0_lowered;
	s1 =	sadd.s32 s1, s4;
	[dreg:$0x0] =	wrdreg $0x0  }
0x20: {  	s4 =	sshll.u32 s28, $0x1;
	[dreg:$0x2] =	wrdreg s1  }
0x21: {  	[dreg:$0x3] =	wrdreg s4  }
0x22: {  	[dreg:$0x4] =	wrdreg $0xC0  }
0x23: {  	_ =	task [dreg:s6], $0x5FFFF  }
0x24: {  	[dreg:$0x1] =	wrdreg $0xFFFFFFFF  }
0x25: {  	[dreg:$0x0] =	wrdreg $0x60  }
0x26: {  	[dreg:$0x2] =	wrdreg s25  }
0x27: {  	[dreg:$0x3] =	wrdreg $0x9  }
0x28: {  	_ =	task.clear_ibuf [dreg:s6], $0x4FFFF;
	_ =	strace $0x90000046  }
0x29: {  	s29 =	simm.s32 $0x9;
	_ =	strace $0x80000048  }
0x2a: {  	_ =	swait.ge [sflag:s29], $0x1  }
0x2b: {  	[sflag:s29] =	ssyncadd.s32 $0xFFFFFFFF  }
0x2c: {  	_ =	strace $0x90000048  }
0x2d: {  	_ =	sfence  }
0x2e: {  	s30 =	sld [smem:$0x0];
	_ =	sdelay $0x2  }
0x2f: {  	s31 =	sshll.u32 s3, $0xD;
	s3 =	sshrl.u32 s3, $0x2  }
0x30: {  	s2 =	sand.u32 $0x4000, s31;
	s1 =	sadd.s32 s3, s30  }
0x31: {  	s0 =	sor.u32 s2, s0;
	s1 =	sshll.u32 s1, $0x11  }
0x32: {  	s0 =	sor.u32 s1, s0  }
0x33: {  	s0 =	sadd.s32 $0x8F2B, s0  }
0x34: {  	[sflag:s0] =	ssyncadd.remote.s32 $0x1  }
0x35: {  	_ =	sfence.sel $0xFFFF  }
0x36: {  	[dreg:$0x0] =	wrdreg $0xFFFFFFFF;
	(pc) =	sbr.abs _section_cstart, $3  }
0x37: {  	[dreg:$0x1] =	wrdreg $0xFFFFFFFF  }
0x38: {  	_ =	task.clear_ibuf [dreg:s6], $0x2FFFF;
	_ =	strace $0x9FFFFFFF  }
0x39: {  	(tm) =	ssettm $0x7FFFFFFF  }
tec
execute0_lowered:
.L_overlay_start_1:
0x0: {  	(tag) =	ssettag $0x1  }
0x1: {  	s0 =	srdreg.scid  }
0x2: {  	s1 =	sshll.u32 s0, $0x4  }
0x3: {  	s4 =	rddreg [dreg:$0x0];
	s0 =	stileid.u32;
	s1 =	sand.u32 $0x10, s1  }
0x4: {  	s7 =	simm.s32 $0x1;
	s8 =	simm.s32 $0x2;
	s1 =	sor.u32 s0, s1  }
0x5: {  	s9 =	simm.s32 $0x0;
	s12 =	simm.s32 $0x0;
	s2 =	sshll.u32 s1, $0x3  }
0x6: {  	s11 =	simm.s32 $0x0;
	s3 =	sadd.s32 $0x4800, s4;
	s6 =	ssub.s32 $0x1388, s2  }
.Ltmp0:
0x7: {  	s4 =	sadd.s32 $0x13D000, s4;
	s5 =	sand.u32 $0xF8, s6;
	(pc) =	sbr.rel .LBB1_1-.Ltmp0, $4  }
0x8: {  	s1 =	rddreg [dreg:$0x1];
	_ =	strace $0x80000047;
	p0 =	sne.s32 s5, $0x0  }
0x9: {  	s6 =	sshrl.u32 s6, $0x8;
	s5 =	simm.s32 $0x1;
	s7 =	simm.s32 @!p0 $0x0  }
0xa: {  	s10 =	smov.u32 s2;
	[sflag:s5] =	ssyncpa.u1 $0x0;
	s6 =	sadd.s32 s7, s6  }
0xb: {  	[sflag:s8] =	ssyncpa.u1 $0x0;
	s8 =	simm.s32 $0x0;
	s7 =	sadd.s32 $0x1, s6  }
.LBB1_9:
0xc: {  	s14 =	sadd.s32 $0x100, s10  }
0xd: {  	p1 =	sgt.s32 s14, $0x1387  }
0xe: {  	s14 =	smov.u32 @p1 s2;
	p1 =	sne.s32 s11, s7  }
.Ltmp1:
0xf: {  	p0 =	slt.u32 s11, $0x2;
	(pc) =	sbr.rel @!p1 .LBB1_10-.Ltmp1, $4  }
0x10: {  	s13 =	simm.s32 @!p0 $0x2  }
0x11: {  	s15 =	sadd.s32 $0x1, s11;
	_ =	swait.ge @!p0 [sflag:s13], $0x4000  }
0x12: {  	s12 =	smov.u32 s10;
	s9 =	sadd.s32 $0x4000, s9;
	[sflag:s13] =	ssyncset.done @!p0 $0x0  }
0x13: {  	s11 =	smov.u32 s15;
	s10 =	smov.u32 s14;
	[sflag:s13] =	ssyncadd.s32 @!p0 $0xFFFFC000  }
.LBB1_1:
0x14: {  	p0 =	sge.u32 s11, s6  }
0x15: {  	s13 =	sxor.u32 @!p0 $0xFFFFFFFF, s11  }
0x16: {  	s31 =	sadd.s32 $0xFFFFFFFF, s11;
	s14 =	sshll.u32 @!p0 s10, $0x8;
	s13 =	sshll.u32 @!p0 s13, $0xE  }
0x17: {  	s15 =	simm.s32 @!p0 $0x0;
	s14 =	sadd.s32 @!p0 s3, s14;
	s13 =	sand.u32 @!p0 $0x4000, s13  }
0x18: {  	[tilespmem:s13], [sflag:$0x1] =	stream.linear.gather @!p0 [hbm4b:s14+s15], $0x4000, $0x38;
	[tilespmem:$0x10000] =	vst v63  }
0x19: {  	p0 =	sge.u32 s31, s6  }
.Ltmp2:
0x1a: {  	_ = 	snop;
	(pc) =	sbr.rel @p0 .LBB1_9-.Ltmp2, $1  }
0x1b: {  	_ =	sdelay $0x3  }
0x1c: {  	s13 =	sshll.u32 s9, $0x2;
	_ =	swait.ge [sflag:s5], $0x4000;
	s14 =	sshll.u32 s11, $0xE  }
0x1d: {  	s16 =	simm.s32 $0x0;
	s17 =	simm.s32 $0x0;
	s15 =	sand.u32 $0x10000, s13  }
0x1e: {  	[sflag:s5] =	ssyncset.done $0x0;
	s31 =	sand.u32 $0x4000, s14;
	s14 =	sshrl.u32 s15, $0x2  }
0x1f: {  	[sflag:s5] =	ssyncadd.s32 $0xFFFFC000;
	s13 =	sor.u32 $0x8000, s31;
	s15 =	sor.u32 $0x8000, s14  }
.LBB1_3:
0x20: {  	s18 =	sshra.s32 s16, $0x2  }
0x21: {  	v0 =	vmov s18;
	_ =	sdelay $0x3  }
0x22: {  	p1 =	por $0x1, $0x1;
	s18 =	simm.s32 $0x0  }
.LBB1_4:
0x23: {  	_ = 	snop  }
0x24: {  	s19 =	sshll.u32 s18, $0xA  }
0x25: {  	s19 =	sand.u32 $0x3FFFFC00, s19  }
0x26: {  	s19 =	sadd.s32 s19, s14  }
0x27: {  	v5 =	vld.idx.msk [tilespmem:v0+s19+$0x70 ss:$0x1], $0xffff  }
0x28: {  	v6 =	vld.idx.msk [tilespmem:v0+s19+$0x10 ss:$0x1], $0xffff  }
0x29: {  	v7 =	vld.idx.msk [tilespmem:v0+s19+$0x20 ss:$0x1], $0xffff  }
0x2a: {  	s31 =	sshll.u32 s18, $0x7;
	v1 =	vld.idx.msk [tilespmem:v0+s19+$0x30 ss:$0x1], $0xffff  }
0x2b: {  	s18 =	sand.u32 $0x3FFFFF80, s31;
	v2 =	vld.idx.msk [tilespmem:v0+s19+$0x40 ss:$0x1], $0xffff  }
0x2c: {  	s18 =	sadd.s32 s18, s15;
	v3 =	vld.idx.msk [tilespmem:v0+s19+$0x50 ss:$0x1], $0xffff  }
0x2d: {  	v4 =	vld.idx.msk [tilespmem:v0+s19+$0x60 ss:$0x1], $0xffff;
	[tilespmem:v0+s18+$0x70 ss:$0x1] =	vst.idx.msk $0xffff, v5  }
0x2e: {  	v5 =	vld.idx.msk [tilespmem:v0+s19+$0x0 ss:$0x1], $0xffff;
	[tilespmem:v0+s18+$0x10 ss:$0x1] =	vst.idx.msk $0xffff, v6;
	s19 =	sadd.s32 $0x80, s19  }
0x2f: {  	p0 =	por p1, p1;
	s20 =	simm.s32 $0x6;
	[tilespmem:v0+s18+$0x20 ss:$0x1] =	vst.idx.msk $0xffff, v7;
	v6 =	vld.idx.msk [tilespmem:v0+s19+$0x70 ss:$0x1], $0xffff  }
.LBB1_5:
0x30: {  	p1 =	sne.s32 s20, $0x1;
	v7 =	vld.idx.msk [tilespmem:v0+s19+$0x10 ss:$0x1], $0xffff;
	[tilespmem:v0+s18+$0x30 ss:$0x1] =	vst.idx.msk $0xffff, v1  }
0x31: {  	v8 =	vld.idx.msk [tilespmem:v0+s19+$0x20 ss:$0x1], $0xffff;
	[tilespmem:v0+s18+$0x40 ss:$0x1] =	vst.idx.msk $0xffff, v2  }
0x32: {  	v1 =	vld.idx.msk [tilespmem:v0+s19+$0x30 ss:$0x1], $0xffff;
	[tilespmem:v0+s18+$0x50 ss:$0x1] =	vst.idx.msk $0xffff, v3  }
.Ltmp3:
0x33: {  	v2 =	vld.idx.msk [tilespmem:v0+s19+$0x40 ss:$0x1], $0xffff;
	[tilespmem:v0+s18+$0x60 ss:$0x1] =	vst.idx.msk $0xffff, v4;
	(pc) =	sbr.rel @p1 .LBB1_5-.Ltmp3, $4  }
0x34: {  	v3 =	vld.idx.msk [tilespmem:v0+s19+$0x50 ss:$0x1], $0xffff;
	[tilespmem:v0+s18+$0x0 ss:$0x1] =	vst.idx.msk $0xffff, v5;
	s18 =	sadd.s32 $0x100, s18  }
0x35: {  	v4 =	vld.idx.msk [tilespmem:v0+s19+$0x60 ss:$0x1], $0xffff;
	[tilespmem:v0+s18+$0x70 ss:$0x1] =	vst.idx.msk $0xffff, v6  }
0x36: {  	v5 =	vld.idx.msk [tilespmem:v0+s19+$0x0 ss:$0x1], $0xffff;
	[tilespmem:v0+s18+$0x10 ss:$0x1] =	vst.idx.msk $0xffff, v7;
	s19 =	sadd.s32 $0x80, s19  }
0x37: {  	s20 =	sadd.s32 $0xFFFFFFFF, s20;
	v6 =	vld.idx.msk [tilespmem:v0+s19+$0x70 ss:$0x1], $0xffff;
	[tilespmem:v0+s18+$0x20 ss:$0x1] =	vst.idx.msk $0xffff, v8  }
0x38: {  	_ =	sdelay $0x3  }
0x39: {  	[tilespmem:v0+s18+$0x30 ss:$0x1] =	vst.idx.msk $0xffff, v1  }
0x3a: {  	v1 =	vld.idx.msk [tilespmem:v0+s19+$0x10 ss:$0x1], $0xffff;
	[tilespmem:v0+s18+$0x40 ss:$0x1] =	vst.idx.msk $0xffff, v2  }
0x3b: {  	v2 =	vld.idx.msk [tilespmem:v0+s19+$0x20 ss:$0x1], $0xffff;
	[tilespmem:v0+s18+$0x50 ss:$0x1] =	vst.idx.msk $0xffff, v3  }
0x3c: {  	v61 =	vld.idx.msk [tilespmem:v0+s19+$0x40 ss:$0x1], $0xffff;
	[tilespmem:v0+s18+$0x60 ss:$0x1] =	vst.idx.msk $0xffff, v4  }
0x3d: {  	s31 =	sadd.s32 $0x100, s18;
	v62 =	vld.idx.msk [tilespmem:v0+s19+$0x50 ss:$0x1], $0xffff;
	[tilespmem:v0+s18+$0x0 ss:$0x1] =	vst.idx.msk $0xffff, v5  }
0x3e: {  	v63 =	vld.idx.msk [tilespmem:v0+s19+$0x60 ss:$0x1], $0xffff;
	[tilespmem:v0+s31+$0x70 ss:$0x1] =	vst.idx.msk $0xffff, v6  }
0x3f: {  	v3 =	vld.idx.msk [tilespmem:v0+s19+$0x30 ss:$0x1], $0xffff;
	[tilespmem:v0+s31+$0x10 ss:$0x1] =	vst.idx.msk $0xffff, v1  }
0x40: {  	v1 =	vld.idx.msk [tilespmem:v0+s19+$0x0 ss:$0x1], $0xffff;
	[tilespmem:v0+s31+$0x20 ss:$0x1] =	vst.idx.msk $0xffff, v2  }
.Ltmp4:
0x41: {  	[tilespmem:v0+s31+$0x40 ss:$0x1] =	vst.idx.msk $0xffff, v61;
	(pc) =	sbr.rel @p0 .LBB1_4-.Ltmp4, $4  }
0x42: {  	[tilespmem:v0+s31+$0x50 ss:$0x1] =	vst.idx.msk $0xffff, v62  }
0x43: {  	[tilespmem:v0+s31+$0x60 ss:$0x1] =	vst.idx.msk $0xffff, v63  }
0x44: {  	[tilespmem:v0+s31+$0x30 ss:$0x1] =	vst.idx.msk $0xffff, v3  }
0x45: {  	p1 =	por $0x0, $0x0;
	s18 =	simm.s32 $0x1;
	[tilespmem:v0+s31+$0x0 ss:$0x1] =	vst.idx.msk $0xffff, v1  }
0x46: {  	s17 =	sadd.s32 $0x1, s17  }
0x47: {  	p0 =	sne.s32 s17, $0x8  }
.Ltmp5:
0x48: {  	_ = 	snop;
	(pc) =	sbr.rel @p0 .LBB1_3-.Ltmp5, $2  }
0x49: {  	_ =	sdelay $0x2  }
0x4a: {  	s16 =	sadd.s32 $0x2000, s16  }
.Ltmp6:
0x4b: {  	(pc) =	sbr.rel .LBB1_9-.Ltmp6, $4  }
0x4c: {  	_ = 	snop  }
0x4d: {  	s12 =	sshll.u32 s12, $0x8  }
0x4e: {  	s12 =	sadd.s32 s4, s12  }
0x4f: {  	[hbm4b:s12+s8] =	stream.linear.scatter [tilespmem:s13], [sflag:$0x2], $0x4000, $0x38;
	[tilespmem:$0x10000] =	vst v63  }
.LBB1_10:
0x50: {  	_ =	sfence.sel $0x180000  }
0x51: {  	s2 =	simm.s32 $0x1;
	[bflag:$0x0] =	sbarrier.arrive $0xFFFF  }
0x52: {  	s31 =	simm.s32 $0x2;
	[sflag:s2] =	ssyncpa.u1 $0x1  }
0x53: {  	[sflag:s31] =	ssyncpa.u1 $0x1  }
0x54: {  	p0 =	sne.s32 s0, $0x0;
	_ =	strace $0x90000047  }
0x55: {  	s0 =	sadd.s32 @!p0 $0x100000, s1;
	[bflag:$0x2] =	sbarrier.arrive $0xFFFF  }
0x56: {  	[sflag:s0] =	ssyncadd.tile.s32 @!p0 $0x1;
	_ =	shalt  }
.Lfunc_end1:
_tile_overlayer_lowered:
.L_overlay_start_2:
0x57: {  	(tag) =	ssettag $0x2  }
0x58: {  	s0 =	rddreg [dreg:$0x0];
	s2 =	stileid.u32  }
0x59: {  	s1 =	rddreg [dreg:$0x1];
	p0 =	sne.s32 s2, $0x0  }
0x5a: {  	s3 =	rddreg [dreg:$0x2];
	[bflag:$0x3] =	sbarrier.arrive $0xFFFF;
	s2 =	simm.s32 @!p0 $0x1C01  }
0x5b: {  	[timem:s3], [sflag:s2] =	dma.local @!p0 [hbm:s0], s1  }
0x5c: {  	s0 =	simm.s32 @!p0 $0x1  }
0x5d: {  	_ =	swait.ge @!p0 [sflag:s0], s1  }
0x5e: {  	s1 =	ssub.s32 @!p0 $0x0, s1;
	[sflag:s0] =	ssyncset.done @!p0 $0x0  }
0x5f: {  	[sflag:s0] =	ssyncadd.s32 @!p0 s1  }
0x60: {  	[bflag:$0x3] =	sbarrier.arrive $0xFFFF  }
0x61: {  	_ =	shalt  }

</sc_bundles>
